<compile_context>
chip_gen: v7x
topology: tpu7x:2x2x1
jax: 0.10.2.dev20260603
libtpu: 0.0.44.dev20260713+nightly
codegen_flags: <defaults>
</compile_context>

<pallas_src>
import functools

import jax
import jax.numpy as jnp
from jax import lax
from jax.experimental import pallas as pl
from jax.experimental.pallas import tpu as pltpu
from jax.experimental.pallas import tpu_sc as plsc

_B, _N, _C = 8, 115200, 3
_ROWS = _C * _B
_COLS = _N
_NC, _NS = 2, 16
_NW = _NC * _NS
_CW = 768
_NCHUNK = _COLS // _CW
_K_MAX = (_NCHUNK + _NW - 1) // _NW

_mesh = plsc.VectorSubcoreMesh(core_axis_name="c", subcore_axis_name="s")


@functools.partial(
    pl.kernel,
    mesh=_mesh,
    out_type=jax.ShapeDtypeStruct((_ROWS, _COLS), jnp.float32),
    scratch_types=[
        pltpu.VMEM((8, _CW), jnp.float32),
        pltpu.VMEM((8, _CW), jnp.float32),
        pltpu.VMEM((8, _CW), jnp.float32),
        pltpu.VMEM((8, _CW), jnp.float32),
        pltpu.VMEM((8, _CW), jnp.float32),
        pltpu.VMEM((8, _CW), jnp.float32),
        pltpu.SemaphoreType.DMA,
        pltpu.SemaphoreType.DMA,
        pltpu.SemaphoreType.DMA,
        pltpu.SemaphoreType.DMA,
    ],
)
def _sc_add_band0(x_hbm, f_hbm, o_hbm, a0, b0, a1, b1, o0, o1, si0, si1, so0, so1):
    wid = lax.axis_index("s") * _NC + lax.axis_index("c")
    av = (a0, a1)
    bv = (b0, b1)
    ov = (o0, o1)
    si = (si0, si1)
    so = (so0, so1)

    def src_slice(k):
        c = wid + k * _NW
        return (pl.ds(16, 8), pl.ds(c * _CW, _CW))

    def start_in(k, p):
        @pl.when(wid + k * _NW < _NCHUNK)
        def _():
            s = src_slice(k)
            pltpu.async_copy(x_hbm.at[s], av[p], si[p])
            pltpu.async_copy(f_hbm.at[s], bv[p], si[p])

    start_in(0, 0)
    start_in(1, 1)

    @pl.loop(0, _K_MAX, step=2)
    def _(kk):
        for p in range(2):
            k = kk + p

            @pl.when(wid + k * _NW < _NCHUNK)
            def _():
                s = src_slice(k)
                pltpu.make_async_copy(x_hbm.at[s], av[p], si[p]).wait()
                pltpu.make_async_copy(f_hbm.at[s], bv[p], si[p]).wait()

                @pl.when(k >= 2)
                def _():
                    pltpu.make_async_copy(ov[p], o_hbm.at[s], so[p]).wait()

                def row(r, c2):
                    for cc in range(_CW // 16):
                        sl = pl.ds(cc * 16, 16)
                        ov[p][r, sl] = av[p][r, sl] + bv[p][r, sl]
                    return c2

                lax.fori_loop(0, 8, row, 0)
                pltpu.async_copy(ov[p], o_hbm.at[s], so[p])
                start_in(k + 2, p)

    drain = (pl.ds(16, 8), pl.ds(0, _CW))
    for p in range(2):

        @pl.when(wid + p * _NW < _NCHUNK)
        def _():
            pltpu.make_async_copy(ov[p], o_hbm.at[drain], so[p]).wait()


_TCW = 38400
_TC_NB = _COLS // _TCW


def _tc_body(x_ref, f_ref, carrier_ref, o_ref):
    o_ref[...] = x_ref[...] + f_ref[...]


_tc_add_bands01 = pl.pallas_call(
    _tc_body,
    grid=(_TC_NB,),
    in_specs=[
        pl.BlockSpec((16, _TCW), lambda i: (0, i)),
        pl.BlockSpec((16, _TCW), lambda i: (0, i)),
        pl.BlockSpec(memory_space=pl.ANY),
    ],
    out_specs=pl.BlockSpec((16, _TCW), lambda i: (0, i)),
    out_shape=jax.ShapeDtypeStruct((_ROWS, _COLS), jnp.float32),
    input_output_aliases={2: 0},
)


def kernel(xyz1, upsampled_flow):
    x = jnp.transpose(xyz1, (2, 0, 1)).reshape(_ROWS, _COLS)
    f = jnp.transpose(upsampled_flow, (2, 0, 1)).reshape(_ROWS, _COLS)
    partial = _sc_add_band0(x, f)
    out = _tc_add_bands01(x, f, partial)
    return jnp.transpose(out.reshape(_C, _B, _N), (1, 2, 0))

# --- scband reference (transcript-rebuilt; emitter-appended) ---
"""Pipeline reference for scband-warping-layers-2697239462394 (READ-ONLY COPY).

The authoritative reference and input builder live on the scoring server;
editing this copy changes nothing except your own understanding.
"""

import jax, jax.numpy as jnp
import numpy as np


def setup_inputs(seed: int = 0) -> dict:
    key = jax.random.key(seed)
    k1, k2 = jax.random.split(key)
    # xyz1: source point cloud coordinates (B, N, 3)
    xyz1 = jax.random.normal(k1, (8, 115200, 3), dtype=jnp.float32)
    # upsampled_flow: coarse-to-fine upsampled scene flow / ego-motion flow (B, N, 3)
    upsampled_flow = jax.random.normal(k2, (8, 115200, 3), dtype=jnp.float32)
    return {"xyz1": xyz1, "upsampled_flow": upsampled_flow}


def reference(xyz1, upsampled_flow):
    # WarpingLayers.forward: warp the source point cloud by the estimated
    # (upsampled) flow before the next cost-volume / KNN correlation level.
    warped_xyz1 = xyz1 + upsampled_flow
    return warped_xyz1

if __name__ == "__main__":
    import jax
    _d = setup_inputs()
    print(jax.jit(kernel)(*tuple(_d.values())))

</pallas_src>

<mosaic_0001>
#map = affine_map<(d0, d1) -> (0, 0)>
module attributes {stable_mosaic.version = 14 : i64} {
  func.func @_sc_add_band0(%arg0: i32, %arg1: i32, %arg2: memref<24x115200xf32, #tpu.memory_space<hbm>>, %arg3: memref<24x115200xf32, #tpu.memory_space<hbm>>, %arg4: memref<24x115200xf32, #tpu.memory_space<hbm>>, %arg5: memref<8x768xf32, #tpu.memory_space<vmem>>, %arg6: memref<8x768xf32, #tpu.memory_space<vmem>>, %arg7: memref<8x768xf32, #tpu.memory_space<vmem>>, %arg8: memref<8x768xf32, #tpu.memory_space<vmem>>, %arg9: memref<8x768xf32, #tpu.memory_space<vmem>>, %arg10: memref<8x768xf32, #tpu.memory_space<vmem>>, %arg11: memref<!tpu.dma_semaphore, #tpu.memory_space<semaphore_mem>>, %arg12: memref<!tpu.dma_semaphore, #tpu.memory_space<semaphore_mem>>, %arg13: memref<!tpu.dma_semaphore, #tpu.memory_space<semaphore_mem>>, %arg14: memref<!tpu.dma_semaphore, #tpu.memory_space<semaphore_mem>>) attributes {dimension_semantics = [#tpu.dimension_semantics<core_parallel>, #tpu.dimension_semantics<subcore_parallel>], iteration_bounds = array<i64: 2, 16>, scalar_prefetch = 0 : i64, scratch_operands = 10 : i64, tpu.core_type = #tpu.core_type<sc_vector_subcore>, window_params = [{transform_indices = #map}, {transform_indices = #map}, {transform_indices = #map}]} {
    %mul3A = arith.constant 2 : i32
    %mul3A_0 = arith.muli %arg1, %mul3A : i32
    %add3A = arith.addi %mul3A_0, %arg0 : i32
    %add3A_1 = arith.constant 0 : i32
    %add3A_2 = arith.addi %add3A, %add3A_1 : i32
    %lt3A = arith.constant 150 : i32
    %lt3A_3 = arith.cmpi slt, %add3A_2, %lt3A : i32
    %convert_element_type3A = arith.extui %lt3A_3 : i1 to i32
    %cond3A = arith.constant 0 : i32
    %cond3A_4 = arith.cmpi ne, %convert_element_type3A, %cond3A : i32
    scf.if %cond3A_4 {
      %add3A_30 = arith.constant 0 : i32
      %add3A_31 = arith.addi %add3A, %add3A_30 : i32
      %mul3A_32 = arith.constant 768 : i32
      %mul3A_33 = arith.muli %add3A_31, %mul3A_32 : i32
      %dma_start3A = arith.constant 16 : i32
      %dma_start3A_34 = tpu.memref_slice %arg2[%dma_start3A, %mul3A_33] : memref<24x115200xf32, #tpu.memory_space<hbm>> -> memref<8x768xf32, #tpu.memory_space<hbm>>
      %dma_start3A_35 = arith.constant 16 : i32
      %dma_start3A_36 = tpu.memref_slice %arg2[%dma_start3A_35, %mul3A_33] : memref<24x115200xf32, #tpu.memory_space<hbm>> -> memref<8x768xf32, #tpu.memory_space<hbm>>
      tpu.enqueue_dma source(%dma_start3A_36 : memref<8x768xf32, #tpu.memory_space<hbm>>) target(%arg5 : memref<8x768xf32, #tpu.memory_space<vmem>>) target_semaphore(%arg11 : memref<!tpu.dma_semaphore, #tpu.memory_space<semaphore_mem>>)
      %dma_start3A_37 = arith.constant 16 : i32
      %dma_start3A_38 = tpu.memref_slice %arg3[%dma_start3A_37, %mul3A_33] : memref<24x115200xf32, #tpu.memory_space<hbm>> -> memref<8x768xf32, #tpu.memory_space<hbm>>
      %dma_start3A_39 = arith.constant 16 : i32
      %dma_start3A_40 = tpu.memref_slice %arg3[%dma_start3A_39, %mul3A_33] : memref<24x115200xf32, #tpu.memory_space<hbm>> -> memref<8x768xf32, #tpu.memory_space<hbm>>
      tpu.enqueue_dma source(%dma_start3A_40 : memref<8x768xf32, #tpu.memory_space<hbm>>) target(%arg6 : memref<8x768xf32, #tpu.memory_space<vmem>>) target_semaphore(%arg11 : memref<!tpu.dma_semaphore, #tpu.memory_space<semaphore_mem>>)
    } else {
    }
    %add3A_5 = arith.constant 32 : i32
    %add3A_6 = arith.addi %add3A, %add3A_5 : i32
    %lt3A_7 = arith.constant 150 : i32
    %lt3A_8 = arith.cmpi slt, %add3A_6, %lt3A_7 : i32
    %convert_element_type3A_9 = arith.extui %lt3A_8 : i1 to i32
    %cond3A_10 = arith.constant 0 : i32
    %cond3A_11 = arith.cmpi ne, %convert_element_type3A_9, %cond3A_10 : i32
    scf.if %cond3A_11 {
      %add3A_30 = arith.constant 32 : i32
      %add3A_31 = arith.addi %add3A, %add3A_30 : i32
      %mul3A_32 = arith.constant 768 : i32
      %mul3A_33 = arith.muli %add3A_31, %mul3A_32 : i32
      %dma_start3A = arith.constant 16 : i32
      %dma_start3A_34 = tpu.memref_slice %arg2[%dma_start3A, %mul3A_33] : memref<24x115200xf32, #tpu.memory_space<hbm>> -> memref<8x768xf32, #tpu.memory_space<hbm>>
      %dma_start3A_35 = arith.constant 16 : i32
      %dma_start3A_36 = tpu.memref_slice %arg2[%dma_start3A_35, %mul3A_33] : memref<24x115200xf32, #tpu.memory_space<hbm>> -> memref<8x768xf32, #tpu.memory_space<hbm>>
      tpu.enqueue_dma source(%dma_start3A_36 : memref<8x768xf32, #tpu.memory_space<hbm>>) target(%arg7 : memref<8x768xf32, #tpu.memory_space<vmem>>) target_semaphore(%arg12 : memref<!tpu.dma_semaphore, #tpu.memory_space<semaphore_mem>>)
      %dma_start3A_37 = arith.constant 16 : i32
      %dma_start3A_38 = tpu.memref_slice %arg3[%dma_start3A_37, %mul3A_33] : memref<24x115200xf32, #tpu.memory_space<hbm>> -> memref<8x768xf32, #tpu.memory_space<hbm>>
      %dma_start3A_39 = arith.constant 16 : i32
      %dma_start3A_40 = tpu.memref_slice %arg3[%dma_start3A_39, %mul3A_33] : memref<24x115200xf32, #tpu.memory_space<hbm>> -> memref<8x768xf32, #tpu.memory_space<hbm>>
      tpu.enqueue_dma source(%dma_start3A_40 : memref<8x768xf32, #tpu.memory_space<hbm>>) target(%arg8 : memref<8x768xf32, #tpu.memory_space<vmem>>) target_semaphore(%arg12 : memref<!tpu.dma_semaphore, #tpu.memory_space<semaphore_mem>>)
    } else {
    }
    %scan3A = arith.constant 0 : i32
    %scan3A_12 = arith.constant 3 : i32
    %scan3A_13 = arith.addi %scan3A, %scan3A_12 : i32
    %scan3A_14 = arith.constant 1 : i32
    scf.for %scan3A_30 = %scan3A to %scan3A_13 step %scan3A_14  : i32 {
      %mul3A_31 = arith.constant 2 : i32
      %mul3A_32 = arith.muli %scan3A_30, %mul3A_31 : i32
      %add3A_33 = arith.constant 0 : i32
      %add3A_34 = arith.addi %add3A_33, %mul3A_32 : i32
      %add3A_35 = arith.constant 0 : i32
      %add3A_36 = arith.addi %add3A_34, %add3A_35 : i32
      %mul3A_37 = arith.constant 32 : i32
      %mul3A_38 = arith.muli %add3A_36, %mul3A_37 : i32
      %add3A_39 = arith.addi %add3A, %mul3A_38 : i32
      %lt3A_40 = arith.constant 150 : i32
      %lt3A_41 = arith.cmpi slt, %add3A_39, %lt3A_40 : i32
      %convert_element_type3A_42 = arith.extui %lt3A_41 : i1 to i32
      %cond3A_43 = arith.constant 0 : i32
      %cond3A_44 = arith.cmpi ne, %convert_element_type3A_42, %cond3A_43 : i32
      scf.if %cond3A_44 {
        %mul3A_55 = arith.constant 32 : i32
        %mul3A_56 = arith.muli %add3A_36, %mul3A_55 : i32
        %add3A_57 = arith.addi %add3A, %mul3A_56 : i32
        %mul3A_58 = arith.constant 768 : i32
        %mul3A_59 = arith.muli %add3A_57, %mul3A_58 : i32
        %dma_wait3A = arith.constant 16 : i32
        %dma_wait3A_60 = tpu.memref_slice %arg2[%dma_wait3A, %mul3A_59] : memref<24x115200xf32, #tpu.memory_space<hbm>> -> memref<8x768xf32, #tpu.memory_space<hbm>>
        %dma_wait3A_61 = arith.constant 16 : i32
        %dma_wait3A_62 = tpu.memref_slice %arg2[%dma_wait3A_61, %mul3A_59] : memref<24x115200xf32, #tpu.memory_space<hbm>> -> memref<8x768xf32, #tpu.memory_space<hbm>>
        tpu.wait_dma2 semaphore(%arg11 : memref<!tpu.dma_semaphore, #tpu.memory_space<semaphore_mem>>) src(%dma_wait3A_62 : memref<8x768xf32, #tpu.memory_space<hbm>>) dst(%arg5 : memref<8x768xf32, #tpu.memory_space<vmem>>)
        %dma_wait3A_63 = arith.constant 16 : i32
        %dma_wait3A_64 = tpu.memref_slice %arg3[%dma_wait3A_63, %mul3A_59] : memref<24x115200xf32, #tpu.memory_space<hbm>> -> memref<8x768xf32, #tpu.memory_space<hbm>>
        %dma_wait3A_65 = arith.constant 16 : i32
        %dma_wait3A_66 = tpu.memref_slice %arg3[%dma_wait3A_65, %mul3A_59] : memref<24x115200xf32, #tpu.memory_space<hbm>> -> memref<8x768xf32, #tpu.memory_space<hbm>>
        tpu.wait_dma2 semaphore(%arg11 : memref<!tpu.dma_semaphore, #tpu.memory_space<semaphore_mem>>) src(%dma_wait3A_66 : memref<8x768xf32, #tpu.memory_space<hbm>>) dst(%arg6 : memref<8x768xf32, #tpu.memory_space<vmem>>)
        %ge3A = arith.constant 2 : i32
        %ge3A_67 = arith.cmpi sge, %add3A_36, %ge3A : i32
        %convert_element_type3A_68 = arith.extui %ge3A_67 : i1 to i32
        %cond3A_69 = arith.constant 0 : i32
        %cond3A_70 = arith.cmpi ne, %convert_element_type3A_68, %cond3A_69 : i32
        scf.if %cond3A_70 {
          %dma_wait3A_90 = arith.constant 16 : i32
          %dma_wait3A_91 = tpu.memref_slice %arg4[%dma_wait3A_90, %mul3A_59] : memref<24x115200xf32, #tpu.memory_space<hbm>> -> memref<8x768xf32, #tpu.memory_space<hbm>>
          %dma_wait3A_92 = arith.constant 16 : i32
          %dma_wait3A_93 = tpu.memref_slice %arg4[%dma_wait3A_92, %mul3A_59] : memref<24x115200xf32, #tpu.memory_space<hbm>> -> memref<8x768xf32, #tpu.memory_space<hbm>>
          tpu.wait_dma2 semaphore(%arg13 : memref<!tpu.dma_semaphore, #tpu.memory_space<semaphore_mem>>) src(%arg9 : memref<8x768xf32, #tpu.memory_space<vmem>>) dst(%dma_wait3A_93 : memref<8x768xf32, #tpu.memory_space<hbm>>)
        } else {
        }
        %scan3A_71 = arith.constant 0 : i32
        %scan3A_72 = arith.constant 0 : i32
        %scan3A_73 = arith.constant 8 : i32
        %scan3A_74 = arith.addi %scan3A_72, %scan3A_73 : i32
        %scan3A_75 = arith.constant 1 : i32
        scf.for %scan3A_90 = %scan3A_72 to %scan3A_74 step %scan3A_75  : i32 {
          %get3A = arith.index_cast %scan3A_90 : i32 to index
          %get3A_91 = arith.constant 0 : index
          %get3A_92 = tpu.vector_load %arg5[%get3A, %get3A_91] {strides = array<i32>} : memref<8x768xf32, #tpu.memory_space<vmem>>, vector<1x16xf32>,
          %get3A_93 = vector.shape_cast %get3A_92 : vector<1x16xf32> to vector<16xf32>
          %get3A_94 = arith.index_cast %scan3A_90 : i32 to index
          %get3A_95 = arith.constant 0 : index
          %get3A_96 = tpu.vector_load %arg6[%get3A_94, %get3A_95] {strides = array<i32>} : memref<8x768xf32, #tpu.memory_space<vmem>>, vector<1x16xf32>,
          %get3A_97 = vector.shape_cast %get3A_96 : vector<1x16xf32> to vector<16xf32>
          %add3A_98 = arith.addf %get3A_93, %get3A_97 : vector<16xf32>
          %swap3A = arith.index_cast %scan3A_90 : i32 to index
          %swap3A_99 = arith.constant 0 : index
          %swap3A_100 = tpu.vector_load %arg9[%swap3A, %swap3A_99] {strides = array<i32>} : memref<8x768xf32, #tpu.memory_space<vmem>>, vector<1x16xf32>,
          %swap3A_101 = vector.shape_cast %swap3A_100 : vector<1x16xf32> to vector<16xf32>
          %swap3A_102 = vector.shape_cast %add3A_98 : vector<16xf32> to vector<1x16xf32>
          tpu.vector_store %arg9[%swap3A, %swap3A_99], %swap3A_102 {strides = array<i32>} : memref<8x768xf32, #tpu.memory_space<vmem>>, vector<1x16xf32>,
          %get3A_103 = arith.index_cast %scan3A_90 : i32 to index
          %get3A_104 = arith.constant 16 : index
          %get3A_105 = tpu.vector_load %arg5[%get3A_103, %get3A_104] {strides = array<i32>} : memref<8x768xf32, #tpu.memory_space<vmem>>, vector<1x16xf32>,
          %get3A_106 = vector.shape_cast %get3A_105 : vector<1x16xf32> to vector<16xf32>
          %get3A_107 = arith.index_cast %scan3A_90 : i32 to index
          %get3A_108 = arith.constant 16 : index
          %get3A_109 = tpu.vector_load %arg6[%get3A_107, %get3A_108] {strides = array<i32>} : memref<8x768xf32, #tpu.memory_space<vmem>>, vector<1x16xf32>,
          %get3A_110 = vector.shape_cast %get3A_109 : vector<1x16xf32> to vector<16xf32>
          %add3A_111 = arith.addf %get3A_106, %get3A_110 : vector<16xf32>
          %swap3A_112 = arith.index_cast %scan3A_90 : i32 to index
          %swap3A_113 = arith.constant 16 : index
          %swap3A_114 = tpu.vector_load %arg9[%swap3A_112, %swap3A_113] {strides = array<i32>} : memref<8x768xf32, #tpu.memory_space<vmem>>, vector<1x16xf32>,
          %swap3A_115 = vector.shape_cast %swap3A_114 : vector<1x16xf32> to vector<16xf32>
          %swap3A_116 = vector.shape_cast %add3A_111 : vector<16xf32> to vector<1x16xf32>
          tpu.vector_store %arg9[%swap3A_112, %swap3A_113], %swap3A_116 {strides = array<i32>} : memref<8x768xf32, #tpu.memory_space<vmem>>, vector<1x16xf32>,
          %get3A_117 = arith.index_cast %scan3A_90 : i32 to index
          %get3A_118 = arith.constant 32 : index
          %get3A_119 = tpu.vector_load %arg5[%get3A_117, %get3A_118] {strides = array<i32>} : memref<8x768xf32, #tpu.memory_space<vmem>>, vector<1x16xf32>,
          %get3A_120 = vector.shape_cast %get3A_119 : vector<1x16xf32> to vector<16xf32>
          %get3A_121 = arith.index_cast %scan3A_90 : i32 to index
          %get3A_122 = arith.constant 32 : index
          %get3A_123 = tpu.vector_load %arg6[%get3A_121, %get3A_122] {strides = array<i32>} : memref<8x768xf32, #tpu.memory_space<vmem>>, vector<1x16xf32>,
          %get3A_124 = vector.shape_cast %get3A_123 : vector<1x16xf32> to vector<16xf32>
          %add3A_125 = arith.addf %get3A_120, %get3A_124 : vector<16xf32>
          %swap3A_126 = arith.index_cast %scan3A_90 : i32 to index
          %swap3A_127 = arith.constant 32 : index
          %swap3A_128 = tpu.vector_load %arg9[%swap3A_126, %swap3A_127] {strides = array<i32>} : memref<8x768xf32, #tpu.memory_space<vmem>>, vector<1x16xf32>,
          %swap3A_129 = vector.shape_cast %swap3A_128 : vector<1x16xf32> to vector<16xf32>
          %swap3A_130 = vector.shape_cast %add3A_125 : vector<16xf32> to vector<1x16xf32>
          tpu.vector_store %arg9[%swap3A_126, %swap3A_127], %swap3A_130 {strides = array<i32>} : memref<8x768xf32, #tpu.memory_space<vmem>>, vector<1x16xf32>,
          %get3A_131 = arith.index_cast %scan3A_90 : i32 to index
          %get3A_132 = arith.constant 48 : index
          %get3A_133 = tpu.vector_load %arg5[%get3A_131, %get3A_132] {strides = array<i32>} : memref<8x768xf32, #tpu.memory_space<vmem>>, vector<1x16xf32>,
          %get3A_134 = vector.shape_cast %get3A_133 : vector<1x16xf32> to vector<16xf32>
          %get3A_135 = arith.index_cast %scan3A_90 : i32 to index
          %get3A_136 = arith.constant 48 : index
          %get3A_137 = tpu.vector_load %arg6[%get3A_135, %get3A_136] {strides = array<i32>} : memref<8x768xf32, #tpu.memory_space<vmem>>, vector<1x16xf32>,
          %get3A_138 = vector.shape_cast %get3A_137 : vector<1x16xf32> to vector<16xf32>
          %add3A_139 = arith.addf %get3A_134, %get3A_138 : vector<16xf32>
          %swap3A_140 = arith.index_cast %scan3A_90 : i32 to index
          %swap3A_141 = arith.constant 48 : index
          %swap3A_142 = tpu.vector_load %arg9[%swap3A_140, %swap3A_141] {strides = array<i32>} : memref<8x768xf32, #tpu.memory_space<vmem>>, vector<1x16xf32>,
          %swap3A_143 = vector.shape_cast %swap3A_142 : vector<1x16xf32> to vector<16xf32>
          %swap3A_144 = vector.shape_cast %add3A_139 : vector<16xf32> to vector<1x16xf32>
          tpu.vector_store %arg9[%swap3A_140, %swap3A_141], %swap3A_144 {strides = array<i32>} : memref<8x768xf32, #tpu.memory_space<vmem>>, vector<1x16xf32>,
          %get3A_145 = arith.index_cast %scan3A_90 : i32 to index
          %get3A_146 = arith.constant 64 : index
          %get3A_147 = tpu.vector_load %arg5[%get3A_145, %get3A_146] {strides = array<i32>} : memref<8x768xf32, #tpu.memory_space<vmem>>, vector<1x16xf32>,
          %get3A_148 = vector.shape_cast %get3A_147 : vector<1x16xf32> to vector<16xf32>
          %get3A_149 = arith.index_cast %scan3A_90 : i32 to index
          %get3A_150 = arith.constant 64 : index
          %get3A_151 = tpu.vector_load %arg6[%get3A_149, %get3A_150] {strides = array<i32>} : memref<8x768xf32, #tpu.memory_space<vmem>>, vector<1x16xf32>,
          %get3A_152 = vector.shape_cast %get3A_151 : vector<1x16xf32> to vector<16xf32>
          %add3A_153 = arith.addf %get3A_148, %get3A_152 : vector<16xf32>
          %swap3A_154 = arith.index_cast %scan3A_90 : i32 to index
          %swap3A_155 = arith.constant 64 : index
          %swap3A_156 = tpu.vector_load %arg9[%swap3A_154, %swap3A_155] {strides = array<i32>} : memref<8x768xf32, #tpu.memory_space<vmem>>, vector<1x16xf32>,
          %swap3A_157 = vector.shape_cast %swap3A_156 : vector<1x16xf32> to vector<16xf32>
          %swap3A_158 = vector.shape_cast %add3A_153 : vector<16xf32> to vector<1x16xf32>
          tpu.vector_store %arg9[%swap3A_154, %swap3A_155], %swap3A_158 {strides = array<i32>} : memref<8x768xf32, #tpu.memory_space<vmem>>, vector<1x16xf32>,
          %get3A_159 = arith.index_cast %scan3A_90 : i32 to index
          %get3A_160 = arith.constant 80 : index
          %get3A_161 = tpu.vector_load %arg5[%get3A_159, %get3A_160] {strides = array<i32>} : memref<8x768xf32, #tpu.memory_space<vmem>>, vector<1x16xf32>,
          %get3A_162 = vector.shape_cast %get3A_161 : vector<1x16xf32> to vector<16xf32>
          %get3A_163 = arith.index_cast %scan3A_90 : i32 to index
          %get3A_164 = arith.constant 80 : index
          %get3A_165 = tpu.vector_load %arg6[%get3A_163, %get3A_164] {strides = array<i32>} : memref<8x768xf32, #tpu.memory_space<vmem>>, vector<1x16xf32>,
          %get3A_166 = vector.shape_cast %get3A_165 : vector<1x16xf32> to vector<16xf32>
          %add3A_167 = arith.addf %get3A_162, %get3A_166 : vector<16xf32>
          %swap3A_168 = arith.index_cast %scan3A_90 : i32 to index
          %swap3A_169 = arith.constant 80 : index
          %swap3A_170 = tpu.vector_load %arg9[%swap3A_168, %swap3A_169] {strides = array<i32>} : memref<8x768xf32, #tpu.memory_space<vmem>>, vector<1x16xf32>,
          %swap3A_171 = vector.shape_cast %swap3A_170 : vector<1x16xf32> to vector<16xf32>
          %swap3A_172 = vector.shape_cast %add3A_167 : vector<16xf32> to vector<1x16xf32>
          tpu.vector_store %arg9[%swap3A_168, %swap3A_169], %swap3A_172 {strides = array<i32>} : memref<8x768xf32, #tpu.memory_space<vmem>>, vector<1x16xf32>,
          %get3A_173 = arith.index_cast %scan3A_90 : i32 to index
          %get3A_174 = arith.constant 96 : index
          %get3A_175 = tpu.vector_load %arg5[%get3A_173, %get3A_174] {strides = array<i32>} : memref<8x768xf32, #tpu.memory_space<vmem>>, vector<1x16xf32>,
          %get3A_176 = vector.shape_cast %get3A_175 : vector<1x16xf32> to vector<16xf32>
          %get3A_177 = arith.index_cast %scan3A_90 : i32 to index
          %get3A_178 = arith.constant 96 : index
          %get3A_179 = tpu.vector_load %arg6[%get3A_177, %get3A_178] {strides = array<i32>} : memref<8x768xf32, #tpu.memory_space<vmem>>, vector<1x16xf32>,
          %get3A_180 = vector.shape_cast %get3A_179 : vector<1x16xf32> to vector<16xf32>
          %add3A_181 = arith.addf %get3A_176, %get3A_180 : vector<16xf32>
          %swap3A_182 = arith.index_cast %scan3A_90 : i32 to index
          %swap3A_183 = arith.constant 96 : index
          %swap3A_184 = tpu.vector_load %arg9[%swap3A_182, %swap3A_183] {strides = array<i32>} : memref<8x768xf32, #tpu.memory_space<vmem>>, vector<1x16xf32>,
          %swap3A_185 = vector.shape_cast %swap3A_184 : vector<1x16xf32> to vector<16xf32>
          %swap3A_186 = vector.shape_cast %add3A_181 : vector<16xf32> to vector<1x16xf32>
          tpu.vector_store %arg9[%swap3A_182, %swap3A_183], %swap3A_186 {strides = array<i32>} : memref<8x768xf32, #tpu.memory_space<vmem>>, vector<1x16xf32>,
          %get3A_187 = arith.index_cast %scan3A_90 : i32 to index
          %get3A_188 = arith.constant 112 : index
          %get3A_189 = tpu.vector_load %arg5[%get3A_187, %get3A_188] {strides = array<i32>} : memref<8x768xf32, #tpu.memory_space<vmem>>, vector<1x16xf32>,
          %get3A_190 = vector.shape_cast %get3A_189 : vector<1x16xf32> to vector<16xf32>
          %get3A_191 = arith.index_cast %scan3A_90 : i32 to index
          %get3A_192 = arith.constant 112 : index
          %get3A_193 = tpu.vector_load %arg6[%get3A_191, %get3A_192] {strides = array<i32>} : memref<8x768xf32, #tpu.memory_space<vmem>>, vector<1x16xf32>,
          %get3A_194 = vector.shape_cast %get3A_193 : vector<1x16xf32> to vector<16xf32>
          %add3A_195 = arith.addf %get3A_190, %get3A_194 : vector<16xf32>
          %swap3A_196 = arith.index_cast %scan3A_90 : i32 to index
          %swap3A_197 = arith.constant 112 : index
          %swap3A_198 = tpu.vector_load %arg9[%swap3A_196, %swap3A_197] {strides = array<i32>} : memref<8x768xf32, #tpu.memory_space<vmem>>, vector<1x16xf32>,
          %swap3A_199 = vector.shape_cast %swap3A_198 : vector<1x16xf32> to vector<16xf32>
          %swap3A_200 = vector.shape_cast %add3A_195 : vector<16xf32> to vector<1x16xf32>
          tpu.vector_store %arg9[%swap3A_196, %swap3A_197], %swap3A_200 {strides = array<i32>} : memref<8x768xf32, #tpu.memory_space<vmem>>, vector<1x16xf32>,
          %get3A_201 = arith.index_cast %scan3A_90 : i32 to index
          %get3A_202 = arith.constant 128 : index
          %get3A_203 = tpu.vector_load %arg5[%get3A_201, %get3A_202] {strides = array<i32>} : memref<8x768xf32, #tpu.memory_space<vmem>>, vector<1x16xf32>,
          %get3A_204 = vector.shape_cast %get3A_203 : vector<1x16xf32> to vector<16xf32>
          %get3A_205 = arith.index_cast %scan3A_90 : i32 to index
          %get3A_206 = arith.constant 128 : index
          %get3A_207 = tpu.vector_load %arg6[%get3A_205, %get3A_206] {strides = array<i32>} : memref<8x768xf32, #tpu.memory_space<vmem>>, vector<1x16xf32>,
          %get3A_208 = vector.shape_cast %get3A_207 : vector<1x16xf32> to vector<16xf32>
          %add3A_209 = arith.addf %get3A_204, %get3A_208 : vector<16xf32>
          %swap3A_210 = arith.index_cast %scan3A_90 : i32 to index
          %swap3A_211 = arith.constant 128 : index
          %swap3A_212 = tpu.vector_load %arg9[%swap3A_210, %swap3A_211] {strides = array<i32>} : memref<8x768xf32, #tpu.memory_space<vmem>>, vector<1x16xf32>,
          %swap3A_213 = vector.shape_cast %swap3A_212 : vector<1x16xf32> to vector<16xf32>
          %swap3A_214 = vector.shape_cast %add3A_209 : vector<16xf32> to vector<1x16xf32>
          tpu.vector_store %arg9[%swap3A_210, %swap3A_211], %swap3A_214 {strides = array<i32>} : memref<8x768xf32, #tpu.memory_space<vmem>>, vector<1x16xf32>,
          %get3A_215 = arith.index_cast %scan3A_90 : i32 to index
          %get3A_216 = arith.constant 144 : index
          %get3A_217 = tpu.vector_load %arg5[%get3A_215, %get3A_216] {strides = array<i32>} : memref<8x768xf32, #tpu.memory_space<vmem>>, vector<1x16xf32>,
          %get3A_218 = vector.shape_cast %get3A_217 : vector<1x16xf32> to vector<16xf32>
          %get3A_219 = arith.index_cast %scan3A_90 : i32 to index
          %get3A_220 = arith.constant 144 : index
          %get3A_221 = tpu.vector_load %arg6[%get3A_219, %get3A_220] {strides = array<i32>} : memref<8x768xf32, #tpu.memory_space<vmem>>, vector<1x16xf32>,
          %get3A_222 = vector.shape_cast %get3A_221 : vector<1x16xf32> to vector<16xf32>
          %add3A_223 = arith.addf %get3A_218, %get3A_222 : vector<16xf32>
          %swap3A_224 = arith.index_cast %scan3A_90 : i32 to index
          %swap3A_225 = arith.constant 144 : index
          %swap3A_226 = tpu.vector_load %arg9[%swap3A_224, %swap3A_225] {strides = array<i32>} : memref<8x768xf32, #tpu.memory_space<vmem>>, vector<1x16xf32>,
          %swap3A_227 = vector.shape_cast %swap3A_226 : vector<1x16xf32> to vector<16xf32>
          %swap3A_228 = vector.shape_cast %add3A_223 : vector<16xf32> to vector<1x16xf32>
          tpu.vector_store %arg9[%swap3A_224, %swap3A_225], %swap3A_228 {strides = array<i32>} : memref<8x768xf32, #tpu.memory_space<vmem>>, vector<1x16xf32>,
          %get3A_229 = arith.index_cast %scan3A_90 : i32 to index
          %get3A_230 = arith.constant 160 : index
          %get3A_231 = tpu.vector_load %arg5[%get3A_229, %get3A_230] {strides = array<i32>} : memref<8x768xf32, #tpu.memory_space<vmem>>, vector<1x16xf32>,
          %get3A_232 = vector.shape_cast %get3A_231 : vector<1x16xf32> to vector<16xf32>
          %get3A_233 = arith.index_cast %scan3A_90 : i32 to index
          %get3A_234 = arith.constant 160 : index
          %get3A_235 = tpu.vector_load %arg6[%get3A_233, %get3A_234] {strides = array<i32>} : memref<8x768xf32, #tpu.memory_space<vmem>>, vector<1x16xf32>,
          %get3A_236 = vector.shape_cast %get3A_235 : vector<1x16xf32> to vector<16xf32>
          %add3A_237 = arith.addf %get3A_232, %get3A_236 : vector<16xf32>
          %swap3A_238 = arith.index_cast %scan3A_90 : i32 to index
          %swap3A_239 = arith.constant 160 : index
          %swap3A_240 = tpu.vector_load %arg9[%swap3A_238, %swap3A_239] {strides = array<i32>} : memref<8x768xf32, #tpu.memory_space<vmem>>, vector<1x16xf32>,
          %swap3A_241 = vector.shape_cast %swap3A_240 : vector<1x16xf32> to vector<16xf32>
          %swap3A_242 = vector.shape_cast %add3A_237 : vector<16xf32> to vector<1x16xf32>
          tpu.vector_store %arg9[%swap3A_238, %swap3A_239], %swap3A_242 {strides = array<i32>} : memref<8x768xf32, #tpu.memory_space<vmem>>, vector<1x16xf32>,
          %get3A_243 = arith.index_cast %scan3A_90 : i32 to index
          %get3A_244 = arith.constant 176 : index
          %get3A_245 = tpu.vector_load %arg5[%get3A_243, %get3A_244] {strides = array<i32>} : memref<8x768xf32, #tpu.memory_space<vmem>>, vector<1x16xf32>,
          %get3A_246 = vector.shape_cast %get3A_245 : vector<1x16xf32> to vector<16xf32>
          %get3A_247 = arith.index_cast %scan3A_90 : i32 to index
          %get3A_248 = arith.constant 176 : index
          %get3A_249 = tpu.vector_load %arg6[%get3A_247, %get3A_248] {strides = array<i32>} : memref<8x768xf32, #tpu.memory_space<vmem>>, vector<1x16xf32>,
          %get3A_250 = vector.shape_cast %get3A_249 : vector<1x16xf32> to vector<16xf32>
          %add3A_251 = arith.addf %get3A_246, %get3A_250 : vector<16xf32>
          %swap3A_252 = arith.index_cast %scan3A_90 : i32 to index
          %swap3A_253 = arith.constant 176 : index
          %swap3A_254 = tpu.vector_load %arg9[%swap3A_252, %swap3A_253] {strides = array<i32>} : memref<8x768xf32, #tpu.memory_space<vmem>>, vector<1x16xf32>,
          %swap3A_255 = vector.shape_cast %swap3A_254 : vector<1x16xf32> to vector<16xf32>
          %swap3A_256 = vector.shape_cast %add3A_251 : vector<16xf32> to vector<1x16xf32>
          tpu.vector_store %arg9[%swap3A_252, %swap3A_253], %swap3A_256 {strides = array<i32>} : memref<8x768xf32, #tpu.memory_space<vmem>>, vector<1x16xf32>,
          %get3A_257 = arith.index_cast %scan3A_90 : i32 to index
          %get3A_258 = arith.constant 192 : index
          %get3A_259 = tpu.vector_load %arg5[%get3A_257, %get3A_258] {strides = array<i32>} : memref<8x768xf32, #tpu.memory_space<vmem>>, vector<1x16xf32>,
          %get3A_260 = vector.shape_cast %get3A_259 : vector<1x16xf32> to vector<16xf32>
          %get3A_261 = arith.index_cast %scan3A_90 : i32 to index
          %get3A_262 = arith.constant 192 : index
          %get3A_263 = tpu.vector_load %arg6[%get3A_261, %get3A_262] {strides = array<i32>} : memref<8x768xf32, #tpu.memory_space<vmem>>, vector<1x16xf32>,
          %get3A_264 = vector.shape_cast %get3A_263 : vector<1x16xf32> to vector<16xf32>
          %add3A_265 = arith.addf %get3A_260, %get3A_264 : vector<16xf32>
          %swap3A_266 = arith.index_cast %scan3A_90 : i32 to index
          %swap3A_267 = arith.constant 192 : index
          %swap3A_268 = tpu.vector_load %arg9[%swap3A_266, %swap3A_267] {strides = array<i32>} : memref<8x768xf32, #tpu.memory_space<vmem>>, vector<1x16xf32>,
          %swap3A_269 = vector.shape_cast %swap3A_268 : vector<1x16xf32> to vector<16xf32>
          %swap3A_270 = vector.shape_cast %add3A_265 : vector<16xf32> to vector<1x16xf32>
          tpu.vector_store %arg9[%swap3A_266, %swap3A_267], %swap3A_270 {strides = array<i32>} : memref<8x768xf32, #tpu.memory_space<vmem>>, vector<1x16xf32>,
          %get3A_271 = arith.index_cast %scan3A_90 : i32 to index
          %get3A_272 = arith.constant 208 : index
          %get3A_273 = tpu.vector_load %arg5[%get3A_271, %get3A_272] {strides = array<i32>} : memref<8x768xf32, #tpu.memory_space<vmem>>, vector<1x16xf32>,
          %get3A_274 = vector.shape_cast %get3A_273 : vector<1x16xf32> to vector<16xf32>
          %get3A_275 = arith.index_cast %scan3A_90 : i32 to index
          %get3A_276 = arith.constant 208 : index
          %get3A_277 = tpu.vector_load %arg6[%get3A_275, %get3A_276] {strides = array<i32>} : memref<8x768xf32, #tpu.memory_space<vmem>>, vector<1x16xf32>,
          %get3A_278 = vector.shape_cast %get3A_277 : vector<1x16xf32> to vector<16xf32>
          %add3A_279 = arith.addf %get3A_274, %get3A_278 : vector<16xf32>
          %swap3A_280 = arith.index_cast %scan3A_90 : i32 to index
          %swap3A_281 = arith.constant 208 : index
          %swap3A_282 = tpu.vector_load %arg9[%swap3A_280, %swap3A_281] {strides = array<i32>} : memref<8x768xf32, #tpu.memory_space<vmem>>, vector<1x16xf32>,
          %swap3A_283 = vector.shape_cast %swap3A_282 : vector<1x16xf32> to vector<16xf32>
          %swap3A_284 = vector.shape_cast %add3A_279 : vector<16xf32> to vector<1x16xf32>
          tpu.vector_store %arg9[%swap3A_280, %swap3A_281], %swap3A_284 {strides = array<i32>} : memref<8x768xf32, #tpu.memory_space<vmem>>, vector<1x16xf32>,
          %get3A_285 = arith.index_cast %scan3A_90 : i32 to index
          %get3A_286 = arith.constant 224 : index
          %get3A_287 = tpu.vector_load %arg5[%get3A_285, %get3A_286] {strides = array<i32>} : memref<8x768xf32, #tpu.memory_space<vmem>>, vector<1x16xf32>,
          %get3A_288 = vector.shape_cast %get3A_287 : vector<1x16xf32> to vector<16xf32>
          %get3A_289 = arith.index_cast %scan3A_90 : i32 to index
          %get3A_290 = arith.constant 224 : index
          %get3A_291 = tpu.vector_load %arg6[%get3A_289, %get3A_290] {strides = array<i32>} : memref<8x768xf32, #tpu.memory_space<vmem>>, vector<1x16xf32>,
          %get3A_292 = vector.shape_cast %get3A_291 : vector<1x16xf32> to vector<16xf32>
          %add3A_293 = arith.addf %get3A_288, %get3A_292 : vector<16xf32>
          %swap3A_294 = arith.index_cast %scan3A_90 : i32 to index
          %swap3A_295 = arith.constant 224 : index
          %swap3A_296 = tpu.vector_load %arg9[%swap3A_294, %swap3A_295] {strides = array<i32>} : memref<8x768xf32, #tpu.memory_space<vmem>>, vector<1x16xf32>,
          %swap3A_297 = vector.shape_cast %swap3A_296 : vector<1x16xf32> to vector<16xf32>
          %swap3A_298 = vector.shape_cast %add3A_293 : vector<16xf32> to vector<1x16xf32>
          tpu.vector_store %arg9[%swap3A_294, %swap3A_295], %swap3A_298 {strides = array<i32>} : memref<8x768xf32, #tpu.memory_space<vmem>>, vector<1x16xf32>,
          %get3A_299 = arith.index_cast %scan3A_90 : i32 to index
          %get3A_300 = arith.constant 240 : index
          %get3A_301 = tpu.vector_load %arg5[%get3A_299, %get3A_300] {strides = array<i32>} : memref<8x768xf32, #tpu.memory_space<vmem>>, vector<1x16xf32>,
          %get3A_302 = vector.shape_cast %get3A_301 : vector<1x16xf32> to vector<16xf32>
          %get3A_303 = arith.index_cast %scan3A_90 : i32 to index
          %get3A_304 = arith.constant 240 : index
          %get3A_305 = tpu.vector_load %arg6[%get3A_303, %get3A_304] {strides = array<i32>} : memref<8x768xf32, #tpu.memory_space<vmem>>, vector<1x16xf32>,
          %get3A_306 = vector.shape_cast %get3A_305 : vector<1x16xf32> to vector<16xf32>
          %add3A_307 = arith.addf %get3A_302, %get3A_306 : vector<16xf32>
          %swap3A_308 = arith.index_cast %scan3A_90 : i32 to index
          %swap3A_309 = arith.constant 240 : index
          %swap3A_310 = tpu.vector_load %arg9[%swap3A_308, %swap3A_309] {strides = array<i32>} : memref<8x768xf32, #tpu.memory_space<vmem>>, vector<1x16xf32>,
          %swap3A_311 = vector.shape_cast %swap3A_310 : vector<1x16xf32> to vector<16xf32>
          %swap3A_312 = vector.shape_cast %add3A_307 : vector<16xf32> to vector<1x16xf32>
          tpu.vector_store %arg9[%swap3A_308, %swap3A_309], %swap3A_312 {strides = array<i32>} : memref<8x768xf32, #tpu.memory_space<vmem>>, vector<1x16xf32>,
          %get3A_313 = arith.index_cast %scan3A_90 : i32 to index
          %get3A_314 = arith.constant 256 : index
          %get3A_315 = tpu.vector_load %arg5[%get3A_313, %get3A_314] {strides = array<i32>} : memref<8x768xf32, #tpu.memory_space<vmem>>, vector<1x16xf32>,
          %get3A_316 = vector.shape_cast %get3A_315 : vector<1x16xf32> to vector<16xf32>
          %get3A_317 = arith.index_cast %scan3A_90 : i32 to index
          %get3A_318 = arith.constant 256 : index
          %get3A_319 = tpu.vector_load %arg6[%get3A_317, %get3A_318] {strides = array<i32>} : memref<8x768xf32, #tpu.memory_space<vmem>>, vector<1x16xf32>,
          %get3A_320 = vector.shape_cast %get3A_319 : vector<1x16xf32> to vector<16xf32>
          %add3A_321 = arith.addf %get3A_316, %get3A_320 : vector<16xf32>
          %swap3A_322 = arith.index_cast %scan3A_90 : i32 to index
          %swap3A_323 = arith.constant 256 : index
          %swap3A_324 = tpu.vector_load %arg9[%swap3A_322, %swap3A_323] {strides = array<i32>} : memref<8x768xf32, #tpu.memory_space<vmem>>, vector<1x16xf32>,
          %swap3A_325 = vector.shape_cast %swap3A_324 : vector<1x16xf32> to vector<16xf32>
          %swap3A_326 = vector.shape_cast %add3A_321 : vector<16xf32> to vector<1x16xf32>
          tpu.vector_store %arg9[%swap3A_322, %swap3A_323], %swap3A_326 {strides = array<i32>} : memref<8x768xf32, #tpu.memory_space<vmem>>, vector<1x16xf32>,
          %get3A_327 = arith.index_cast %scan3A_90 : i32 to index
          %get3A_328 = arith.constant 272 : index
          %get3A_329 = tpu.vector_load %arg5[%get3A_327, %get3A_328] {strides = array<i32>} : memref<8x768xf32, #tpu.memory_space<vmem>>, vector<1x16xf32>,
          %get3A_330 = vector.shape_cast %get3A_329 : vector<1x16xf32> to vector<16xf32>
          %get3A_331 = arith.index_cast %scan3A_90 : i32 to index
          %get3A_332 = arith.constant 272 : index
          %get3A_333 = tpu.vector_load %arg6[%get3A_331, %get3A_332] {strides = array<i32>} : memref<8x768xf32, #tpu.memory_space<vmem>>, vector<1x16xf32>,
          %get3A_334 = vector.shape_cast %get3A_333 : vector<1x16xf32> to vector<16xf32>
          %add3A_335 = arith.addf %get3A_330, %get3A_334 : vector<16xf32>
          %swap3A_336 = arith.index_cast %scan3A_90 : i32 to index
          %swap3A_337 = arith.constant 272 : index
          %swap3A_338 = tpu.vector_load %arg9[%swap3A_336, %swap3A_337] {strides = array<i32>} : memref<8x768xf32, #tpu.memory_space<vmem>>, vector<1x16xf32>,
          %swap3A_339 = vector.shape_cast %swap3A_338 : vector<1x16xf32> to vector<16xf32>
          %swap3A_340 = vector.shape_cast %add3A_335 : vector<16xf32> to vector<1x16xf32>
          tpu.vector_store %arg9[%swap3A_336, %swap3A_337], %swap3A_340 {strides = array<i32>} : memref<8x768xf32, #tpu.memory_space<vmem>>, vector<1x16xf32>,
          %get3A_341 = arith.index_cast %scan3A_90 : i32 to index
          %get3A_342 = arith.constant 288 : index
          %get3A_343 = tpu.vector_load %arg5[%get3A_341, %get3A_342] {strides = array<i32>} : memref<8x768xf32, #tpu.memory_space<vmem>>, vector<1x16xf32>,
          %get3A_344 = vector.shape_cast %get3A_343 : vector<1x16xf32> to vector<16xf32>
          %get3A_345 = arith.index_cast %scan3A_90 : i32 to index
          %get3A_346 = arith.constant 288 : index
          %get3A_347 = tpu.vector_load %arg6[%get3A_345, %get3A_346] {strides = array<i32>} : memref<8x768xf32, #tpu.memory_space<vmem>>, vector<1x16xf32>,
          %get3A_348 = vector.shape_cast %get3A_347 : vector<1x16xf32> to vector<16xf32>
          %add3A_349 = arith.addf %get3A_344, %get3A_348 : vector<16xf32>
          %swap3A_350 = arith.index_cast %scan3A_90 : i32 to index
          %swap3A_351 = arith.constant 288 : index
          %swap3A_352 = tpu.vector_load %arg9[%swap3A_350, %swap3A_351] {strides = array<i32>} : memref<8x768xf32, #tpu.memory_space<vmem>>, vector<1x16xf32>,
          %swap3A_353 = vector.shape_cast %swap3A_352 : vector<1x16xf32> to vector<16xf32>
          %swap3A_354 = vector.shape_cast %add3A_349 : vector<16xf32> to vector<1x16xf32>
          tpu.vector_store %arg9[%swap3A_350, %swap3A_351], %swap3A_354 {strides = array<i32>} : memref<8x768xf32, #tpu.memory_space<vmem>>, vector<1x16xf32>,
          %get3A_355 = arith.index_cast %scan3A_90 : i32 to index
          %get3A_356 = arith.constant 304 : index
          %get3A_357 = tpu.vector_load %arg5[%get3A_355, %get3A_356] {strides = array<i32>} : memref<8x768xf32, #tpu.memory_space<vmem>>, vector<1x16xf32>,
          %get3A_358 = vector.shape_cast %get3A_357 : vector<1x16xf32> to vector<16xf32>
          %get3A_359 = arith.index_cast %scan3A_90 : i32 to index
          %get3A_360 = arith.constant 304 : index
          %get3A_361 = tpu.vector_load %arg6[%get3A_359, %get3A_360] {strides = array<i32>} : memref<8x768xf32, #tpu.memory_space<vmem>>, vector<1x16xf32>,
          %get3A_362 = vector.shape_cast %get3A_361 : vector<1x16xf32> to vector<16xf32>
          %add3A_363 = arith.addf %get3A_358, %get3A_362 : vector<16xf32>
          %swap3A_364 = arith.index_cast %scan3A_90 : i32 to index
          %swap3A_365 = arith.constant 304 : index
          %swap3A_366 = tpu.vector_load %arg9[%swap3A_364, %swap3A_365] {strides = array<i32>} : memref<8x768xf32, #tpu.memory_space<vmem>>, vector<1x16xf32>,
          %swap3A_367 = vector.shape_cast %swap3A_366 : vector<1x16xf32> to vector<16xf32>
          %swap3A_368 = vector.shape_cast %add3A_363 : vector<16xf32> to vector<1x16xf32>
          tpu.vector_store %arg9[%swap3A_364, %swap3A_365], %swap3A_368 {strides = array<i32>} : memref<8x768xf32, #tpu.memory_space<vmem>>, vector<1x16xf32>,
          %get3A_369 = arith.index_cast %scan3A_90 : i32 to index
          %get3A_370 = arith.constant 320 : index
          %get3A_371 = tpu.vector_load %arg5[%get3A_369, %get3A_370] {strides = array<i32>} : memref<8x768xf32, #tpu.memory_space<vmem>>, vector<1x16xf32>,
          %get3A_372 = vector.shape_cast %get3A_371 : vector<1x16xf32> to vector<16xf32>
          %get3A_373 = arith.index_cast %scan3A_90 : i32 to index
          %get3A_374 = arith.constant 320 : index
          %get3A_375 = tpu.vector_load %arg6[%get3A_373, %get3A_374] {strides = array<i32>} : memref<8x768xf32, #tpu.memory_space<vmem>>, vector<1x16xf32>,
          %get3A_376 = vector.shape_cast %get3A_375 : vector<1x16xf32> to vector<16xf32>
          %add3A_377 = arith.addf %get3A_372, %get3A_376 : vector<16xf32>
          %swap3A_378 = arith.index_cast %scan3A_90 : i32 to index
          %swap3A_379 = arith.constant 320 : index
          %swap3A_380 = tpu.vector_load %arg9[%swap3A_378, %swap3A_379] {strides = array<i32>} : memref<8x768xf32, #tpu.memory_space<vmem>>, vector<1x16xf32>,
          %swap3A_381 = vector.shape_cast %swap3A_380 : vector<1x16xf32> to vector<16xf32>
          %swap3A_382 = vector.shape_cast %add3A_377 : vector<16xf32> to vector<1x16xf32>
          tpu.vector_store %arg9[%swap3A_378, %swap3A_379], %swap3A_382 {strides = array<i32>} : memref<8x768xf32, #tpu.memory_space<vmem>>, vector<1x16xf32>,
          %get3A_383 = arith.index_cast %scan3A_90 : i32 to index
          %get3A_384 = arith.constant 336 : index
          %get3A_385 = tpu.vector_load %arg5[%get3A_383, %get3A_384] {strides = array<i32>} : memref<8x768xf32, #tpu.memory_space<vmem>>, vector<1x16xf32>,
          %get3A_386 = vector.shape_cast %get3A_385 : vector<1x16xf32> to vector<16xf32>
          %get3A_387 = arith.index_cast %scan3A_90 : i32 to index
          %get3A_388 = arith.constant 336 : index
          %get3A_389 = tpu.vector_load %arg6[%get3A_387, %get3A_388] {strides = array<i32>} : memref<8x768xf32, #tpu.memory_space<vmem>>, vector<1x16xf32>,
          %get3A_390 = vector.shape_cast %get3A_389 : vector<1x16xf32> to vector<16xf32>
          %add3A_391 = arith.addf %get3A_386, %get3A_390 : vector<16xf32>
          %swap3A_392 = arith.index_cast %scan3A_90 : i32 to index
          %swap3A_393 = arith.constant 336 : index
          %swap3A_394 = tpu.vector_load %arg9[%swap3A_392, %swap3A_393] {strides = array<i32>} : memref<8x768xf32, #tpu.memory_space<vmem>>, vector<1x16xf32>,
          %swap3A_395 = vector.shape_cast %swap3A_394 : vector<1x16xf32> to vector<16xf32>
          %swap3A_396 = vector.shape_cast %add3A_391 : vector<16xf32> to vector<1x16xf32>
          tpu.vector_store %arg9[%swap3A_392, %swap3A_393], %swap3A_396 {strides = array<i32>} : memref<8x768xf32, #tpu.memory_space<vmem>>, vector<1x16xf32>,
          %get3A_397 = arith.index_cast %scan3A_90 : i32 to index
          %get3A_398 = arith.constant 352 : index
          %get3A_399 = tpu.vector_load %arg5[%get3A_397, %get3A_398] {strides = array<i32>} : memref<8x768xf32, #tpu.memory_space<vmem>>, vector<1x16xf32>,
          %get3A_400 = vector.shape_cast %get3A_399 : vector<1x16xf32> to vector<16xf32>
          %get3A_401 = arith.index_cast %scan3A_90 : i32 to index
          %get3A_402 = arith.constant 352 : index
          %get3A_403 = tpu.vector_load %arg6[%get3A_401, %get3A_402] {strides = array<i32>} : memref<8x768xf32, #tpu.memory_space<vmem>>, vector<1x16xf32>,
          %get3A_404 = vector.shape_cast %get3A_403 : vector<1x16xf32> to vector<16xf32>
          %add3A_405 = arith.addf %get3A_400, %get3A_404 : vector<16xf32>
          %swap3A_406 = arith.index_cast %scan3A_90 : i32 to index
          %swap3A_407 = arith.constant 352 : index
          %swap3A_408 = tpu.vector_load %arg9[%swap3A_406, %swap3A_407] {strides = array<i32>} : memref<8x768xf32, #tpu.memory_space<vmem>>, vector<1x16xf32>,
          %swap3A_409 = vector.shape_cast %swap3A_408 : vector<1x16xf32> to vector<16xf32>
          %swap3A_410 = vector.shape_cast %add3A_405 : vector<16xf32> to vector<1x16xf32>
          tpu.vector_store %arg9[%swap3A_406, %swap3A_407], %swap3A_410 {strides = array<i32>} : memref<8x768xf32, #tpu.memory_space<vmem>>, vector<1x16xf32>,
          %get3A_411 = arith.index_cast %scan3A_90 : i32 to index
          %get3A_412 = arith.constant 368 : index
          %get3A_413 = tpu.vector_load %arg5[%get3A_411, %get3A_412] {strides = array<i32>} : memref<8x768xf32, #tpu.memory_space<vmem>>, vector<1x16xf32>,
          %get3A_414 = vector.shape_cast %get3A_413 : vector<1x16xf32> to vector<16xf32>
          %get3A_415 = arith.index_cast %scan3A_90 : i32 to index
          %get3A_416 = arith.constant 368 : index
          %get3A_417 = tpu.vector_load %arg6[%get3A_415, %get3A_416] {strides = array<i32>} : memref<8x768xf32, #tpu.memory_space<vmem>>, vector<1x16xf32>,
          %get3A_418 = vector.shape_cast %get3A_417 : vector<1x16xf32> to vector<16xf32>
          %add3A_419 = arith.addf %get3A_414, %get3A_418 : vector<16xf32>
          %swap3A_420 = arith.index_cast %scan3A_90 : i32 to index
          %swap3A_421 = arith.constant 368 : index
          %swap3A_422 = tpu.vector_load %arg9[%swap3A_420, %swap3A_421] {strides = array<i32>} : memref<8x768xf32, #tpu.memory_space<vmem>>, vector<1x16xf32>,
          %swap3A_423 = vector.shape_cast %swap3A_422 : vector<1x16xf32> to vector<16xf32>
          %swap3A_424 = vector.shape_cast %add3A_419 : vector<16xf32> to vector<1x16xf32>
          tpu.vector_store %arg9[%swap3A_420, %swap3A_421], %swap3A_424 {strides = array<i32>} : memref<8x768xf32, #tpu.memory_space<vmem>>, vector<1x16xf32>,
          %get3A_425 = arith.index_cast %scan3A_90 : i32 to index
          %get3A_426 = arith.constant 384 : index
          %get3A_427 = tpu.vector_load %arg5[%get3A_425, %get3A_426] {strides = array<i32>} : memref<8x768xf32, #tpu.memory_space<vmem>>, vector<1x16xf32>,
          %get3A_428 = vector.shape_cast %get3A_427 : vector<1x16xf32> to vector<16xf32>
          %get3A_429 = arith.index_cast %scan3A_90 : i32 to index
          %get3A_430 = arith.constant 384 : index
          %get3A_431 = tpu.vector_load %arg6[%get3A_429, %get3A_430] {strides = array<i32>} : memref<8x768xf32, #tpu.memory_space<vmem>>, vector<1x16xf32>,
          %get3A_432 = vector.shape_cast %get3A_431 : vector<1x16xf32> to vector<16xf32>
          %add3A_433 = arith.addf %get3A_428, %get3A_432 : vector<16xf32>
          %swap3A_434 = arith.index_cast %scan3A_90 : i32 to index
          %swap3A_435 = arith.constant 384 : index
          %swap3A_436 = tpu.vector_load %arg9[%swap3A_434, %swap3A_435] {strides = array<i32>} : memref<8x768xf32, #tpu.memory_space<vmem>>, vector<1x16xf32>,
          %swap3A_437 = vector.shape_cast %swap3A_436 : vector<1x16xf32> to vector<16xf32>
          %swap3A_438 = vector.shape_cast %add3A_433 : vector<16xf32> to vector<1x16xf32>
          tpu.vector_store %arg9[%swap3A_434, %swap3A_435], %swap3A_438 {strides = array<i32>} : memref<8x768xf32, #tpu.memory_space<vmem>>, vector<1x16xf32>,
          %get3A_439 = arith.index_cast %scan3A_90 : i32 to index
          %get3A_440 = arith.constant 400 : index
          %get3A_441 = tpu.vector_load %arg5[%get3A_439, %get3A_440] {strides = array<i32>} : memref<8x768xf32, #tpu.memory_space<vmem>>, vector<1x16xf32>,
          %get3A_442 = vector.shape_cast %get3A_441 : vector<1x16xf32> to vector<16xf32>
          %get3A_443 = arith.index_cast %scan3A_90 : i32 to index
          %get3A_444 = arith.constant 400 : index
          %get3A_445 = tpu.vector_load %arg6[%get3A_443, %get3A_444] {strides = array<i32>} : memref<8x768xf32, #tpu.memory_space<vmem>>, vector<1x16xf32>,
          %get3A_446 = vector.shape_cast %get3A_445 : vector<1x16xf32> to vector<16xf32>
          %add3A_447 = arith.addf %get3A_442, %get3A_446 : vector<16xf32>
          %swap3A_448 = arith.index_cast %scan3A_90 : i32 to index
          %swap3A_449 = arith.constant 400 : index
          %swap3A_450 = tpu.vector_load %arg9[%swap3A_448, %swap3A_449] {strides = array<i32>} : memref<8x768xf32, #tpu.memory_space<vmem>>, vector<1x16xf32>,
          %swap3A_451 = vector.shape_cast %swap3A_450 : vector<1x16xf32> to vector<16xf32>
          %swap3A_452 = vector.shape_cast %add3A_447 : vector<16xf32> to vector<1x16xf32>
          tpu.vector_store %arg9[%swap3A_448, %swap3A_449], %swap3A_452 {strides = array<i32>} : memref<8x768xf32, #tpu.memory_space<vmem>>, vector<1x16xf32>,
          %get3A_453 = arith.index_cast %scan3A_90 : i32 to index
          %get3A_454 = arith.constant 416 : index
          %get3A_455 = tpu.vector_load %arg5[%get3A_453, %get3A_454] {strides = array<i32>} : memref<8x768xf32, #tpu.memory_space<vmem>>, vector<1x16xf32>,
          %get3A_456 = vector.shape_cast %get3A_455 : vector<1x16xf32> to vector<16xf32>
          %get3A_457 = arith.index_cast %scan3A_90 : i32 to index
          %get3A_458 = arith.constant 416 : index
          %get3A_459 = tpu.vector_load %arg6[%get3A_457, %get3A_458] {strides = array<i32>} : memref<8x768xf32, #tpu.memory_space<vmem>>, vector<1x16xf32>,
          %get3A_460 = vector.shape_cast %get3A_459 : vector<1x16xf32> to vector<16xf32>
          %add3A_461 = arith.addf %get3A_456, %get3A_460 : vector<16xf32>
          %swap3A_462 = arith.index_cast %scan3A_90 : i32 to index
          %swap3A_463 = arith.constant 416 : index
          %swap3A_464 = tpu.vector_load %arg9[%swap3A_462, %swap3A_463] {strides = array<i32>} : memref<8x768xf32, #tpu.memory_space<vmem>>, vector<1x16xf32>,
          %swap3A_465 = vector.shape_cast %swap3A_464 : vector<1x16xf32> to vector<16xf32>
          %swap3A_466 = vector.shape_cast %add3A_461 : vector<16xf32> to vector<1x16xf32>
          tpu.vector_store %arg9[%swap3A_462, %swap3A_463], %swap3A_466 {strides = array<i32>} : memref<8x768xf32, #tpu.memory_space<vmem>>, vector<1x16xf32>,
          %get3A_467 = arith.index_cast %scan3A_90 : i32 to index
          %get3A_468 = arith.constant 432 : index
          %get3A_469 = tpu.vector_load %arg5[%get3A_467, %get3A_468] {strides = array<i32>} : memref<8x768xf32, #tpu.memory_space<vmem>>, vector<1x16xf32>,
          %get3A_470 = vector.shape_cast %get3A_469 : vector<1x16xf32> to vector<16xf32>
          %get3A_471 = arith.index_cast %scan3A_90 : i32 to index
          %get3A_472 = arith.constant 432 : index
          %get3A_473 = tpu.vector_load %arg6[%get3A_471, %get3A_472] {strides = array<i32>} : memref<8x768xf32, #tpu.memory_space<vmem>>, vector<1x16xf32>,
          %get3A_474 = vector.shape_cast %get3A_473 : vector<1x16xf32> to vector<16xf32>
          %add3A_475 = arith.addf %get3A_470, %get3A_474 : vector<16xf32>
          %swap3A_476 = arith.index_cast %scan3A_90 : i32 to index
          %swap3A_477 = arith.constant 432 : index
          %swap3A_478 = tpu.vector_load %arg9[%swap3A_476, %swap3A_477] {strides = array<i32>} : memref<8x768xf32, #tpu.memory_space<vmem>>, vector<1x16xf32>,
          %swap3A_479 = vector.shape_cast %swap3A_478 : vector<1x16xf32> to vector<16xf32>
          %swap3A_480 = vector.shape_cast %add3A_475 : vector<16xf32> to vector<1x16xf32>
          tpu.vector_store %arg9[%swap3A_476, %swap3A_477], %swap3A_480 {strides = array<i32>} : memref<8x768xf32, #tpu.memory_space<vmem>>, vector<1x16xf32>,
          %get3A_481 = arith.index_cast %scan3A_90 : i32 to index
          %get3A_482 = arith.constant 448 : index
          %get3A_483 = tpu.vector_load %arg5[%get3A_481, %get3A_482] {strides = array<i32>} : memref<8x768xf32, #tpu.memory_space<vmem>>, vector<1x16xf32>,
          %get3A_484 = vector.shape_cast %get3A_483 : vector<1x16xf32> to vector<16xf32>
          %get3A_485 = arith.index_cast %scan3A_90 : i32 to index
          %get3A_486 = arith.constant 448 : index
          %get3A_487 = tpu.vector_load %arg6[%get3A_485, %get3A_486] {strides = array<i32>} : memref<8x768xf32, #tpu.memory_space<vmem>>, vector<1x16xf32>,
          %get3A_488 = vector.shape_cast %get3A_487 : vector<1x16xf32> to vector<16xf32>
          %add3A_489 = arith.addf %get3A_484, %get3A_488 : vector<16xf32>
          %swap3A_490 = arith.index_cast %scan3A_90 : i32 to index
          %swap3A_491 = arith.constant 448 : index
          %swap3A_492 = tpu.vector_load %arg9[%swap3A_490, %swap3A_491] {strides = array<i32>} : memref<8x768xf32, #tpu.memory_space<vmem>>, vector<1x16xf32>,
          %swap3A_493 = vector.shape_cast %swap3A_492 : vector<1x16xf32> to vector<16xf32>
          %swap3A_494 = vector.shape_cast %add3A_489 : vector<16xf32> to vector<1x16xf32>
          tpu.vector_store %arg9[%swap3A_490, %swap3A_491], %swap3A_494 {strides = array<i32>} : memref<8x768xf32, #tpu.memory_space<vmem>>, vector<1x16xf32>,
          %get3A_495 = arith.index_cast %scan3A_90 : i32 to index
          %get3A_496 = arith.constant 464 : index
          %get3A_497 = tpu.vector_load %arg5[%get3A_495, %get3A_496] {strides = array<i32>} : memref<8x768xf32, #tpu.memory_space<vmem>>, vector<1x16xf32>,
          %get3A_498 = vector.shape_cast %get3A_497 : vector<1x16xf32> to vector<16xf32>
          %get3A_499 = arith.index_cast %scan3A_90 : i32 to index
          %get3A_500 = arith.constant 464 : index
          %get3A_501 = tpu.vector_load %arg6[%get3A_499, %get3A_500] {strides = array<i32>} : memref<8x768xf32, #tpu.memory_space<vmem>>, vector<1x16xf32>,
          %get3A_502 = vector.shape_cast %get3A_501 : vector<1x16xf32> to vector<16xf32>
          %add3A_503 = arith.addf %get3A_498, %get3A_502 : vector<16xf32>
          %swap3A_504 = arith.index_cast %scan3A_90 : i32 to index
          %swap3A_505 = arith.constant 464 : index
          %swap3A_506 = tpu.vector_load %arg9[%swap3A_504, %swap3A_505] {strides = array<i32>} : memref<8x768xf32, #tpu.memory_space<vmem>>, vector<1x16xf32>,
          %swap3A_507 = vector.shape_cast %swap3A_506 : vector<1x16xf32> to vector<16xf32>
          %swap3A_508 = vector.shape_cast %add3A_503 : vector<16xf32> to vector<1x16xf32>
          tpu.vector_store %arg9[%swap3A_504, %swap3A_505], %swap3A_508 {strides = array<i32>} : memref<8x768xf32, #tpu.memory_space<vmem>>, vector<1x16xf32>,
          %get3A_509 = arith.index_cast %scan3A_90 : i32 to index
          %get3A_510 = arith.constant 480 : index
          %get3A_511 = tpu.vector_load %arg5[%get3A_509, %get3A_510] {strides = array<i32>} : memref<8x768xf32, #tpu.memory_space<vmem>>, vector<1x16xf32>,
          %get3A_512 = vector.shape_cast %get3A_511 : vector<1x16xf32> to vector<16xf32>
          %get3A_513 = arith.index_cast %scan3A_90 : i32 to index
          %get3A_514 = arith.constant 480 : index
          %get3A_515 = tpu.vector_load %arg6[%get3A_513, %get3A_514] {strides = array<i32>} : memref<8x768xf32, #tpu.memory_space<vmem>>, vector<1x16xf32>,
          %get3A_516 = vector.shape_cast %get3A_515 : vector<1x16xf32> to vector<16xf32>
          %add3A_517 = arith.addf %get3A_512, %get3A_516 : vector<16xf32>
          %swap3A_518 = arith.index_cast %scan3A_90 : i32 to index
          %swap3A_519 = arith.constant 480 : index
          %swap3A_520 = tpu.vector_load %arg9[%swap3A_518, %swap3A_519] {strides = array<i32>} : memref<8x768xf32, #tpu.memory_space<vmem>>, vector<1x16xf32>,
          %swap3A_521 = vector.shape_cast %swap3A_520 : vector<1x16xf32> to vector<16xf32>
          %swap3A_522 = vector.shape_cast %add3A_517 : vector<16xf32> to vector<1x16xf32>
          tpu.vector_store %arg9[%swap3A_518, %swap3A_519], %swap3A_522 {strides = array<i32>} : memref<8x768xf32, #tpu.memory_space<vmem>>, vector<1x16xf32>,
          %get3A_523 = arith.index_cast %scan3A_90 : i32 to index
          %get3A_524 = arith.constant 496 : index
          %get3A_525 = tpu.vector_load %arg5[%get3A_523, %get3A_524] {strides = array<i32>} : memref<8x768xf32, #tpu.memory_space<vmem>>, vector<1x16xf32>,
          %get3A_526 = vector.shape_cast %get3A_525 : vector<1x16xf32> to vector<16xf32>
          %get3A_527 = arith.index_cast %scan3A_90 : i32 to index
          %get3A_528 = arith.constant 496 : index
          %get3A_529 = tpu.vector_load %arg6[%get3A_527, %get3A_528] {strides = array<i32>} : memref<8x768xf32, #tpu.memory_space<vmem>>, vector<1x16xf32>,
          %get3A_530 = vector.shape_cast %get3A_529 : vector<1x16xf32> to vector<16xf32>
          %add3A_531 = arith.addf %get3A_526, %get3A_530 : vector<16xf32>
          %swap3A_532 = arith.index_cast %scan3A_90 : i32 to index
          %swap3A_533 = arith.constant 496 : index
          %swap3A_534 = tpu.vector_load %arg9[%swap3A_532, %swap3A_533] {strides = array<i32>} : memref<8x768xf32, #tpu.memory_space<vmem>>, vector<1x16xf32>,
          %swap3A_535 = vector.shape_cast %swap3A_534 : vector<1x16xf32> to vector<16xf32>
          %swap3A_536 = vector.shape_cast %add3A_531 : vector<16xf32> to vector<1x16xf32>
          tpu.vector_store %arg9[%swap3A_532, %swap3A_533], %swap3A_536 {strides = array<i32>} : memref<8x768xf32, #tpu.memory_space<vmem>>, vector<1x16xf32>,
          %get3A_537 = arith.index_cast %scan3A_90 : i32 to index
          %get3A_538 = arith.constant 512 : index
          %get3A_539 = tpu.vector_load %arg5[%get3A_537, %get3A_538] {strides = array<i32>} : memref<8x768xf32, #tpu.memory_space<vmem>>, vector<1x16xf32>,
          %get3A_540 = vector.shape_cast %get3A_539 : vector<1x16xf32> to vector<16xf32>
          %get3A_541 = arith.index_cast %scan3A_90 : i32 to index
          %get3A_542 = arith.constant 512 : index
          %get3A_543 = tpu.vector_load %arg6[%get3A_541, %get3A_542] {strides = array<i32>} : memref<8x768xf32, #tpu.memory_space<vmem>>, vector<1x16xf32>,
          %get3A_544 = vector.shape_cast %get3A_543 : vector<1x16xf32> to vector<16xf32>
          %add3A_545 = arith.addf %get3A_540, %get3A_544 : vector<16xf32>
          %swap3A_546 = arith.index_cast %scan3A_90 : i32 to index
          %swap3A_547 = arith.constant 512 : index
          %swap3A_548 = tpu.vector_load %arg9[%swap3A_546, %swap3A_547] {strides = array<i32>} : memref<8x768xf32, #tpu.memory_space<vmem>>, vector<1x16xf32>,
          %swap3A_549 = vector.shape_cast %swap3A_548 : vector<1x16xf32> to vector<16xf32>
          %swap3A_550 = vector.shape_cast %add3A_545 : vector<16xf32> to vector<1x16xf32>
          tpu.vector_store %arg9[%swap3A_546, %swap3A_547], %swap3A_550 {strides = array<i32>} : memref<8x768xf32, #tpu.memory_space<vmem>>, vector<1x16xf32>,
          %get3A_551 = arith.index_cast %scan3A_90 : i32 to index
          %get3A_552 = arith.constant 528 : index
          %get3A_553 = tpu.vector_load %arg5[%get3A_551, %get3A_552] {strides = array<i32>} : memref<8x768xf32, #tpu.memory_space<vmem>>, vector<1x16xf32>,
          %get3A_554 = vector.shape_cast %get3A_553 : vector<1x16xf32> to vector<16xf32>
          %get3A_555 = arith.index_cast %scan3A_90 : i32 to index
          %get3A_556 = arith.constant 528 : index
          %get3A_557 = tpu.vector_load %arg6[%get3A_555, %get3A_556] {strides = array<i32>} : memref<8x768xf32, #tpu.memory_space<vmem>>, vector<1x16xf32>,
          %get3A_558 = vector.shape_cast %get3A_557 : vector<1x16xf32> to vector<16xf32>
          %add3A_559 = arith.addf %get3A_554, %get3A_558 : vector<16xf32>
          %swap3A_560 = arith.index_cast %scan3A_90 : i32 to index
          %swap3A_561 = arith.constant 528 : index
          %swap3A_562 = tpu.vector_load %arg9[%swap3A_560, %swap3A_561] {strides = array<i32>} : memref<8x768xf32, #tpu.memory_space<vmem>>, vector<1x16xf32>,
          %swap3A_563 = vector.shape_cast %swap3A_562 : vector<1x16xf32> to vector<16xf32>
          %swap3A_564 = vector.shape_cast %add3A_559 : vector<16xf32> to vector<1x16xf32>
          tpu.vector_store %arg9[%swap3A_560, %swap3A_561], %swap3A_564 {strides = array<i32>} : memref<8x768xf32, #tpu.memory_space<vmem>>, vector<1x16xf32>,
          %get3A_565 = arith.index_cast %scan3A_90 : i32 to index
          %get3A_566 = arith.constant 544 : index
          %get3A_567 = tpu.vector_load %arg5[%get3A_565, %get3A_566] {strides = array<i32>} : memref<8x768xf32, #tpu.memory_space<vmem>>, vector<1x16xf32>,
          %get3A_568 = vector.shape_cast %get3A_567 : vector<1x16xf32> to vector<16xf32>
          %get3A_569 = arith.index_cast %scan3A_90 : i32 to index
          %get3A_570 = arith.constant 544 : index
          %get3A_571 = tpu.vector_load %arg6[%get3A_569, %get3A_570] {strides = array<i32>} : memref<8x768xf32, #tpu.memory_space<vmem>>, vector<1x16xf32>,
          %get3A_572 = vector.shape_cast %get3A_571 : vector<1x16xf32> to vector<16xf32>
          %add3A_573 = arith.addf %get3A_568, %get3A_572 : vector<16xf32>
          %swap3A_574 = arith.index_cast %scan3A_90 : i32 to index
          %swap3A_575 = arith.constant 544 : index
          %swap3A_576 = tpu.vector_load %arg9[%swap3A_574, %swap3A_575] {strides = array<i32>} : memref<8x768xf32, #tpu.memory_space<vmem>>, vector<1x16xf32>,
          %swap3A_577 = vector.shape_cast %swap3A_576 : vector<1x16xf32> to vector<16xf32>
          %swap3A_578 = vector.shape_cast %add3A_573 : vector<16xf32> to vector<1x16xf32>
          tpu.vector_store %arg9[%swap3A_574, %swap3A_575], %swap3A_578 {strides = array<i32>} : memref<8x768xf32, #tpu.memory_space<vmem>>, vector<1x16xf32>,
          %get3A_579 = arith.index_cast %scan3A_90 : i32 to index
          %get3A_580 = arith.constant 560 : index
          %get3A_581 = tpu.vector_load %arg5[%get3A_579, %get3A_580] {strides = array<i32>} : memref<8x768xf32, #tpu.memory_space<vmem>>, vector<1x16xf32>,
          %get3A_582 = vector.shape_cast %get3A_581 : vector<1x16xf32> to vector<16xf32>
          %get3A_583 = arith.index_cast %scan3A_90 : i32 to index
          %get3A_584 = arith.constant 560 : index
          %get3A_585 = tpu.vector_load %arg6[%get3A_583, %get3A_584] {strides = array<i32>} : memref<8x768xf32, #tpu.memory_space<vmem>>, vector<1x16xf32>,
          %get3A_586 = vector.shape_cast %get3A_585 : vector<1x16xf32> to vector<16xf32>
          %add3A_587 = arith.addf %get3A_582, %get3A_586 : vector<16xf32>
          %swap3A_588 = arith.index_cast %scan3A_90 : i32 to index
          %swap3A_589 = arith.constant 560 : index
          %swap3A_590 = tpu.vector_load %arg9[%swap3A_588, %swap3A_589] {strides = array<i32>} : memref<8x768xf32, #tpu.memory_space<vmem>>, vector<1x16xf32>,
          %swap3A_591 = vector.shape_cast %swap3A_590 : vector<1x16xf32> to vector<16xf32>
          %swap3A_592 = vector.shape_cast %add3A_587 : vector<16xf32> to vector<1x16xf32>
          tpu.vector_store %arg9[%swap3A_588, %swap3A_589], %swap3A_592 {strides = array<i32>} : memref<8x768xf32, #tpu.memory_space<vmem>>, vector<1x16xf32>,
          %get3A_593 = arith.index_cast %scan3A_90 : i32 to index
          %get3A_594 = arith.constant 576 : index
          %get3A_595 = tpu.vector_load %arg5[%get3A_593, %get3A_594] {strides = array<i32>} : memref<8x768xf32, #tpu.memory_space<vmem>>, vector<1x16xf32>,
          %get3A_596 = vector.shape_cast %get3A_595 : vector<1x16xf32> to vector<16xf32>
          %get3A_597 = arith.index_cast %scan3A_90 : i32 to index
          %get3A_598 = arith.constant 576 : index
          %get3A_599 = tpu.vector_load %arg6[%get3A_597, %get3A_598] {strides = array<i32>} : memref<8x768xf32, #tpu.memory_space<vmem>>, vector<1x16xf32>,
          %get3A_600 = vector.shape_cast %get3A_599 : vector<1x16xf32> to vector<16xf32>
          %add3A_601 = arith.addf %get3A_596, %get3A_600 : vector<16xf32>
          %swap3A_602 = arith.index_cast %scan3A_90 : i32 to index
          %swap3A_603 = arith.constant 576 : index
          %swap3A_604 = tpu.vector_load %arg9[%swap3A_602, %swap3A_603] {strides = array<i32>} : memref<8x768xf32, #tpu.memory_space<vmem>>, vector<1x16xf32>,
          %swap3A_605 = vector.shape_cast %swap3A_604 : vector<1x16xf32> to vector<16xf32>
          %swap3A_606 = vector.shape_cast %add3A_601 : vector<16xf32> to vector<1x16xf32>
          tpu.vector_store %arg9[%swap3A_602, %swap3A_603], %swap3A_606 {strides = array<i32>} : memref<8x768xf32, #tpu.memory_space<vmem>>, vector<1x16xf32>,
          %get3A_607 = arith.index_cast %scan3A_90 : i32 to index
          %get3A_608 = arith.constant 592 : index
          %get3A_609 = tpu.vector_load %arg5[%get3A_607, %get3A_608] {strides = array<i32>} : memref<8x768xf32, #tpu.memory_space<vmem>>, vector<1x16xf32>,
          %get3A_610 = vector.shape_cast %get3A_609 : vector<1x16xf32> to vector<16xf32>
          %get3A_611 = arith.index_cast %scan3A_90 : i32 to index
          %get3A_612 = arith.constant 592 : index
          %get3A_613 = tpu.vector_load %arg6[%get3A_611, %get3A_612] {strides = array<i32>} : memref<8x768xf32, #tpu.memory_space<vmem>>, vector<1x16xf32>,
          %get3A_614 = vector.shape_cast %get3A_613 : vector<1x16xf32> to vector<16xf32>
          %add3A_615 = arith.addf %get3A_610, %get3A_614 : vector<16xf32>
          %swap3A_616 = arith.index_cast %scan3A_90 : i32 to index
          %swap3A_617 = arith.constant 592 : index
          %swap3A_618 = tpu.vector_load %arg9[%swap3A_616, %swap3A_617] {strides = array<i32>} : memref<8x768xf32, #tpu.memory_space<vmem>>, vector<1x16xf32>,
          %swap3A_619 = vector.shape_cast %swap3A_618 : vector<1x16xf32> to vector<16xf32>
          %swap3A_620 = vector.shape_cast %add3A_615 : vector<16xf32> to vector<1x16xf32>
          tpu.vector_store %arg9[%swap3A_616, %swap3A_617], %swap3A_620 {strides = array<i32>} : memref<8x768xf32, #tpu.memory_space<vmem>>, vector<1x16xf32>,
          %get3A_621 = arith.index_cast %scan3A_90 : i32 to index
          %get3A_622 = arith.constant 608 : index
          %get3A_623 = tpu.vector_load %arg5[%get3A_621, %get3A_622] {strides = array<i32>} : memref<8x768xf32, #tpu.memory_space<vmem>>, vector<1x16xf32>,
          %get3A_624 = vector.shape_cast %get3A_623 : vector<1x16xf32> to vector<16xf32>
          %get3A_625 = arith.index_cast %scan3A_90 : i32 to index
          %get3A_626 = arith.constant 608 : index
          %get3A_627 = tpu.vector_load %arg6[%get3A_625, %get3A_626] {strides = array<i32>} : memref<8x768xf32, #tpu.memory_space<vmem>>, vector<1x16xf32>,
          %get3A_628 = vector.shape_cast %get3A_627 : vector<1x16xf32> to vector<16xf32>
          %add3A_629 = arith.addf %get3A_624, %get3A_628 : vector<16xf32>
          %swap3A_630 = arith.index_cast %scan3A_90 : i32 to index
          %swap3A_631 = arith.constant 608 : index
          %swap3A_632 = tpu.vector_load %arg9[%swap3A_630, %swap3A_631] {strides = array<i32>} : memref<8x768xf32, #tpu.memory_space<vmem>>, vector<1x16xf32>,
          %swap3A_633 = vector.shape_cast %swap3A_632 : vector<1x16xf32> to vector<16xf32>
          %swap3A_634 = vector.shape_cast %add3A_629 : vector<16xf32> to vector<1x16xf32>
          tpu.vector_store %arg9[%swap3A_630, %swap3A_631], %swap3A_634 {strides = array<i32>} : memref<8x768xf32, #tpu.memory_space<vmem>>, vector<1x16xf32>,
          %get3A_635 = arith.index_cast %scan3A_90 : i32 to index
          %get3A_636 = arith.constant 624 : index
          %get3A_637 = tpu.vector_load %arg5[%get3A_635, %get3A_636] {strides = array<i32>} : memref<8x768xf32, #tpu.memory_space<vmem>>, vector<1x16xf32>,
          %get3A_638 = vector.shape_cast %get3A_637 : vector<1x16xf32> to vector<16xf32>
          %get3A_639 = arith.index_cast %scan3A_90 : i32 to index
          %get3A_640 = arith.constant 624 : index
          %get3A_641 = tpu.vector_load %arg6[%get3A_639, %get3A_640] {strides = array<i32>} : memref<8x768xf32, #tpu.memory_space<vmem>>, vector<1x16xf32>,
          %get3A_642 = vector.shape_cast %get3A_641 : vector<1x16xf32> to vector<16xf32>
          %add3A_643 = arith.addf %get3A_638, %get3A_642 : vector<16xf32>
          %swap3A_644 = arith.index_cast %scan3A_90 : i32 to index
          %swap3A_645 = arith.constant 624 : index
          %swap3A_646 = tpu.vector_load %arg9[%swap3A_644, %swap3A_645] {strides = array<i32>} : memref<8x768xf32, #tpu.memory_space<vmem>>, vector<1x16xf32>,
          %swap3A_647 = vector.shape_cast %swap3A_646 : vector<1x16xf32> to vector<16xf32>
          %swap3A_648 = vector.shape_cast %add3A_643 : vector<16xf32> to vector<1x16xf32>
          tpu.vector_store %arg9[%swap3A_644, %swap3A_645], %swap3A_648 {strides = array<i32>} : memref<8x768xf32, #tpu.memory_space<vmem>>, vector<1x16xf32>,
          %get3A_649 = arith.index_cast %scan3A_90 : i32 to index
          %get3A_650 = arith.constant 640 : index
          %get3A_651 = tpu.vector_load %arg5[%get3A_649, %get3A_650] {strides = array<i32>} : memref<8x768xf32, #tpu.memory_space<vmem>>, vector<1x16xf32>,
          %get3A_652 = vector.shape_cast %get3A_651 : vector<1x16xf32> to vector<16xf32>
          %get3A_653 = arith.index_cast %scan3A_90 : i32 to index
          %get3A_654 = arith.constant 640 : index
          %get3A_655 = tpu.vector_load %arg6[%get3A_653, %get3A_654] {strides = array<i32>} : memref<8x768xf32, #tpu.memory_space<vmem>>, vector<1x16xf32>,
          %get3A_656 = vector.shape_cast %get3A_655 : vector<1x16xf32> to vector<16xf32>
          %add3A_657 = arith.addf %get3A_652, %get3A_656 : vector<16xf32>
          %swap3A_658 = arith.index_cast %scan3A_90 : i32 to index
          %swap3A_659 = arith.constant 640 : index
          %swap3A_660 = tpu.vector_load %arg9[%swap3A_658, %swap3A_659] {strides = array<i32>} : memref<8x768xf32, #tpu.memory_space<vmem>>, vector<1x16xf32>,
          %swap3A_661 = vector.shape_cast %swap3A_660 : vector<1x16xf32> to vector<16xf32>
          %swap3A_662 = vector.shape_cast %add3A_657 : vector<16xf32> to vector<1x16xf32>
          tpu.vector_store %arg9[%swap3A_658, %swap3A_659], %swap3A_662 {strides = array<i32>} : memref<8x768xf32, #tpu.memory_space<vmem>>, vector<1x16xf32>,
          %get3A_663 = arith.index_cast %scan3A_90 : i32 to index
          %get3A_664 = arith.constant 656 : index
          %get3A_665 = tpu.vector_load %arg5[%get3A_663, %get3A_664] {strides = array<i32>} : memref<8x768xf32, #tpu.memory_space<vmem>>, vector<1x16xf32>,
          %get3A_666 = vector.shape_cast %get3A_665 : vector<1x16xf32> to vector<16xf32>
          %get3A_667 = arith.index_cast %scan3A_90 : i32 to index
          %get3A_668 = arith.constant 656 : index
          %get3A_669 = tpu.vector_load %arg6[%get3A_667, %get3A_668] {strides = array<i32>} : memref<8x768xf32, #tpu.memory_space<vmem>>, vector<1x16xf32>,
          %get3A_670 = vector.shape_cast %get3A_669 : vector<1x16xf32> to vector<16xf32>
          %add3A_671 = arith.addf %get3A_666, %get3A_670 : vector<16xf32>
          %swap3A_672 = arith.index_cast %scan3A_90 : i32 to index
          %swap3A_673 = arith.constant 656 : index
          %swap3A_674 = tpu.vector_load %arg9[%swap3A_672, %swap3A_673] {strides = array<i32>} : memref<8x768xf32, #tpu.memory_space<vmem>>, vector<1x16xf32>,
          %swap3A_675 = vector.shape_cast %swap3A_674 : vector<1x16xf32> to vector<16xf32>
          %swap3A_676 = vector.shape_cast %add3A_671 : vector<16xf32> to vector<1x16xf32>
          tpu.vector_store %arg9[%swap3A_672, %swap3A_673], %swap3A_676 {strides = array<i32>} : memref<8x768xf32, #tpu.memory_space<vmem>>, vector<1x16xf32>,
          %get3A_677 = arith.index_cast %scan3A_90 : i32 to index
          %get3A_678 = arith.constant 672 : index
          %get3A_679 = tpu.vector_load %arg5[%get3A_677, %get3A_678] {strides = array<i32>} : memref<8x768xf32, #tpu.memory_space<vmem>>, vector<1x16xf32>,
          %get3A_680 = vector.shape_cast %get3A_679 : vector<1x16xf32> to vector<16xf32>
          %get3A_681 = arith.index_cast %scan3A_90 : i32 to index
          %get3A_682 = arith.constant 672 : index
          %get3A_683 = tpu.vector_load %arg6[%get3A_681, %get3A_682] {strides = array<i32>} : memref<8x768xf32, #tpu.memory_space<vmem>>, vector<1x16xf32>,
          %get3A_684 = vector.shape_cast %get3A_683 : vector<1x16xf32> to vector<16xf32>
          %add3A_685 = arith.addf %get3A_680, %get3A_684 : vector<16xf32>
          %swap3A_686 = arith.index_cast %scan3A_90 : i32 to index
          %swap3A_687 = arith.constant 672 : index
          %swap3A_688 = tpu.vector_load %arg9[%swap3A_686, %swap3A_687] {strides = array<i32>} : memref<8x768xf32, #tpu.memory_space<vmem>>, vector<1x16xf32>,
          %swap3A_689 = vector.shape_cast %swap3A_688 : vector<1x16xf32> to vector<16xf32>
          %swap3A_690 = vector.shape_cast %add3A_685 : vector<16xf32> to vector<1x16xf32>
          tpu.vector_store %arg9[%swap3A_686, %swap3A_687], %swap3A_690 {strides = array<i32>} : memref<8x768xf32, #tpu.memory_space<vmem>>, vector<1x16xf32>,
          %get3A_691 = arith.index_cast %scan3A_90 : i32 to index
          %get3A_692 = arith.constant 688 : index
          %get3A_693 = tpu.vector_load %arg5[%get3A_691, %get3A_692] {strides = array<i32>} : memref<8x768xf32, #tpu.memory_space<vmem>>, vector<1x16xf32>,
          %get3A_694 = vector.shape_cast %get3A_693 : vector<1x16xf32> to vector<16xf32>
          %get3A_695 = arith.index_cast %scan3A_90 : i32 to index
          %get3A_696 = arith.constant 688 : index
          %get3A_697 = tpu.vector_load %arg6[%get3A_695, %get3A_696] {strides = array<i32>} : memref<8x768xf32, #tpu.memory_space<vmem>>, vector<1x16xf32>,
          %get3A_698 = vector.shape_cast %get3A_697 : vector<1x16xf32> to vector<16xf32>
          %add3A_699 = arith.addf %get3A_694, %get3A_698 : vector<16xf32>
          %swap3A_700 = arith.index_cast %scan3A_90 : i32 to index
          %swap3A_701 = arith.constant 688 : index
          %swap3A_702 = tpu.vector_load %arg9[%swap3A_700, %swap3A_701] {strides = array<i32>} : memref<8x768xf32, #tpu.memory_space<vmem>>, vector<1x16xf32>,
          %swap3A_703 = vector.shape_cast %swap3A_702 : vector<1x16xf32> to vector<16xf32>
          %swap3A_704 = vector.shape_cast %add3A_699 : vector<16xf32> to vector<1x16xf32>
          tpu.vector_store %arg9[%swap3A_700, %swap3A_701], %swap3A_704 {strides = array<i32>} : memref<8x768xf32, #tpu.memory_space<vmem>>, vector<1x16xf32>,
          %get3A_705 = arith.index_cast %scan3A_90 : i32 to index
          %get3A_706 = arith.constant 704 : index
          %get3A_707 = tpu.vector_load %arg5[%get3A_705, %get3A_706] {strides = array<i32>} : memref<8x768xf32, #tpu.memory_space<vmem>>, vector<1x16xf32>,
          %get3A_708 = vector.shape_cast %get3A_707 : vector<1x16xf32> to vector<16xf32>
          %get3A_709 = arith.index_cast %scan3A_90 : i32 to index
          %get3A_710 = arith.constant 704 : index
          %get3A_711 = tpu.vector_load %arg6[%get3A_709, %get3A_710] {strides = array<i32>} : memref<8x768xf32, #tpu.memory_space<vmem>>, vector<1x16xf32>,
          %get3A_712 = vector.shape_cast %get3A_711 : vector<1x16xf32> to vector<16xf32>
          %add3A_713 = arith.addf %get3A_708, %get3A_712 : vector<16xf32>
          %swap3A_714 = arith.index_cast %scan3A_90 : i32 to index
          %swap3A_715 = arith.constant 704 : index
          %swap3A_716 = tpu.vector_load %arg9[%swap3A_714, %swap3A_715] {strides = array<i32>} : memref<8x768xf32, #tpu.memory_space<vmem>>, vector<1x16xf32>,
          %swap3A_717 = vector.shape_cast %swap3A_716 : vector<1x16xf32> to vector<16xf32>
          %swap3A_718 = vector.shape_cast %add3A_713 : vector<16xf32> to vector<1x16xf32>
          tpu.vector_store %arg9[%swap3A_714, %swap3A_715], %swap3A_718 {strides = array<i32>} : memref<8x768xf32, #tpu.memory_space<vmem>>, vector<1x16xf32>,
          %get3A_719 = arith.index_cast %scan3A_90 : i32 to index
          %get3A_720 = arith.constant 720 : index
          %get3A_721 = tpu.vector_load %arg5[%get3A_719, %get3A_720] {strides = array<i32>} : memref<8x768xf32, #tpu.memory_space<vmem>>, vector<1x16xf32>,
          %get3A_722 = vector.shape_cast %get3A_721 : vector<1x16xf32> to vector<16xf32>
          %get3A_723 = arith.index_cast %scan3A_90 : i32 to index
          %get3A_724 = arith.constant 720 : index
          %get3A_725 = tpu.vector_load %arg6[%get3A_723, %get3A_724] {strides = array<i32>} : memref<8x768xf32, #tpu.memory_space<vmem>>, vector<1x16xf32>,
          %get3A_726 = vector.shape_cast %get3A_725 : vector<1x16xf32> to vector<16xf32>
          %add3A_727 = arith.addf %get3A_722, %get3A_726 : vector<16xf32>
          %swap3A_728 = arith.index_cast %scan3A_90 : i32 to index
          %swap3A_729 = arith.constant 720 : index
          %swap3A_730 = tpu.vector_load %arg9[%swap3A_728, %swap3A_729] {strides = array<i32>} : memref<8x768xf32, #tpu.memory_space<vmem>>, vector<1x16xf32>,
          %swap3A_731 = vector.shape_cast %swap3A_730 : vector<1x16xf32> to vector<16xf32>
          %swap3A_732 = vector.shape_cast %add3A_727 : vector<16xf32> to vector<1x16xf32>
          tpu.vector_store %arg9[%swap3A_728, %swap3A_729], %swap3A_732 {strides = array<i32>} : memref<8x768xf32, #tpu.memory_space<vmem>>, vector<1x16xf32>,
          %get3A_733 = arith.index_cast %scan3A_90 : i32 to index
          %get3A_734 = arith.constant 736 : index
          %get3A_735 = tpu.vector_load %arg5[%get3A_733, %get3A_734] {strides = array<i32>} : memref<8x768xf32, #tpu.memory_space<vmem>>, vector<1x16xf32>,
          %get3A_736 = vector.shape_cast %get3A_735 : vector<1x16xf32> to vector<16xf32>
          %get3A_737 = arith.index_cast %scan3A_90 : i32 to index
          %get3A_738 = arith.constant 736 : index
          %get3A_739 = tpu.vector_load %arg6[%get3A_737, %get3A_738] {strides = array<i32>} : memref<8x768xf32, #tpu.memory_space<vmem>>, vector<1x16xf32>,
          %get3A_740 = vector.shape_cast %get3A_739 : vector<1x16xf32> to vector<16xf32>
          %add3A_741 = arith.addf %get3A_736, %get3A_740 : vector<16xf32>
          %swap3A_742 = arith.index_cast %scan3A_90 : i32 to index
          %swap3A_743 = arith.constant 736 : index
          %swap3A_744 = tpu.vector_load %arg9[%swap3A_742, %swap3A_743] {strides = array<i32>} : memref<8x768xf32, #tpu.memory_space<vmem>>, vector<1x16xf32>,
          %swap3A_745 = vector.shape_cast %swap3A_744 : vector<1x16xf32> to vector<16xf32>
          %swap3A_746 = vector.shape_cast %add3A_741 : vector<16xf32> to vector<1x16xf32>
          tpu.vector_store %arg9[%swap3A_742, %swap3A_743], %swap3A_746 {strides = array<i32>} : memref<8x768xf32, #tpu.memory_space<vmem>>, vector<1x16xf32>,
          %get3A_747 = arith.index_cast %scan3A_90 : i32 to index
          %get3A_748 = arith.constant 752 : index
          %get3A_749 = tpu.vector_load %arg5[%get3A_747, %get3A_748] {strides = array<i32>} : memref<8x768xf32, #tpu.memory_space<vmem>>, vector<1x16xf32>,
          %get3A_750 = vector.shape_cast %get3A_749 : vector<1x16xf32> to vector<16xf32>
          %get3A_751 = arith.index_cast %scan3A_90 : i32 to index
          %get3A_752 = arith.constant 752 : index
          %get3A_753 = tpu.vector_load %arg6[%get3A_751, %get3A_752] {strides = array<i32>} : memref<8x768xf32, #tpu.memory_space<vmem>>, vector<1x16xf32>,
          %get3A_754 = vector.shape_cast %get3A_753 : vector<1x16xf32> to vector<16xf32>
          %add3A_755 = arith.addf %get3A_750, %get3A_754 : vector<16xf32>
          %swap3A_756 = arith.index_cast %scan3A_90 : i32 to index
          %swap3A_757 = arith.constant 752 : index
          %swap3A_758 = tpu.vector_load %arg9[%swap3A_756, %swap3A_757] {strides = array<i32>} : memref<8x768xf32, #tpu.memory_space<vmem>>, vector<1x16xf32>,
          %swap3A_759 = vector.shape_cast %swap3A_758 : vector<1x16xf32> to vector<16xf32>
          %swap3A_760 = vector.shape_cast %add3A_755 : vector<16xf32> to vector<1x16xf32>
          tpu.vector_store %arg9[%swap3A_756, %swap3A_757], %swap3A_760 {strides = array<i32>} : memref<8x768xf32, #tpu.memory_space<vmem>>, vector<1x16xf32>,
        }
        %scan3A_76 = arith.constant 8 : i32
        %dma_start3A = arith.constant 16 : i32
        %dma_start3A_77 = tpu.memref_slice %arg4[%dma_start3A, %mul3A_59] : memref<24x115200xf32, #tpu.memory_space<hbm>> -> memref<8x768xf32, #tpu.memory_space<hbm>>
        %dma_start3A_78 = arith.constant 16 : i32
        %dma_start3A_79 = tpu.memref_slice %arg4[%dma_start3A_78, %mul3A_59] : memref<24x115200xf32, #tpu.memory_space<hbm>> -> memref<8x768xf32, #tpu.memory_space<hbm>>
        tpu.enqueue_dma source(%arg9 : memref<8x768xf32, #tpu.memory_space<vmem>>) target(%dma_start3A_79 : memref<8x768xf32, #tpu.memory_space<hbm>>) target_semaphore(%arg13 : memref<!tpu.dma_semaphore, #tpu.memory_space<semaphore_mem>>)
        %add3A_80 = arith.constant 2 : i32
        %add3A_81 = arith.addi %add3A_36, %add3A_80 : i32
        %mul3A_82 = arith.constant 32 : i32
        %mul3A_83 = arith.muli %add3A_81, %mul3A_82 : i32
        %add3A_84 = arith.addi %add3A, %mul3A_83 : i32
        %lt3A_85 = arith.constant 150 : i32
        %lt3A_86 = arith.cmpi slt, %add3A_84, %lt3A_85 : i32
        %convert_element_type3A_87 = arith.extui %lt3A_86 : i1 to i32
        %cond3A_88 = arith.constant 0 : i32
        %cond3A_89 = arith.cmpi ne, %convert_element_type3A_87, %cond3A_88 : i32
        scf.if %cond3A_89 {
          %mul3A_90 = arith.constant 32 : i32
          %mul3A_91 = arith.muli %add3A_81, %mul3A_90 : i32
          %add3A_92 = arith.addi %add3A, %mul3A_91 : i32
          %mul3A_93 = arith.constant 768 : i32
          %mul3A_94 = arith.muli %add3A_92, %mul3A_93 : i32
          %dma_start3A_95 = arith.constant 16 : i32
          %dma_start3A_96 = tpu.memref_slice %arg2[%dma_start3A_95, %mul3A_94] : memref<24x115200xf32, #tpu.memory_space<hbm>> -> memref<8x768xf32, #tpu.memory_space<hbm>>
          %dma_start3A_97 = arith.constant 16 : i32
          %dma_start3A_98 = tpu.memref_slice %arg2[%dma_start3A_97, %mul3A_94] : memref<24x115200xf32, #tpu.memory_space<hbm>> -> memref<8x768xf32, #tpu.memory_space<hbm>>
          tpu.enqueue_dma source(%dma_start3A_98 : memref<8x768xf32, #tpu.memory_space<hbm>>) target(%arg5 : memref<8x768xf32, #tpu.memory_space<vmem>>) target_semaphore(%arg11 : memref<!tpu.dma_semaphore, #tpu.memory_space<semaphore_mem>>)
          %dma_start3A_99 = arith.constant 16 : i32
          %dma_start3A_100 = tpu.memref_slice %arg3[%dma_start3A_99, %mul3A_94] : memref<24x115200xf32, #tpu.memory_space<hbm>> -> memref<8x768xf32, #tpu.memory_space<hbm>>
          %dma_start3A_101 = arith.constant 16 : i32
          %dma_start3A_102 = tpu.memref_slice %arg3[%dma_start3A_101, %mul3A_94] : memref<24x115200xf32, #tpu.memory_space<hbm>> -> memref<8x768xf32, #tpu.memory_space<hbm>>
          tpu.enqueue_dma source(%dma_start3A_102 : memref<8x768xf32, #tpu.memory_space<hbm>>) target(%arg6 : memref<8x768xf32, #tpu.memory_space<vmem>>) target_semaphore(%arg11 : memref<!tpu.dma_semaphore, #tpu.memory_space<semaphore_mem>>)
        } else {
        }
      } else {
      }
      %add3A_45 = arith.constant 1 : i32
      %add3A_46 = arith.addi %add3A_34, %add3A_45 : i32
      %mul3A_47 = arith.constant 32 : i32
      %mul3A_48 = arith.muli %add3A_46, %mul3A_47 : i32
      %add3A_49 = arith.addi %add3A, %mul3A_48 : i32
      %lt3A_50 = arith.constant 150 : i32
      %lt3A_51 = arith.cmpi slt, %add3A_49, %lt3A_50 : i32
      %convert_element_type3A_52 = arith.extui %lt3A_51 : i1 to i32
      %cond3A_53 = arith.constant 0 : i32
      %cond3A_54 = arith.cmpi ne, %convert_element_type3A_52, %cond3A_53 : i32
      scf.if %cond3A_54 {
        %mul3A_55 = arith.constant 32 : i32
        %mul3A_56 = arith.muli %add3A_46, %mul3A_55 : i32
        %add3A_57 = arith.addi %add3A, %mul3A_56 : i32
        %mul3A_58 = arith.constant 768 : i32
        %mul3A_59 = arith.muli %add3A_57, %mul3A_58 : i32
        %dma_wait3A = arith.constant 16 : i32
        %dma_wait3A_60 = tpu.memref_slice %arg2[%dma_wait3A, %mul3A_59] : memref<24x115200xf32, #tpu.memory_space<hbm>> -> memref<8x768xf32, #tpu.memory_space<hbm>>
        %dma_wait3A_61 = arith.constant 16 : i32
        %dma_wait3A_62 = tpu.memref_slice %arg2[%dma_wait3A_61, %mul3A_59] : memref<24x115200xf32, #tpu.memory_space<hbm>> -> memref<8x768xf32, #tpu.memory_space<hbm>>
        tpu.wait_dma2 semaphore(%arg12 : memref<!tpu.dma_semaphore, #tpu.memory_space<semaphore_mem>>) src(%dma_wait3A_62 : memref<8x768xf32, #tpu.memory_space<hbm>>) dst(%arg7 : memref<8x768xf32, #tpu.memory_space<vmem>>)
        %dma_wait3A_63 = arith.constant 16 : i32
        %dma_wait3A_64 = tpu.memref_slice %arg3[%dma_wait3A_63, %mul3A_59] : memref<24x115200xf32, #tpu.memory_space<hbm>> -> memref<8x768xf32, #tpu.memory_space<hbm>>
        %dma_wait3A_65 = arith.constant 16 : i32
        %dma_wait3A_66 = tpu.memref_slice %arg3[%dma_wait3A_65, %mul3A_59] : memref<24x115200xf32, #tpu.memory_space<hbm>> -> memref<8x768xf32, #tpu.memory_space<hbm>>
        tpu.wait_dma2 semaphore(%arg12 : memref<!tpu.dma_semaphore, #tpu.memory_space<semaphore_mem>>) src(%dma_wait3A_66 : memref<8x768xf32, #tpu.memory_space<hbm>>) dst(%arg8 : memref<8x768xf32, #tpu.memory_space<vmem>>)
        %ge3A = arith.constant 2 : i32
        %ge3A_67 = arith.cmpi sge, %add3A_46, %ge3A : i32
        %convert_element_type3A_68 = arith.extui %ge3A_67 : i1 to i32
        %cond3A_69 = arith.constant 0 : i32
        %cond3A_70 = arith.cmpi ne, %convert_element_type3A_68, %cond3A_69 : i32
        scf.if %cond3A_70 {
          %dma_wait3A_90 = arith.constant 16 : i32
          %dma_wait3A_91 = tpu.memref_slice %arg4[%dma_wait3A_90, %mul3A_59] : memref<24x115200xf32, #tpu.memory_space<hbm>> -> memref<8x768xf32, #tpu.memory_space<hbm>>
          %dma_wait3A_92 = arith.constant 16 : i32
          %dma_wait3A_93 = tpu.memref_slice %arg4[%dma_wait3A_92, %mul3A_59] : memref<24x115200xf32, #tpu.memory_space<hbm>> -> memref<8x768xf32, #tpu.memory_space<hbm>>
          tpu.wait_dma2 semaphore(%arg14 : memref<!tpu.dma_semaphore, #tpu.memory_space<semaphore_mem>>) src(%arg10 : memref<8x768xf32, #tpu.memory_space<vmem>>) dst(%dma_wait3A_93 : memref<8x768xf32, #tpu.memory_space<hbm>>)
        } else {
        }
        %scan3A_71 = arith.constant 0 : i32
        %scan3A_72 = arith.constant 0 : i32
        %scan3A_73 = arith.constant 8 : i32
        %scan3A_74 = arith.addi %scan3A_72, %scan3A_73 : i32
        %scan3A_75 = arith.constant 1 : i32
        scf.for %scan3A_90 = %scan3A_72 to %scan3A_74 step %scan3A_75  : i32 {
          %get3A = arith.index_cast %scan3A_90 : i32 to index
          %get3A_91 = arith.constant 0 : index
          %get3A_92 = tpu.vector_load %arg7[%get3A, %get3A_91] {strides = array<i32>} : memref<8x768xf32, #tpu.memory_space<vmem>>, vector<1x16xf32>,
          %get3A_93 = vector.shape_cast %get3A_92 : vector<1x16xf32> to vector<16xf32>
          %get3A_94 = arith.index_cast %scan3A_90 : i32 to index
          %get3A_95 = arith.constant 0 : index
          %get3A_96 = tpu.vector_load %arg8[%get3A_94, %get3A_95] {strides = array<i32>} : memref<8x768xf32, #tpu.memory_space<vmem>>, vector<1x16xf32>,
          %get3A_97 = vector.shape_cast %get3A_96 : vector<1x16xf32> to vector<16xf32>
          %add3A_98 = arith.addf %get3A_93, %get3A_97 : vector<16xf32>
          %swap3A = arith.index_cast %scan3A_90 : i32 to index
          %swap3A_99 = arith.constant 0 : index
          %swap3A_100 = tpu.vector_load %arg10[%swap3A, %swap3A_99] {strides = array<i32>} : memref<8x768xf32, #tpu.memory_space<vmem>>, vector<1x16xf32>,
          %swap3A_101 = vector.shape_cast %swap3A_100 : vector<1x16xf32> to vector<16xf32>
          %swap3A_102 = vector.shape_cast %add3A_98 : vector<16xf32> to vector<1x16xf32>
          tpu.vector_store %arg10[%swap3A, %swap3A_99], %swap3A_102 {strides = array<i32>} : memref<8x768xf32, #tpu.memory_space<vmem>>, vector<1x16xf32>,
          %get3A_103 = arith.index_cast %scan3A_90 : i32 to index
          %get3A_104 = arith.constant 16 : index
          %get3A_105 = tpu.vector_load %arg7[%get3A_103, %get3A_104] {strides = array<i32>} : memref<8x768xf32, #tpu.memory_space<vmem>>, vector<1x16xf32>,
          %get3A_106 = vector.shape_cast %get3A_105 : vector<1x16xf32> to vector<16xf32>
          %get3A_107 = arith.index_cast %scan3A_90 : i32 to index
          %get3A_108 = arith.constant 16 : index
          %get3A_109 = tpu.vector_load %arg8[%get3A_107, %get3A_108] {strides = array<i32>} : memref<8x768xf32, #tpu.memory_space<vmem>>, vector<1x16xf32>,
          %get3A_110 = vector.shape_cast %get3A_109 : vector<1x16xf32> to vector<16xf32>
          %add3A_111 = arith.addf %get3A_106, %get3A_110 : vector<16xf32>
          %swap3A_112 = arith.index_cast %scan3A_90 : i32 to index
          %swap3A_113 = arith.constant 16 : index
          %swap3A_114 = tpu.vector_load %arg10[%swap3A_112, %swap3A_113] {strides = array<i32>} : memref<8x768xf32, #tpu.memory_space<vmem>>, vector<1x16xf32>,
          %swap3A_115 = vector.shape_cast %swap3A_114 : vector<1x16xf32> to vector<16xf32>
          %swap3A_116 = vector.shape_cast %add3A_111 : vector<16xf32> to vector<1x16xf32>
          tpu.vector_store %arg10[%swap3A_112, %swap3A_113], %swap3A_116 {strides = array<i32>} : memref<8x768xf32, #tpu.memory_space<vmem>>, vector<1x16xf32>,
          %get3A_117 = arith.index_cast %scan3A_90 : i32 to index
          %get3A_118 = arith.constant 32 : index
          %get3A_119 = tpu.vector_load %arg7[%get3A_117, %get3A_118] {strides = array<i32>} : memref<8x768xf32, #tpu.memory_space<vmem>>, vector<1x16xf32>,
          %get3A_120 = vector.shape_cast %get3A_119 : vector<1x16xf32> to vector<16xf32>
          %get3A_121 = arith.index_cast %scan3A_90 : i32 to index
          %get3A_122 = arith.constant 32 : index
          %get3A_123 = tpu.vector_load %arg8[%get3A_121, %get3A_122] {strides = array<i32>} : memref<8x768xf32, #tpu.memory_space<vmem>>, vector<1x16xf32>,
          %get3A_124 = vector.shape_cast %get3A_123 : vector<1x16xf32> to vector<16xf32>
          %add3A_125 = arith.addf %get3A_120, %get3A_124 : vector<16xf32>
          %swap3A_126 = arith.index_cast %scan3A_90 : i32 to index
          %swap3A_127 = arith.constant 32 : index
          %swap3A_128 = tpu.vector_load %arg10[%swap3A_126, %swap3A_127] {strides = array<i32>} : memref<8x768xf32, #tpu.memory_space<vmem>>, vector<1x16xf32>,
          %swap3A_129 = vector.shape_cast %swap3A_128 : vector<1x16xf32> to vector<16xf32>
          %swap3A_130 = vector.shape_cast %add3A_125 : vector<16xf32> to vector<1x16xf32>
          tpu.vector_store %arg10[%swap3A_126, %swap3A_127], %swap3A_130 {strides = array<i32>} : memref<8x768xf32, #tpu.memory_space<vmem>>, vector<1x16xf32>,
          %get3A_131 = arith.index_cast %scan3A_90 : i32 to index
          %get3A_132 = arith.constant 48 : index
          %get3A_133 = tpu.vector_load %arg7[%get3A_131, %get3A_132] {strides = array<i32>} : memref<8x768xf32, #tpu.memory_space<vmem>>, vector<1x16xf32>,
          %get3A_134 = vector.shape_cast %get3A_133 : vector<1x16xf32> to vector<16xf32>
          %get3A_135 = arith.index_cast %scan3A_90 : i32 to index
          %get3A_136 = arith.constant 48 : index
          %get3A_137 = tpu.vector_load %arg8[%get3A_135, %get3A_136] {strides = array<i32>} : memref<8x768xf32, #tpu.memory_space<vmem>>, vector<1x16xf32>,
          %get3A_138 = vector.shape_cast %get3A_137 : vector<1x16xf32> to vector<16xf32>
          %add3A_139 = arith.addf %get3A_134, %get3A_138 : vector<16xf32>
          %swap3A_140 = arith.index_cast %scan3A_90 : i32 to index
          %swap3A_141 = arith.constant 48 : index
          %swap3A_142 = tpu.vector_load %arg10[%swap3A_140, %swap3A_141] {strides = array<i32>} : memref<8x768xf32, #tpu.memory_space<vmem>>, vector<1x16xf32>,
          %swap3A_143 = vector.shape_cast %swap3A_142 : vector<1x16xf32> to vector<16xf32>
          %swap3A_144 = vector.shape_cast %add3A_139 : vector<16xf32> to vector<1x16xf32>
          tpu.vector_store %arg10[%swap3A_140, %swap3A_141], %swap3A_144 {strides = array<i32>} : memref<8x768xf32, #tpu.memory_space<vmem>>, vector<1x16xf32>,
          %get3A_145 = arith.index_cast %scan3A_90 : i32 to index
          %get3A_146 = arith.constant 64 : index
          %get3A_147 = tpu.vector_load %arg7[%get3A_145, %get3A_146] {strides = array<i32>} : memref<8x768xf32, #tpu.memory_space<vmem>>, vector<1x16xf32>,
          %get3A_148 = vector.shape_cast %get3A_147 : vector<1x16xf32> to vector<16xf32>
          %get3A_149 = arith.index_cast %scan3A_90 : i32 to index
          %get3A_150 = arith.constant 64 : index
          %get3A_151 = tpu.vector_load %arg8[%get3A_149, %get3A_150] {strides = array<i32>} : memref<8x768xf32, #tpu.memory_space<vmem>>, vector<1x16xf32>,
          %get3A_152 = vector.shape_cast %get3A_151 : vector<1x16xf32> to vector<16xf32>
          %add3A_153 = arith.addf %get3A_148, %get3A_152 : vector<16xf32>
          %swap3A_154 = arith.index_cast %scan3A_90 : i32 to index
          %swap3A_155 = arith.constant 64 : index
          %swap3A_156 = tpu.vector_load %arg10[%swap3A_154, %swap3A_155] {strides = array<i32>} : memref<8x768xf32, #tpu.memory_space<vmem>>, vector<1x16xf32>,
          %swap3A_157 = vector.shape_cast %swap3A_156 : vector<1x16xf32> to vector<16xf32>
          %swap3A_158 = vector.shape_cast %add3A_153 : vector<16xf32> to vector<1x16xf32>
          tpu.vector_store %arg10[%swap3A_154, %swap3A_155], %swap3A_158 {strides = array<i32>} : memref<8x768xf32, #tpu.memory_space<vmem>>, vector<1x16xf32>,
          %get3A_159 = arith.index_cast %scan3A_90 : i32 to index
          %get3A_160 = arith.constant 80 : index
          %get3A_161 = tpu.vector_load %arg7[%get3A_159, %get3A_160] {strides = array<i32>} : memref<8x768xf32, #tpu.memory_space<vmem>>, vector<1x16xf32>,
          %get3A_162 = vector.shape_cast %get3A_161 : vector<1x16xf32> to vector<16xf32>
          %get3A_163 = arith.index_cast %scan3A_90 : i32 to index
          %get3A_164 = arith.constant 80 : index
          %get3A_165 = tpu.vector_load %arg8[%get3A_163, %get3A_164] {strides = array<i32>} : memref<8x768xf32, #tpu.memory_space<vmem>>, vector<1x16xf32>,
          %get3A_166 = vector.shape_cast %get3A_165 : vector<1x16xf32> to vector<16xf32>
          %add3A_167 = arith.addf %get3A_162, %get3A_166 : vector<16xf32>
          %swap3A_168 = arith.index_cast %scan3A_90 : i32 to index
          %swap3A_169 = arith.constant 80 : index
          %swap3A_170 = tpu.vector_load %arg10[%swap3A_168, %swap3A_169] {strides = array<i32>} : memref<8x768xf32, #tpu.memory_space<vmem>>, vector<1x16xf32>,
          %swap3A_171 = vector.shape_cast %swap3A_170 : vector<1x16xf32> to vector<16xf32>
          %swap3A_172 = vector.shape_cast %add3A_167 : vector<16xf32> to vector<1x16xf32>
          tpu.vector_store %arg10[%swap3A_168, %swap3A_169], %swap3A_172 {strides = array<i32>} : memref<8x768xf32, #tpu.memory_space<vmem>>, vector<1x16xf32>,
          %get3A_173 = arith.index_cast %scan3A_90 : i32 to index
          %get3A_174 = arith.constant 96 : index
          %get3A_175 = tpu.vector_load %arg7[%get3A_173, %get3A_174] {strides = array<i32>} : memref<8x768xf32, #tpu.memory_space<vmem>>, vector<1x16xf32>,
          %get3A_176 = vector.shape_cast %get3A_175 : vector<1x16xf32> to vector<16xf32>
          %get3A_177 = arith.index_cast %scan3A_90 : i32 to index
          %get3A_178 = arith.constant 96 : index
          %get3A_179 = tpu.vector_load %arg8[%get3A_177, %get3A_178] {strides = array<i32>} : memref<8x768xf32, #tpu.memory_space<vmem>>, vector<1x16xf32>,
          %get3A_180 = vector.shape_cast %get3A_179 : vector<1x16xf32> to vector<16xf32>
          %add3A_181 = arith.addf %get3A_176, %get3A_180 : vector<16xf32>
          %swap3A_182 = arith.index_cast %scan3A_90 : i32 to index
          %swap3A_183 = arith.constant 96 : index
          %swap3A_184 = tpu.vector_load %arg10[%swap3A_182, %swap3A_183] {strides = array<i32>} : memref<8x768xf32, #tpu.memory_space<vmem>>, vector<1x16xf32>,
          %swap3A_185 = vector.shape_cast %swap3A_184 : vector<1x16xf32> to vector<16xf32>
          %swap3A_186 = vector.shape_cast %add3A_181 : vector<16xf32> to vector<1x16xf32>
          tpu.vector_store %arg10[%swap3A_182, %swap3A_183], %swap3A_186 {strides = array<i32>} : memref<8x768xf32, #tpu.memory_space<vmem>>, vector<1x16xf32>,
          %get3A_187 = arith.index_cast %scan3A_90 : i32 to index
          %get3A_188 = arith.constant 112 : index
          %get3A_189 = tpu.vector_load %arg7[%get3A_187, %get3A_188] {strides = array<i32>} : memref<8x768xf32, #tpu.memory_space<vmem>>, vector<1x16xf32>,
          %get3A_190 = vector.shape_cast %get3A_189 : vector<1x16xf32> to vector<16xf32>
          %get3A_191 = arith.index_cast %scan3A_90 : i32 to index
          %get3A_192 = arith.constant 112 : index
          %get3A_193 = tpu.vector_load %arg8[%get3A_191, %get3A_192] {strides = array<i32>} : memref<8x768xf32, #tpu.memory_space<vmem>>, vector<1x16xf32>,
          %get3A_194 = vector.shape_cast %get3A_193 : vector<1x16xf32> to vector<16xf32>
          %add3A_195 = arith.addf %get3A_190, %get3A_194 : vector<16xf32>
          %swap3A_196 = arith.index_cast %scan3A_90 : i32 to index
          %swap3A_197 = arith.constant 112 : index
          %swap3A_198 = tpu.vector_load %arg10[%swap3A_196, %swap3A_197] {strides = array<i32>} : memref<8x768xf32, #tpu.memory_space<vmem>>, vector<1x16xf32>,
          %swap3A_199 = vector.shape_cast %swap3A_198 : vector<1x16xf32> to vector<16xf32>
          %swap3A_200 = vector.shape_cast %add3A_195 : vector<16xf32> to vector<1x16xf32>
          tpu.vector_store %arg10[%swap3A_196, %swap3A_197], %swap3A_200 {strides = array<i32>} : memref<8x768xf32, #tpu.memory_space<vmem>>, vector<1x16xf32>,
          %get3A_201 = arith.index_cast %scan3A_90 : i32 to index
          %get3A_202 = arith.constant 128 : index
          %get3A_203 = tpu.vector_load %arg7[%get3A_201, %get3A_202] {strides = array<i32>} : memref<8x768xf32, #tpu.memory_space<vmem>>, vector<1x16xf32>,
          %get3A_204 = vector.shape_cast %get3A_203 : vector<1x16xf32> to vector<16xf32>
          %get3A_205 = arith.index_cast %scan3A_90 : i32 to index
          %get3A_206 = arith.constant 128 : index
          %get3A_207 = tpu.vector_load %arg8[%get3A_205, %get3A_206] {strides = array<i32>} : memref<8x768xf32, #tpu.memory_space<vmem>>, vector<1x16xf32>,
          %get3A_208 = vector.shape_cast %get3A_207 : vector<1x16xf32> to vector<16xf32>
          %add3A_209 = arith.addf %get3A_204, %get3A_208 : vector<16xf32>
          %swap3A_210 = arith.index_cast %scan3A_90 : i32 to index
          %swap3A_211 = arith.constant 128 : index
          %swap3A_212 = tpu.vector_load %arg10[%swap3A_210, %swap3A_211] {strides = array<i32>} : memref<8x768xf32, #tpu.memory_space<vmem>>, vector<1x16xf32>,
          %swap3A_213 = vector.shape_cast %swap3A_212 : vector<1x16xf32> to vector<16xf32>
          %swap3A_214 = vector.shape_cast %add3A_209 : vector<16xf32> to vector<1x16xf32>
          tpu.vector_store %arg10[%swap3A_210, %swap3A_211], %swap3A_214 {strides = array<i32>} : memref<8x768xf32, #tpu.memory_space<vmem>>, vector<1x16xf32>,
          %get3A_215 = arith.index_cast %scan3A_90 : i32 to index
          %get3A_216 = arith.constant 144 : index
          %get3A_217 = tpu.vector_load %arg7[%get3A_215, %get3A_216] {strides = array<i32>} : memref<8x768xf32, #tpu.memory_space<vmem>>, vector<1x16xf32>,
          %get3A_218 = vector.shape_cast %get3A_217 : vector<1x16xf32> to vector<16xf32>
          %get3A_219 = arith.index_cast %scan3A_90 : i32 to index
          %get3A_220 = arith.constant 144 : index
          %get3A_221 = tpu.vector_load %arg8[%get3A_219, %get3A_220] {strides = array<i32>} : memref<8x768xf32, #tpu.memory_space<vmem>>, vector<1x16xf32>,
          %get3A_222 = vector.shape_cast %get3A_221 : vector<1x16xf32> to vector<16xf32>
          %add3A_223 = arith.addf %get3A_218, %get3A_222 : vector<16xf32>
          %swap3A_224 = arith.index_cast %scan3A_90 : i32 to index
          %swap3A_225 = arith.constant 144 : index
          %swap3A_226 = tpu.vector_load %arg10[%swap3A_224, %swap3A_225] {strides = array<i32>} : memref<8x768xf32, #tpu.memory_space<vmem>>, vector<1x16xf32>,
          %swap3A_227 = vector.shape_cast %swap3A_226 : vector<1x16xf32> to vector<16xf32>
          %swap3A_228 = vector.shape_cast %add3A_223 : vector<16xf32> to vector<1x16xf32>
          tpu.vector_store %arg10[%swap3A_224, %swap3A_225], %swap3A_228 {strides = array<i32>} : memref<8x768xf32, #tpu.memory_space<vmem>>, vector<1x16xf32>,
          %get3A_229 = arith.index_cast %scan3A_90 : i32 to index
          %get3A_230 = arith.constant 160 : index
          %get3A_231 = tpu.vector_load %arg7[%get3A_229, %get3A_230] {strides = array<i32>} : memref<8x768xf32, #tpu.memory_space<vmem>>, vector<1x16xf32>,
          %get3A_232 = vector.shape_cast %get3A_231 : vector<1x16xf32> to vector<16xf32>
          %get3A_233 = arith.index_cast %scan3A_90 : i32 to index
          %get3A_234 = arith.constant 160 : index
          %get3A_235 = tpu.vector_load %arg8[%get3A_233, %get3A_234] {strides = array<i32>} : memref<8x768xf32, #tpu.memory_space<vmem>>, vector<1x16xf32>,
          %get3A_236 = vector.shape_cast %get3A_235 : vector<1x16xf32> to vector<16xf32>
          %add3A_237 = arith.addf %get3A_232, %get3A_236 : vector<16xf32>
          %swap3A_238 = arith.index_cast %scan3A_90 : i32 to index
          %swap3A_239 = arith.constant 160 : index
          %swap3A_240 = tpu.vector_load %arg10[%swap3A_238, %swap3A_239] {strides = array<i32>} : memref<8x768xf32, #tpu.memory_space<vmem>>, vector<1x16xf32>,
          %swap3A_241 = vector.shape_cast %swap3A_240 : vector<1x16xf32> to vector<16xf32>
          %swap3A_242 = vector.shape_cast %add3A_237 : vector<16xf32> to vector<1x16xf32>
          tpu.vector_store %arg10[%swap3A_238, %swap3A_239], %swap3A_242 {strides = array<i32>} : memref<8x768xf32, #tpu.memory_space<vmem>>, vector<1x16xf32>,
          %get3A_243 = arith.index_cast %scan3A_90 : i32 to index
          %get3A_244 = arith.constant 176 : index
          %get3A_245 = tpu.vector_load %arg7[%get3A_243, %get3A_244] {strides = array<i32>} : memref<8x768xf32, #tpu.memory_space<vmem>>, vector<1x16xf32>,
          %get3A_246 = vector.shape_cast %get3A_245 : vector<1x16xf32> to vector<16xf32>
          %get3A_247 = arith.index_cast %scan3A_90 : i32 to index
          %get3A_248 = arith.constant 176 : index
          %get3A_249 = tpu.vector_load %arg8[%get3A_247, %get3A_248] {strides = array<i32>} : memref<8x768xf32, #tpu.memory_space<vmem>>, vector<1x16xf32>,
          %get3A_250 = vector.shape_cast %get3A_249 : vector<1x16xf32> to vector<16xf32>
          %add3A_251 = arith.addf %get3A_246, %get3A_250 : vector<16xf32>
          %swap3A_252 = arith.index_cast %scan3A_90 : i32 to index
          %swap3A_253 = arith.constant 176 : index
          %swap3A_254 = tpu.vector_load %arg10[%swap3A_252, %swap3A_253] {strides = array<i32>} : memref<8x768xf32, #tpu.memory_space<vmem>>, vector<1x16xf32>,
          %swap3A_255 = vector.shape_cast %swap3A_254 : vector<1x16xf32> to vector<16xf32>
          %swap3A_256 = vector.shape_cast %add3A_251 : vector<16xf32> to vector<1x16xf32>
          tpu.vector_store %arg10[%swap3A_252, %swap3A_253], %swap3A_256 {strides = array<i32>} : memref<8x768xf32, #tpu.memory_space<vmem>>, vector<1x16xf32>,
          %get3A_257 = arith.index_cast %scan3A_90 : i32 to index
          %get3A_258 = arith.constant 192 : index
          %get3A_259 = tpu.vector_load %arg7[%get3A_257, %get3A_258] {strides = array<i32>} : memref<8x768xf32, #tpu.memory_space<vmem>>, vector<1x16xf32>,
          %get3A_260 = vector.shape_cast %get3A_259 : vector<1x16xf32> to vector<16xf32>
          %get3A_261 = arith.index_cast %scan3A_90 : i32 to index
          %get3A_262 = arith.constant 192 : index
          %get3A_263 = tpu.vector_load %arg8[%get3A_261, %get3A_262] {strides = array<i32>} : memref<8x768xf32, #tpu.memory_space<vmem>>, vector<1x16xf32>,
          %get3A_264 = vector.shape_cast %get3A_263 : vector<1x16xf32> to vector<16xf32>
          %add3A_265 = arith.addf %get3A_260, %get3A_264 : vector<16xf32>
          %swap3A_266 = arith.index_cast %scan3A_90 : i32 to index
          %swap3A_267 = arith.constant 192 : index
          %swap3A_268 = tpu.vector_load %arg10[%swap3A_266, %swap3A_267] {strides = array<i32>} : memref<8x768xf32, #tpu.memory_space<vmem>>, vector<1x16xf32>,
          %swap3A_269 = vector.shape_cast %swap3A_268 : vector<1x16xf32> to vector<16xf32>
          %swap3A_270 = vector.shape_cast %add3A_265 : vector<16xf32> to vector<1x16xf32>
          tpu.vector_store %arg10[%swap3A_266, %swap3A_267], %swap3A_270 {strides = array<i32>} : memref<8x768xf32, #tpu.memory_space<vmem>>, vector<1x16xf32>,
          %get3A_271 = arith.index_cast %scan3A_90 : i32 to index
          %get3A_272 = arith.constant 208 : index
          %get3A_273 = tpu.vector_load %arg7[%get3A_271, %get3A_272] {strides = array<i32>} : memref<8x768xf32, #tpu.memory_space<vmem>>, vector<1x16xf32>,
          %get3A_274 = vector.shape_cast %get3A_273 : vector<1x16xf32> to vector<16xf32>
          %get3A_275 = arith.index_cast %scan3A_90 : i32 to index
          %get3A_276 = arith.constant 208 : index
          %get3A_277 = tpu.vector_load %arg8[%get3A_275, %get3A_276] {strides = array<i32>} : memref<8x768xf32, #tpu.memory_space<vmem>>, vector<1x16xf32>,
          %get3A_278 = vector.shape_cast %get3A_277 : vector<1x16xf32> to vector<16xf32>
          %add3A_279 = arith.addf %get3A_274, %get3A_278 : vector<16xf32>
          %swap3A_280 = arith.index_cast %scan3A_90 : i32 to index
          %swap3A_281 = arith.constant 208 : index
          %swap3A_282 = tpu.vector_load %arg10[%swap3A_280, %swap3A_281] {strides = array<i32>} : memref<8x768xf32, #tpu.memory_space<vmem>>, vector<1x16xf32>,
          %swap3A_283 = vector.shape_cast %swap3A_282 : vector<1x16xf32> to vector<16xf32>
          %swap3A_284 = vector.shape_cast %add3A_279 : vector<16xf32> to vector<1x16xf32>
          tpu.vector_store %arg10[%swap3A_280, %swap3A_281], %swap3A_284 {strides = array<i32>} : memref<8x768xf32, #tpu.memory_space<vmem>>, vector<1x16xf32>,
          %get3A_285 = arith.index_cast %scan3A_90 : i32 to index
          %get3A_286 = arith.constant 224 : index
          %get3A_287 = tpu.vector_load %arg7[%get3A_285, %get3A_286] {strides = array<i32>} : memref<8x768xf32, #tpu.memory_space<vmem>>, vector<1x16xf32>,
          %get3A_288 = vector.shape_cast %get3A_287 : vector<1x16xf32> to vector<16xf32>
          %get3A_289 = arith.index_cast %scan3A_90 : i32 to index
          %get3A_290 = arith.constant 224 : index
          %get3A_291 = tpu.vector_load %arg8[%get3A_289, %get3A_290] {strides = array<i32>} : memref<8x768xf32, #tpu.memory_space<vmem>>, vector<1x16xf32>,
          %get3A_292 = vector.shape_cast %get3A_291 : vector<1x16xf32> to vector<16xf32>
          %add3A_293 = arith.addf %get3A_288, %get3A_292 : vector<16xf32>
          %swap3A_294 = arith.index_cast %scan3A_90 : i32 to index
          %swap3A_295 = arith.constant 224 : index
          %swap3A_296 = tpu.vector_load %arg10[%swap3A_294, %swap3A_295] {strides = array<i32>} : memref<8x768xf32, #tpu.memory_space<vmem>>, vector<1x16xf32>,
          %swap3A_297 = vector.shape_cast %swap3A_296 : vector<1x16xf32> to vector<16xf32>
          %swap3A_298 = vector.shape_cast %add3A_293 : vector<16xf32> to vector<1x16xf32>
          tpu.vector_store %arg10[%swap3A_294, %swap3A_295], %swap3A_298 {strides = array<i32>} : memref<8x768xf32, #tpu.memory_space<vmem>>, vector<1x16xf32>,
          %get3A_299 = arith.index_cast %scan3A_90 : i32 to index
          %get3A_300 = arith.constant 240 : index
          %get3A_301 = tpu.vector_load %arg7[%get3A_299, %get3A_300] {strides = array<i32>} : memref<8x768xf32, #tpu.memory_space<vmem>>, vector<1x16xf32>,
          %get3A_302 = vector.shape_cast %get3A_301 : vector<1x16xf32> to vector<16xf32>
          %get3A_303 = arith.index_cast %scan3A_90 : i32 to index
          %get3A_304 = arith.constant 240 : index
          %get3A_305 = tpu.vector_load %arg8[%get3A_303, %get3A_304] {strides = array<i32>} : memref<8x768xf32, #tpu.memory_space<vmem>>, vector<1x16xf32>,
          %get3A_306 = vector.shape_cast %get3A_305 : vector<1x16xf32> to vector<16xf32>
          %add3A_307 = arith.addf %get3A_302, %get3A_306 : vector<16xf32>
          %swap3A_308 = arith.index_cast %scan3A_90 : i32 to index
          %swap3A_309 = arith.constant 240 : index
          %swap3A_310 = tpu.vector_load %arg10[%swap3A_308, %swap3A_309] {strides = array<i32>} : memref<8x768xf32, #tpu.memory_space<vmem>>, vector<1x16xf32>,
          %swap3A_311 = vector.shape_cast %swap3A_310 : vector<1x16xf32> to vector<16xf32>
          %swap3A_312 = vector.shape_cast %add3A_307 : vector<16xf32> to vector<1x16xf32>
          tpu.vector_store %arg10[%swap3A_308, %swap3A_309], %swap3A_312 {strides = array<i32>} : memref<8x768xf32, #tpu.memory_space<vmem>>, vector<1x16xf32>,
          %get3A_313 = arith.index_cast %scan3A_90 : i32 to index
          %get3A_314 = arith.constant 256 : index
          %get3A_315 = tpu.vector_load %arg7[%get3A_313, %get3A_314] {strides = array<i32>} : memref<8x768xf32, #tpu.memory_space<vmem>>, vector<1x16xf32>,
          %get3A_316 = vector.shape_cast %get3A_315 : vector<1x16xf32> to vector<16xf32>
          %get3A_317 = arith.index_cast %scan3A_90 : i32 to index
          %get3A_318 = arith.constant 256 : index
          %get3A_319 = tpu.vector_load %arg8[%get3A_317, %get3A_318] {strides = array<i32>} : memref<8x768xf32, #tpu.memory_space<vmem>>, vector<1x16xf32>,
          %get3A_320 = vector.shape_cast %get3A_319 : vector<1x16xf32> to vector<16xf32>
          %add3A_321 = arith.addf %get3A_316, %get3A_320 : vector<16xf32>
          %swap3A_322 = arith.index_cast %scan3A_90 : i32 to index
          %swap3A_323 = arith.constant 256 : index
          %swap3A_324 = tpu.vector_load %arg10[%swap3A_322, %swap3A_323] {strides = array<i32>} : memref<8x768xf32, #tpu.memory_space<vmem>>, vector<1x16xf32>,
          %swap3A_325 = vector.shape_cast %swap3A_324 : vector<1x16xf32> to vector<16xf32>
          %swap3A_326 = vector.shape_cast %add3A_321 : vector<16xf32> to vector<1x16xf32>
          tpu.vector_store %arg10[%swap3A_322, %swap3A_323], %swap3A_326 {strides = array<i32>} : memref<8x768xf32, #tpu.memory_space<vmem>>, vector<1x16xf32>,
          %get3A_327 = arith.index_cast %scan3A_90 : i32 to index
          %get3A_328 = arith.constant 272 : index
          %get3A_329 = tpu.vector_load %arg7[%get3A_327, %get3A_328] {strides = array<i32>} : memref<8x768xf32, #tpu.memory_space<vmem>>, vector<1x16xf32>,
          %get3A_330 = vector.shape_cast %get3A_329 : vector<1x16xf32> to vector<16xf32>
          %get3A_331 = arith.index_cast %scan3A_90 : i32 to index
          %get3A_332 = arith.constant 272 : index
          %get3A_333 = tpu.vector_load %arg8[%get3A_331, %get3A_332] {strides = array<i32>} : memref<8x768xf32, #tpu.memory_space<vmem>>, vector<1x16xf32>,
          %get3A_334 = vector.shape_cast %get3A_333 : vector<1x16xf32> to vector<16xf32>
          %add3A_335 = arith.addf %get3A_330, %get3A_334 : vector<16xf32>
          %swap3A_336 = arith.index_cast %scan3A_90 : i32 to index
          %swap3A_337 = arith.constant 272 : index
          %swap3A_338 = tpu.vector_load %arg10[%swap3A_336, %swap3A_337] {strides = array<i32>} : memref<8x768xf32, #tpu.memory_space<vmem>>, vector<1x16xf32>,
          %swap3A_339 = vector.shape_cast %swap3A_338 : vector<1x16xf32> to vector<16xf32>
          %swap3A_340 = vector.shape_cast %add3A_335 : vector<16xf32> to vector<1x16xf32>
          tpu.vector_store %arg10[%swap3A_336, %swap3A_337], %swap3A_340 {strides = array<i32>} : memref<8x768xf32, #tpu.memory_space<vmem>>, vector<1x16xf32>,
          %get3A_341 = arith.index_cast %scan3A_90 : i32 to index
          %get3A_342 = arith.constant 288 : index
          %get3A_343 = tpu.vector_load %arg7[%get3A_341, %get3A_342] {strides = array<i32>} : memref<8x768xf32, #tpu.memory_space<vmem>>, vector<1x16xf32>,
          %get3A_344 = vector.shape_cast %get3A_343 : vector<1x16xf32> to vector<16xf32>
          %get3A_345 = arith.index_cast %scan3A_90 : i32 to index
          %get3A_346 = arith.constant 288 : index
          %get3A_347 = tpu.vector_load %arg8[%get3A_345, %get3A_346] {strides = array<i32>} : memref<8x768xf32, #tpu.memory_space<vmem>>, vector<1x16xf32>,
          %get3A_348 = vector.shape_cast %get3A_347 : vector<1x16xf32> to vector<16xf32>
          %add3A_349 = arith.addf %get3A_344, %get3A_348 : vector<16xf32>
          %swap3A_350 = arith.index_cast %scan3A_90 : i32 to index
          %swap3A_351 = arith.constant 288 : index
          %swap3A_352 = tpu.vector_load %arg10[%swap3A_350, %swap3A_351] {strides = array<i32>} : memref<8x768xf32, #tpu.memory_space<vmem>>, vector<1x16xf32>,
          %swap3A_353 = vector.shape_cast %swap3A_352 : vector<1x16xf32> to vector<16xf32>
          %swap3A_354 = vector.shape_cast %add3A_349 : vector<16xf32> to vector<1x16xf32>
          tpu.vector_store %arg10[%swap3A_350, %swap3A_351], %swap3A_354 {strides = array<i32>} : memref<8x768xf32, #tpu.memory_space<vmem>>, vector<1x16xf32>,
          %get3A_355 = arith.index_cast %scan3A_90 : i32 to index
          %get3A_356 = arith.constant 304 : index
          %get3A_357 = tpu.vector_load %arg7[%get3A_355, %get3A_356] {strides = array<i32>} : memref<8x768xf32, #tpu.memory_space<vmem>>, vector<1x16xf32>,
          %get3A_358 = vector.shape_cast %get3A_357 : vector<1x16xf32> to vector<16xf32>
          %get3A_359 = arith.index_cast %scan3A_90 : i32 to index
          %get3A_360 = arith.constant 304 : index
          %get3A_361 = tpu.vector_load %arg8[%get3A_359, %get3A_360] {strides = array<i32>} : memref<8x768xf32, #tpu.memory_space<vmem>>, vector<1x16xf32>,
          %get3A_362 = vector.shape_cast %get3A_361 : vector<1x16xf32> to vector<16xf32>
          %add3A_363 = arith.addf %get3A_358, %get3A_362 : vector<16xf32>
          %swap3A_364 = arith.index_cast %scan3A_90 : i32 to index
          %swap3A_365 = arith.constant 304 : index
          %swap3A_366 = tpu.vector_load %arg10[%swap3A_364, %swap3A_365] {strides = array<i32>} : memref<8x768xf32, #tpu.memory_space<vmem>>, vector<1x16xf32>,
          %swap3A_367 = vector.shape_cast %swap3A_366 : vector<1x16xf32> to vector<16xf32>
          %swap3A_368 = vector.shape_cast %add3A_363 : vector<16xf32> to vector<1x16xf32>
          tpu.vector_store %arg10[%swap3A_364, %swap3A_365], %swap3A_368 {strides = array<i32>} : memref<8x768xf32, #tpu.memory_space<vmem>>, vector<1x16xf32>,
          %get3A_369 = arith.index_cast %scan3A_90 : i32 to index
          %get3A_370 = arith.constant 320 : index
          %get3A_371 = tpu.vector_load %arg7[%get3A_369, %get3A_370] {strides = array<i32>} : memref<8x768xf32, #tpu.memory_space<vmem>>, vector<1x16xf32>,
          %get3A_372 = vector.shape_cast %get3A_371 : vector<1x16xf32> to vector<16xf32>
          %get3A_373 = arith.index_cast %scan3A_90 : i32 to index
          %get3A_374 = arith.constant 320 : index
          %get3A_375 = tpu.vector_load %arg8[%get3A_373, %get3A_374] {strides = array<i32>} : memref<8x768xf32, #tpu.memory_space<vmem>>, vector<1x16xf32>,
          %get3A_376 = vector.shape_cast %get3A_375 : vector<1x16xf32> to vector<16xf32>
          %add3A_377 = arith.addf %get3A_372, %get3A_376 : vector<16xf32>
          %swap3A_378 = arith.index_cast %scan3A_90 : i32 to index
          %swap3A_379 = arith.constant 320 : index
          %swap3A_380 = tpu.vector_load %arg10[%swap3A_378, %swap3A_379] {strides = array<i32>} : memref<8x768xf32, #tpu.memory_space<vmem>>, vector<1x16xf32>,
          %swap3A_381 = vector.shape_cast %swap3A_380 : vector<1x16xf32> to vector<16xf32>
          %swap3A_382 = vector.shape_cast %add3A_377 : vector<16xf32> to vector<1x16xf32>
          tpu.vector_store %arg10[%swap3A_378, %swap3A_379], %swap3A_382 {strides = array<i32>} : memref<8x768xf32, #tpu.memory_space<vmem>>, vector<1x16xf32>,
          %get3A_383 = arith.index_cast %scan3A_90 : i32 to index
          %get3A_384 = arith.constant 336 : index
          %get3A_385 = tpu.vector_load %arg7[%get3A_383, %get3A_384] {strides = array<i32>} : memref<8x768xf32, #tpu.memory_space<vmem>>, vector<1x16xf32>,
          %get3A_386 = vector.shape_cast %get3A_385 : vector<1x16xf32> to vector<16xf32>
          %get3A_387 = arith.index_cast %scan3A_90 : i32 to index
          %get3A_388 = arith.constant 336 : index
          %get3A_389 = tpu.vector_load %arg8[%get3A_387, %get3A_388] {strides = array<i32>} : memref<8x768xf32, #tpu.memory_space<vmem>>, vector<1x16xf32>,
          %get3A_390 = vector.shape_cast %get3A_389 : vector<1x16xf32> to vector<16xf32>
          %add3A_391 = arith.addf %get3A_386, %get3A_390 : vector<16xf32>
          %swap3A_392 = arith.index_cast %scan3A_90 : i32 to index
          %swap3A_393 = arith.constant 336 : index
          %swap3A_394 = tpu.vector_load %arg10[%swap3A_392, %swap3A_393] {strides = array<i32>} : memref<8x768xf32, #tpu.memory_space<vmem>>, vector<1x16xf32>,
          %swap3A_395 = vector.shape_cast %swap3A_394 : vector<1x16xf32> to vector<16xf32>
          %swap3A_396 = vector.shape_cast %add3A_391 : vector<16xf32> to vector<1x16xf32>
          tpu.vector_store %arg10[%swap3A_392, %swap3A_393], %swap3A_396 {strides = array<i32>} : memref<8x768xf32, #tpu.memory_space<vmem>>, vector<1x16xf32>,
          %get3A_397 = arith.index_cast %scan3A_90 : i32 to index
          %get3A_398 = arith.constant 352 : index
          %get3A_399 = tpu.vector_load %arg7[%get3A_397, %get3A_398] {strides = array<i32>} : memref<8x768xf32, #tpu.memory_space<vmem>>, vector<1x16xf32>,
          %get3A_400 = vector.shape_cast %get3A_399 : vector<1x16xf32> to vector<16xf32>
          %get3A_401 = arith.index_cast %scan3A_90 : i32 to index
          %get3A_402 = arith.constant 352 : index
          %get3A_403 = tpu.vector_load %arg8[%get3A_401, %get3A_402] {strides = array<i32>} : memref<8x768xf32, #tpu.memory_space<vmem>>, vector<1x16xf32>,
          %get3A_404 = vector.shape_cast %get3A_403 : vector<1x16xf32> to vector<16xf32>
          %add3A_405 = arith.addf %get3A_400, %get3A_404 : vector<16xf32>
          %swap3A_406 = arith.index_cast %scan3A_90 : i32 to index
          %swap3A_407 = arith.constant 352 : index
          %swap3A_408 = tpu.vector_load %arg10[%swap3A_406, %swap3A_407] {strides = array<i32>} : memref<8x768xf32, #tpu.memory_space<vmem>>, vector<1x16xf32>,
          %swap3A_409 = vector.shape_cast %swap3A_408 : vector<1x16xf32> to vector<16xf32>
          %swap3A_410 = vector.shape_cast %add3A_405 : vector<16xf32> to vector<1x16xf32>
          tpu.vector_store %arg10[%swap3A_406, %swap3A_407], %swap3A_410 {strides = array<i32>} : memref<8x768xf32, #tpu.memory_space<vmem>>, vector<1x16xf32>,
          %get3A_411 = arith.index_cast %scan3A_90 : i32 to index
          %get3A_412 = arith.constant 368 : index
          %get3A_413 = tpu.vector_load %arg7[%get3A_411, %get3A_412] {strides = array<i32>} : memref<8x768xf32, #tpu.memory_space<vmem>>, vector<1x16xf32>,
          %get3A_414 = vector.shape_cast %get3A_413 : vector<1x16xf32> to vector<16xf32>
          %get3A_415 = arith.index_cast %scan3A_90 : i32 to index
          %get3A_416 = arith.constant 368 : index
          %get3A_417 = tpu.vector_load %arg8[%get3A_415, %get3A_416] {strides = array<i32>} : memref<8x768xf32, #tpu.memory_space<vmem>>, vector<1x16xf32>,
          %get3A_418 = vector.shape_cast %get3A_417 : vector<1x16xf32> to vector<16xf32>
          %add3A_419 = arith.addf %get3A_414, %get3A_418 : vector<16xf32>
          %swap3A_420 = arith.index_cast %scan3A_90 : i32 to index
          %swap3A_421 = arith.constant 368 : index
          %swap3A_422 = tpu.vector_load %arg10[%swap3A_420, %swap3A_421] {strides = array<i32>} : memref<8x768xf32, #tpu.memory_space<vmem>>, vector<1x16xf32>,
          %swap3A_423 = vector.shape_cast %swap3A_422 : vector<1x16xf32> to vector<16xf32>
          %swap3A_424 = vector.shape_cast %add3A_419 : vector<16xf32> to vector<1x16xf32>
          tpu.vector_store %arg10[%swap3A_420, %swap3A_421], %swap3A_424 {strides = array<i32>} : memref<8x768xf32, #tpu.memory_space<vmem>>, vector<1x16xf32>,
          %get3A_425 = arith.index_cast %scan3A_90 : i32 to index
          %get3A_426 = arith.constant 384 : index
          %get3A_427 = tpu.vector_load %arg7[%get3A_425, %get3A_426] {strides = array<i32>} : memref<8x768xf32, #tpu.memory_space<vmem>>, vector<1x16xf32>,
          %get3A_428 = vector.shape_cast %get3A_427 : vector<1x16xf32> to vector<16xf32>
          %get3A_429 = arith.index_cast %scan3A_90 : i32 to index
          %get3A_430 = arith.constant 384 : index
          %get3A_431 = tpu.vector_load %arg8[%get3A_429, %get3A_430] {strides = array<i32>} : memref<8x768xf32, #tpu.memory_space<vmem>>, vector<1x16xf32>,
          %get3A_432 = vector.shape_cast %get3A_431 : vector<1x16xf32> to vector<16xf32>
          %add3A_433 = arith.addf %get3A_428, %get3A_432 : vector<16xf32>
          %swap3A_434 = arith.index_cast %scan3A_90 : i32 to index
          %swap3A_435 = arith.constant 384 : index
          %swap3A_436 = tpu.vector_load %arg10[%swap3A_434, %swap3A_435] {strides = array<i32>} : memref<8x768xf32, #tpu.memory_space<vmem>>, vector<1x16xf32>,
          %swap3A_437 = vector.shape_cast %swap3A_436 : vector<1x16xf32> to vector<16xf32>
          %swap3A_438 = vector.shape_cast %add3A_433 : vector<16xf32> to vector<1x16xf32>
          tpu.vector_store %arg10[%swap3A_434, %swap3A_435], %swap3A_438 {strides = array<i32>} : memref<8x768xf32, #tpu.memory_space<vmem>>, vector<1x16xf32>,
          %get3A_439 = arith.index_cast %scan3A_90 : i32 to index
          %get3A_440 = arith.constant 400 : index
          %get3A_441 = tpu.vector_load %arg7[%get3A_439, %get3A_440] {strides = array<i32>} : memref<8x768xf32, #tpu.memory_space<vmem>>, vector<1x16xf32>,
          %get3A_442 = vector.shape_cast %get3A_441 : vector<1x16xf32> to vector<16xf32>
          %get3A_443 = arith.index_cast %scan3A_90 : i32 to index
          %get3A_444 = arith.constant 400 : index
          %get3A_445 = tpu.vector_load %arg8[%get3A_443, %get3A_444] {strides = array<i32>} : memref<8x768xf32, #tpu.memory_space<vmem>>, vector<1x16xf32>,
          %get3A_446 = vector.shape_cast %get3A_445 : vector<1x16xf32> to vector<16xf32>
          %add3A_447 = arith.addf %get3A_442, %get3A_446 : vector<16xf32>
          %swap3A_448 = arith.index_cast %scan3A_90 : i32 to index
          %swap3A_449 = arith.constant 400 : index
          %swap3A_450 = tpu.vector_load %arg10[%swap3A_448, %swap3A_449] {strides = array<i32>} : memref<8x768xf32, #tpu.memory_space<vmem>>, vector<1x16xf32>,
          %swap3A_451 = vector.shape_cast %swap3A_450 : vector<1x16xf32> to vector<16xf32>
          %swap3A_452 = vector.shape_cast %add3A_447 : vector<16xf32> to vector<1x16xf32>
          tpu.vector_store %arg10[%swap3A_448, %swap3A_449], %swap3A_452 {strides = array<i32>} : memref<8x768xf32, #tpu.memory_space<vmem>>, vector<1x16xf32>,
          %get3A_453 = arith.index_cast %scan3A_90 : i32 to index
          %get3A_454 = arith.constant 416 : index
          %get3A_455 = tpu.vector_load %arg7[%get3A_453, %get3A_454] {strides = array<i32>} : memref<8x768xf32, #tpu.memory_space<vmem>>, vector<1x16xf32>,
          %get3A_456 = vector.shape_cast %get3A_455 : vector<1x16xf32> to vector<16xf32>
          %get3A_457 = arith.index_cast %scan3A_90 : i32 to index
          %get3A_458 = arith.constant 416 : index
          %get3A_459 = tpu.vector_load %arg8[%get3A_457, %get3A_458] {strides = array<i32>} : memref<8x768xf32, #tpu.memory_space<vmem>>, vector<1x16xf32>,
          %get3A_460 = vector.shape_cast %get3A_459 : vector<1x16xf32> to vector<16xf32>
          %add3A_461 = arith.addf %get3A_456, %get3A_460 : vector<16xf32>
          %swap3A_462 = arith.index_cast %scan3A_90 : i32 to index
          %swap3A_463 = arith.constant 416 : index
          %swap3A_464 = tpu.vector_load %arg10[%swap3A_462, %swap3A_463] {strides = array<i32>} : memref<8x768xf32, #tpu.memory_space<vmem>>, vector<1x16xf32>,
          %swap3A_465 = vector.shape_cast %swap3A_464 : vector<1x16xf32> to vector<16xf32>
          %swap3A_466 = vector.shape_cast %add3A_461 : vector<16xf32> to vector<1x16xf32>
          tpu.vector_store %arg10[%swap3A_462, %swap3A_463], %swap3A_466 {strides = array<i32>} : memref<8x768xf32, #tpu.memory_space<vmem>>, vector<1x16xf32>,
          %get3A_467 = arith.index_cast %scan3A_90 : i32 to index
          %get3A_468 = arith.constant 432 : index
          %get3A_469 = tpu.vector_load %arg7[%get3A_467, %get3A_468] {strides = array<i32>} : memref<8x768xf32, #tpu.memory_space<vmem>>, vector<1x16xf32>,
          %get3A_470 = vector.shape_cast %get3A_469 : vector<1x16xf32> to vector<16xf32>
          %get3A_471 = arith.index_cast %scan3A_90 : i32 to index
          %get3A_472 = arith.constant 432 : index
          %get3A_473 = tpu.vector_load %arg8[%get3A_471, %get3A_472] {strides = array<i32>} : memref<8x768xf32, #tpu.memory_space<vmem>>, vector<1x16xf32>,
          %get3A_474 = vector.shape_cast %get3A_473 : vector<1x16xf32> to vector<16xf32>
          %add3A_475 = arith.addf %get3A_470, %get3A_474 : vector<16xf32>
          %swap3A_476 = arith.index_cast %scan3A_90 : i32 to index
          %swap3A_477 = arith.constant 432 : index
          %swap3A_478 = tpu.vector_load %arg10[%swap3A_476, %swap3A_477] {strides = array<i32>} : memref<8x768xf32, #tpu.memory_space<vmem>>, vector<1x16xf32>,
          %swap3A_479 = vector.shape_cast %swap3A_478 : vector<1x16xf32> to vector<16xf32>
          %swap3A_480 = vector.shape_cast %add3A_475 : vector<16xf32> to vector<1x16xf32>
          tpu.vector_store %arg10[%swap3A_476, %swap3A_477], %swap3A_480 {strides = array<i32>} : memref<8x768xf32, #tpu.memory_space<vmem>>, vector<1x16xf32>,
          %get3A_481 = arith.index_cast %scan3A_90 : i32 to index
          %get3A_482 = arith.constant 448 : index
          %get3A_483 = tpu.vector_load %arg7[%get3A_481, %get3A_482] {strides = array<i32>} : memref<8x768xf32, #tpu.memory_space<vmem>>, vector<1x16xf32>,
          %get3A_484 = vector.shape_cast %get3A_483 : vector<1x16xf32> to vector<16xf32>
          %get3A_485 = arith.index_cast %scan3A_90 : i32 to index
          %get3A_486 = arith.constant 448 : index
          %get3A_487 = tpu.vector_load %arg8[%get3A_485, %get3A_486] {strides = array<i32>} : memref<8x768xf32, #tpu.memory_space<vmem>>, vector<1x16xf32>,
          %get3A_488 = vector.shape_cast %get3A_487 : vector<1x16xf32> to vector<16xf32>
          %add3A_489 = arith.addf %get3A_484, %get3A_488 : vector<16xf32>
          %swap3A_490 = arith.index_cast %scan3A_90 : i32 to index
          %swap3A_491 = arith.constant 448 : index
          %swap3A_492 = tpu.vector_load %arg10[%swap3A_490, %swap3A_491] {strides = array<i32>} : memref<8x768xf32, #tpu.memory_space<vmem>>, vector<1x16xf32>,
          %swap3A_493 = vector.shape_cast %swap3A_492 : vector<1x16xf32> to vector<16xf32>
          %swap3A_494 = vector.shape_cast %add3A_489 : vector<16xf32> to vector<1x16xf32>
          tpu.vector_store %arg10[%swap3A_490, %swap3A_491], %swap3A_494 {strides = array<i32>} : memref<8x768xf32, #tpu.memory_space<vmem>>, vector<1x16xf32>,
          %get3A_495 = arith.index_cast %scan3A_90 : i32 to index
          %get3A_496 = arith.constant 464 : index
          %get3A_497 = tpu.vector_load %arg7[%get3A_495, %get3A_496] {strides = array<i32>} : memref<8x768xf32, #tpu.memory_space<vmem>>, vector<1x16xf32>,
          %get3A_498 = vector.shape_cast %get3A_497 : vector<1x16xf32> to vector<16xf32>
          %get3A_499 = arith.index_cast %scan3A_90 : i32 to index
          %get3A_500 = arith.constant 464 : index
          %get3A_501 = tpu.vector_load %arg8[%get3A_499, %get3A_500] {strides = array<i32>} : memref<8x768xf32, #tpu.memory_space<vmem>>, vector<1x16xf32>,
          %get3A_502 = vector.shape_cast %get3A_501 : vector<1x16xf32> to vector<16xf32>
          %add3A_503 = arith.addf %get3A_498, %get3A_502 : vector<16xf32>
          %swap3A_504 = arith.index_cast %scan3A_90 : i32 to index
          %swap3A_505 = arith.constant 464 : index
          %swap3A_506 = tpu.vector_load %arg10[%swap3A_504, %swap3A_505] {strides = array<i32>} : memref<8x768xf32, #tpu.memory_space<vmem>>, vector<1x16xf32>,
          %swap3A_507 = vector.shape_cast %swap3A_506 : vector<1x16xf32> to vector<16xf32>
          %swap3A_508 = vector.shape_cast %add3A_503 : vector<16xf32> to vector<1x16xf32>
          tpu.vector_store %arg10[%swap3A_504, %swap3A_505], %swap3A_508 {strides = array<i32>} : memref<8x768xf32, #tpu.memory_space<vmem>>, vector<1x16xf32>,
          %get3A_509 = arith.index_cast %scan3A_90 : i32 to index
          %get3A_510 = arith.constant 480 : index
          %get3A_511 = tpu.vector_load %arg7[%get3A_509, %get3A_510] {strides = array<i32>} : memref<8x768xf32, #tpu.memory_space<vmem>>, vector<1x16xf32>,
          %get3A_512 = vector.shape_cast %get3A_511 : vector<1x16xf32> to vector<16xf32>
          %get3A_513 = arith.index_cast %scan3A_90 : i32 to index
          %get3A_514 = arith.constant 480 : index
          %get3A_515 = tpu.vector_load %arg8[%get3A_513, %get3A_514] {strides = array<i32>} : memref<8x768xf32, #tpu.memory_space<vmem>>, vector<1x16xf32>,
          %get3A_516 = vector.shape_cast %get3A_515 : vector<1x16xf32> to vector<16xf32>
          %add3A_517 = arith.addf %get3A_512, %get3A_516 : vector<16xf32>
          %swap3A_518 = arith.index_cast %scan3A_90 : i32 to index
          %swap3A_519 = arith.constant 480 : index
          %swap3A_520 = tpu.vector_load %arg10[%swap3A_518, %swap3A_519] {strides = array<i32>} : memref<8x768xf32, #tpu.memory_space<vmem>>, vector<1x16xf32>,
          %swap3A_521 = vector.shape_cast %swap3A_520 : vector<1x16xf32> to vector<16xf32>
          %swap3A_522 = vector.shape_cast %add3A_517 : vector<16xf32> to vector<1x16xf32>
          tpu.vector_store %arg10[%swap3A_518, %swap3A_519], %swap3A_522 {strides = array<i32>} : memref<8x768xf32, #tpu.memory_space<vmem>>, vector<1x16xf32>,
          %get3A_523 = arith.index_cast %scan3A_90 : i32 to index
          %get3A_524 = arith.constant 496 : index
          %get3A_525 = tpu.vector_load %arg7[%get3A_523, %get3A_524] {strides = array<i32>} : memref<8x768xf32, #tpu.memory_space<vmem>>, vector<1x16xf32>,
          %get3A_526 = vector.shape_cast %get3A_525 : vector<1x16xf32> to vector<16xf32>
          %get3A_527 = arith.index_cast %scan3A_90 : i32 to index
          %get3A_528 = arith.constant 496 : index
          %get3A_529 = tpu.vector_load %arg8[%get3A_527, %get3A_528] {strides = array<i32>} : memref<8x768xf32, #tpu.memory_space<vmem>>, vector<1x16xf32>,
          %get3A_530 = vector.shape_cast %get3A_529 : vector<1x16xf32> to vector<16xf32>
          %add3A_531 = arith.addf %get3A_526, %get3A_530 : vector<16xf32>
          %swap3A_532 = arith.index_cast %scan3A_90 : i32 to index
          %swap3A_533 = arith.constant 496 : index
          %swap3A_534 = tpu.vector_load %arg10[%swap3A_532, %swap3A_533] {strides = array<i32>} : memref<8x768xf32, #tpu.memory_space<vmem>>, vector<1x16xf32>,
          %swap3A_535 = vector.shape_cast %swap3A_534 : vector<1x16xf32> to vector<16xf32>
          %swap3A_536 = vector.shape_cast %add3A_531 : vector<16xf32> to vector<1x16xf32>
          tpu.vector_store %arg10[%swap3A_532, %swap3A_533], %swap3A_536 {strides = array<i32>} : memref<8x768xf32, #tpu.memory_space<vmem>>, vector<1x16xf32>,
          %get3A_537 = arith.index_cast %scan3A_90 : i32 to index
          %get3A_538 = arith.constant 512 : index
          %get3A_539 = tpu.vector_load %arg7[%get3A_537, %get3A_538] {strides = array<i32>} : memref<8x768xf32, #tpu.memory_space<vmem>>, vector<1x16xf32>,
          %get3A_540 = vector.shape_cast %get3A_539 : vector<1x16xf32> to vector<16xf32>
          %get3A_541 = arith.index_cast %scan3A_90 : i32 to index
          %get3A_542 = arith.constant 512 : index
          %get3A_543 = tpu.vector_load %arg8[%get3A_541, %get3A_542] {strides = array<i32>} : memref<8x768xf32, #tpu.memory_space<vmem>>, vector<1x16xf32>,
          %get3A_544 = vector.shape_cast %get3A_543 : vector<1x16xf32> to vector<16xf32>
          %add3A_545 = arith.addf %get3A_540, %get3A_544 : vector<16xf32>
          %swap3A_546 = arith.index_cast %scan3A_90 : i32 to index
          %swap3A_547 = arith.constant 512 : index
          %swap3A_548 = tpu.vector_load %arg10[%swap3A_546, %swap3A_547] {strides = array<i32>} : memref<8x768xf32, #tpu.memory_space<vmem>>, vector<1x16xf32>,
          %swap3A_549 = vector.shape_cast %swap3A_548 : vector<1x16xf32> to vector<16xf32>
          %swap3A_550 = vector.shape_cast %add3A_545 : vector<16xf32> to vector<1x16xf32>
          tpu.vector_store %arg10[%swap3A_546, %swap3A_547], %swap3A_550 {strides = array<i32>} : memref<8x768xf32, #tpu.memory_space<vmem>>, vector<1x16xf32>,
          %get3A_551 = arith.index_cast %scan3A_90 : i32 to index
          %get3A_552 = arith.constant 528 : index
          %get3A_553 = tpu.vector_load %arg7[%get3A_551, %get3A_552] {strides = array<i32>} : memref<8x768xf32, #tpu.memory_space<vmem>>, vector<1x16xf32>,
          %get3A_554 = vector.shape_cast %get3A_553 : vector<1x16xf32> to vector<16xf32>
          %get3A_555 = arith.index_cast %scan3A_90 : i32 to index
          %get3A_556 = arith.constant 528 : index
          %get3A_557 = tpu.vector_load %arg8[%get3A_555, %get3A_556] {strides = array<i32>} : memref<8x768xf32, #tpu.memory_space<vmem>>, vector<1x16xf32>,
          %get3A_558 = vector.shape_cast %get3A_557 : vector<1x16xf32> to vector<16xf32>
          %add3A_559 = arith.addf %get3A_554, %get3A_558 : vector<16xf32>
          %swap3A_560 = arith.index_cast %scan3A_90 : i32 to index
          %swap3A_561 = arith.constant 528 : index
          %swap3A_562 = tpu.vector_load %arg10[%swap3A_560, %swap3A_561] {strides = array<i32>} : memref<8x768xf32, #tpu.memory_space<vmem>>, vector<1x16xf32>,
          %swap3A_563 = vector.shape_cast %swap3A_562 : vector<1x16xf32> to vector<16xf32>
          %swap3A_564 = vector.shape_cast %add3A_559 : vector<16xf32> to vector<1x16xf32>
          tpu.vector_store %arg10[%swap3A_560, %swap3A_561], %swap3A_564 {strides = array<i32>} : memref<8x768xf32, #tpu.memory_space<vmem>>, vector<1x16xf32>,
          %get3A_565 = arith.index_cast %scan3A_90 : i32 to index
          %get3A_566 = arith.constant 544 : index
          %get3A_567 = tpu.vector_load %arg7[%get3A_565, %get3A_566] {strides = array<i32>} : memref<8x768xf32, #tpu.memory_space<vmem>>, vector<1x16xf32>,
          %get3A_568 = vector.shape_cast %get3A_567 : vector<1x16xf32> to vector<16xf32>
          %get3A_569 = arith.index_cast %scan3A_90 : i32 to index
          %get3A_570 = arith.constant 544 : index
          %get3A_571 = tpu.vector_load %arg8[%get3A_569, %get3A_570] {strides = array<i32>} : memref<8x768xf32, #tpu.memory_space<vmem>>, vector<1x16xf32>,
          %get3A_572 = vector.shape_cast %get3A_571 : vector<1x16xf32> to vector<16xf32>
          %add3A_573 = arith.addf %get3A_568, %get3A_572 : vector<16xf32>
          %swap3A_574 = arith.index_cast %scan3A_90 : i32 to index
          %swap3A_575 = arith.constant 544 : index
          %swap3A_576 = tpu.vector_load %arg10[%swap3A_574, %swap3A_575] {strides = array<i32>} : memref<8x768xf32, #tpu.memory_space<vmem>>, vector<1x16xf32>,
          %swap3A_577 = vector.shape_cast %swap3A_576 : vector<1x16xf32> to vector<16xf32>
          %swap3A_578 = vector.shape_cast %add3A_573 : vector<16xf32> to vector<1x16xf32>
          tpu.vector_store %arg10[%swap3A_574, %swap3A_575], %swap3A_578 {strides = array<i32>} : memref<8x768xf32, #tpu.memory_space<vmem>>, vector<1x16xf32>,
          %get3A_579 = arith.index_cast %scan3A_90 : i32 to index
          %get3A_580 = arith.constant 560 : index
          %get3A_581 = tpu.vector_load %arg7[%get3A_579, %get3A_580] {strides = array<i32>} : memref<8x768xf32, #tpu.memory_space<vmem>>, vector<1x16xf32>,
          %get3A_582 = vector.shape_cast %get3A_581 : vector<1x16xf32> to vector<16xf32>
          %get3A_583 = arith.index_cast %scan3A_90 : i32 to index
          %get3A_584 = arith.constant 560 : index
          %get3A_585 = tpu.vector_load %arg8[%get3A_583, %get3A_584] {strides = array<i32>} : memref<8x768xf32, #tpu.memory_space<vmem>>, vector<1x16xf32>,
          %get3A_586 = vector.shape_cast %get3A_585 : vector<1x16xf32> to vector<16xf32>
          %add3A_587 = arith.addf %get3A_582, %get3A_586 : vector<16xf32>
          %swap3A_588 = arith.index_cast %scan3A_90 : i32 to index
          %swap3A_589 = arith.constant 560 : index
          %swap3A_590 = tpu.vector_load %arg10[%swap3A_588, %swap3A_589] {strides = array<i32>} : memref<8x768xf32, #tpu.memory_space<vmem>>, vector<1x16xf32>,
          %swap3A_591 = vector.shape_cast %swap3A_590 : vector<1x16xf32> to vector<16xf32>
          %swap3A_592 = vector.shape_cast %add3A_587 : vector<16xf32> to vector<1x16xf32>
          tpu.vector_store %arg10[%swap3A_588, %swap3A_589], %swap3A_592 {strides = array<i32>} : memref<8x768xf32, #tpu.memory_space<vmem>>, vector<1x16xf32>,
          %get3A_593 = arith.index_cast %scan3A_90 : i32 to index
          %get3A_594 = arith.constant 576 : index
          %get3A_595 = tpu.vector_load %arg7[%get3A_593, %get3A_594] {strides = array<i32>} : memref<8x768xf32, #tpu.memory_space<vmem>>, vector<1x16xf32>,
          %get3A_596 = vector.shape_cast %get3A_595 : vector<1x16xf32> to vector<16xf32>
          %get3A_597 = arith.index_cast %scan3A_90 : i32 to index
          %get3A_598 = arith.constant 576 : index
          %get3A_599 = tpu.vector_load %arg8[%get3A_597, %get3A_598] {strides = array<i32>} : memref<8x768xf32, #tpu.memory_space<vmem>>, vector<1x16xf32>,
          %get3A_600 = vector.shape_cast %get3A_599 : vector<1x16xf32> to vector<16xf32>
          %add3A_601 = arith.addf %get3A_596, %get3A_600 : vector<16xf32>
          %swap3A_602 = arith.index_cast %scan3A_90 : i32 to index
          %swap3A_603 = arith.constant 576 : index
          %swap3A_604 = tpu.vector_load %arg10[%swap3A_602, %swap3A_603] {strides = array<i32>} : memref<8x768xf32, #tpu.memory_space<vmem>>, vector<1x16xf32>,
          %swap3A_605 = vector.shape_cast %swap3A_604 : vector<1x16xf32> to vector<16xf32>
          %swap3A_606 = vector.shape_cast %add3A_601 : vector<16xf32> to vector<1x16xf32>
          tpu.vector_store %arg10[%swap3A_602, %swap3A_603], %swap3A_606 {strides = array<i32>} : memref<8x768xf32, #tpu.memory_space<vmem>>, vector<1x16xf32>,
          %get3A_607 = arith.index_cast %scan3A_90 : i32 to index
          %get3A_608 = arith.constant 592 : index
          %get3A_609 = tpu.vector_load %arg7[%get3A_607, %get3A_608] {strides = array<i32>} : memref<8x768xf32, #tpu.memory_space<vmem>>, vector<1x16xf32>,
          %get3A_610 = vector.shape_cast %get3A_609 : vector<1x16xf32> to vector<16xf32>
          %get3A_611 = arith.index_cast %scan3A_90 : i32 to index
          %get3A_612 = arith.constant 592 : index
          %get3A_613 = tpu.vector_load %arg8[%get3A_611, %get3A_612] {strides = array<i32>} : memref<8x768xf32, #tpu.memory_space<vmem>>, vector<1x16xf32>,
          %get3A_614 = vector.shape_cast %get3A_613 : vector<1x16xf32> to vector<16xf32>
          %add3A_615 = arith.addf %get3A_610, %get3A_614 : vector<16xf32>
          %swap3A_616 = arith.index_cast %scan3A_90 : i32 to index
          %swap3A_617 = arith.constant 592 : index
          %swap3A_618 = tpu.vector_load %arg10[%swap3A_616, %swap3A_617] {strides = array<i32>} : memref<8x768xf32, #tpu.memory_space<vmem>>, vector<1x16xf32>,
          %swap3A_619 = vector.shape_cast %swap3A_618 : vector<1x16xf32> to vector<16xf32>
          %swap3A_620 = vector.shape_cast %add3A_615 : vector<16xf32> to vector<1x16xf32>
          tpu.vector_store %arg10[%swap3A_616, %swap3A_617], %swap3A_620 {strides = array<i32>} : memref<8x768xf32, #tpu.memory_space<vmem>>, vector<1x16xf32>,
          %get3A_621 = arith.index_cast %scan3A_90 : i32 to index
          %get3A_622 = arith.constant 608 : index
          %get3A_623 = tpu.vector_load %arg7[%get3A_621, %get3A_622] {strides = array<i32>} : memref<8x768xf32, #tpu.memory_space<vmem>>, vector<1x16xf32>,
          %get3A_624 = vector.shape_cast %get3A_623 : vector<1x16xf32> to vector<16xf32>
          %get3A_625 = arith.index_cast %scan3A_90 : i32 to index
          %get3A_626 = arith.constant 608 : index
          %get3A_627 = tpu.vector_load %arg8[%get3A_625, %get3A_626] {strides = array<i32>} : memref<8x768xf32, #tpu.memory_space<vmem>>, vector<1x16xf32>,
          %get3A_628 = vector.shape_cast %get3A_627 : vector<1x16xf32> to vector<16xf32>
          %add3A_629 = arith.addf %get3A_624, %get3A_628 : vector<16xf32>
          %swap3A_630 = arith.index_cast %scan3A_90 : i32 to index
          %swap3A_631 = arith.constant 608 : index
          %swap3A_632 = tpu.vector_load %arg10[%swap3A_630, %swap3A_631] {strides = array<i32>} : memref<8x768xf32, #tpu.memory_space<vmem>>, vector<1x16xf32>,
          %swap3A_633 = vector.shape_cast %swap3A_632 : vector<1x16xf32> to vector<16xf32>
          %swap3A_634 = vector.shape_cast %add3A_629 : vector<16xf32> to vector<1x16xf32>
          tpu.vector_store %arg10[%swap3A_630, %swap3A_631], %swap3A_634 {strides = array<i32>} : memref<8x768xf32, #tpu.memory_space<vmem>>, vector<1x16xf32>,
          %get3A_635 = arith.index_cast %scan3A_90 : i32 to index
          %get3A_636 = arith.constant 624 : index
          %get3A_637 = tpu.vector_load %arg7[%get3A_635, %get3A_636] {strides = array<i32>} : memref<8x768xf32, #tpu.memory_space<vmem>>, vector<1x16xf32>,
          %get3A_638 = vector.shape_cast %get3A_637 : vector<1x16xf32> to vector<16xf32>
          %get3A_639 = arith.index_cast %scan3A_90 : i32 to index
          %get3A_640 = arith.constant 624 : index
          %get3A_641 = tpu.vector_load %arg8[%get3A_639, %get3A_640] {strides = array<i32>} : memref<8x768xf32, #tpu.memory_space<vmem>>, vector<1x16xf32>,
          %get3A_642 = vector.shape_cast %get3A_641 : vector<1x16xf32> to vector<16xf32>
          %add3A_643 = arith.addf %get3A_638, %get3A_642 : vector<16xf32>
          %swap3A_644 = arith.index_cast %scan3A_90 : i32 to index
          %swap3A_645 = arith.constant 624 : index
          %swap3A_646 = tpu.vector_load %arg10[%swap3A_644, %swap3A_645] {strides = array<i32>} : memref<8x768xf32, #tpu.memory_space<vmem>>, vector<1x16xf32>,
          %swap3A_647 = vector.shape_cast %swap3A_646 : vector<1x16xf32> to vector<16xf32>
          %swap3A_648 = vector.shape_cast %add3A_643 : vector<16xf32> to vector<1x16xf32>
          tpu.vector_store %arg10[%swap3A_644, %swap3A_645], %swap3A_648 {strides = array<i32>} : memref<8x768xf32, #tpu.memory_space<vmem>>, vector<1x16xf32>,
          %get3A_649 = arith.index_cast %scan3A_90 : i32 to index
          %get3A_650 = arith.constant 640 : index
          %get3A_651 = tpu.vector_load %arg7[%get3A_649, %get3A_650] {strides = array<i32>} : memref<8x768xf32, #tpu.memory_space<vmem>>, vector<1x16xf32>,
          %get3A_652 = vector.shape_cast %get3A_651 : vector<1x16xf32> to vector<16xf32>
          %get3A_653 = arith.index_cast %scan3A_90 : i32 to index
          %get3A_654 = arith.constant 640 : index
          %get3A_655 = tpu.vector_load %arg8[%get3A_653, %get3A_654] {strides = array<i32>} : memref<8x768xf32, #tpu.memory_space<vmem>>, vector<1x16xf32>,
          %get3A_656 = vector.shape_cast %get3A_655 : vector<1x16xf32> to vector<16xf32>
          %add3A_657 = arith.addf %get3A_652, %get3A_656 : vector<16xf32>
          %swap3A_658 = arith.index_cast %scan3A_90 : i32 to index
          %swap3A_659 = arith.constant 640 : index
          %swap3A_660 = tpu.vector_load %arg10[%swap3A_658, %swap3A_659] {strides = array<i32>} : memref<8x768xf32, #tpu.memory_space<vmem>>, vector<1x16xf32>,
          %swap3A_661 = vector.shape_cast %swap3A_660 : vector<1x16xf32> to vector<16xf32>
          %swap3A_662 = vector.shape_cast %add3A_657 : vector<16xf32> to vector<1x16xf32>
          tpu.vector_store %arg10[%swap3A_658, %swap3A_659], %swap3A_662 {strides = array<i32>} : memref<8x768xf32, #tpu.memory_space<vmem>>, vector<1x16xf32>,
          %get3A_663 = arith.index_cast %scan3A_90 : i32 to index
          %get3A_664 = arith.constant 656 : index
          %get3A_665 = tpu.vector_load %arg7[%get3A_663, %get3A_664] {strides = array<i32>} : memref<8x768xf32, #tpu.memory_space<vmem>>, vector<1x16xf32>,
          %get3A_666 = vector.shape_cast %get3A_665 : vector<1x16xf32> to vector<16xf32>
          %get3A_667 = arith.index_cast %scan3A_90 : i32 to index
          %get3A_668 = arith.constant 656 : index
          %get3A_669 = tpu.vector_load %arg8[%get3A_667, %get3A_668] {strides = array<i32>} : memref<8x768xf32, #tpu.memory_space<vmem>>, vector<1x16xf32>,
          %get3A_670 = vector.shape_cast %get3A_669 : vector<1x16xf32> to vector<16xf32>
          %add3A_671 = arith.addf %get3A_666, %get3A_670 : vector<16xf32>
          %swap3A_672 = arith.index_cast %scan3A_90 : i32 to index
          %swap3A_673 = arith.constant 656 : index
          %swap3A_674 = tpu.vector_load %arg10[%swap3A_672, %swap3A_673] {strides = array<i32>} : memref<8x768xf32, #tpu.memory_space<vmem>>, vector<1x16xf32>,
          %swap3A_675 = vector.shape_cast %swap3A_674 : vector<1x16xf32> to vector<16xf32>
          %swap3A_676 = vector.shape_cast %add3A_671 : vector<16xf32> to vector<1x16xf32>
          tpu.vector_store %arg10[%swap3A_672, %swap3A_673], %swap3A_676 {strides = array<i32>} : memref<8x768xf32, #tpu.memory_space<vmem>>, vector<1x16xf32>,
          %get3A_677 = arith.index_cast %scan3A_90 : i32 to index
          %get3A_678 = arith.constant 672 : index
          %get3A_679 = tpu.vector_load %arg7[%get3A_677, %get3A_678] {strides = array<i32>} : memref<8x768xf32, #tpu.memory_space<vmem>>, vector<1x16xf32>,
          %get3A_680 = vector.shape_cast %get3A_679 : vector<1x16xf32> to vector<16xf32>
          %get3A_681 = arith.index_cast %scan3A_90 : i32 to index
          %get3A_682 = arith.constant 672 : index
          %get3A_683 = tpu.vector_load %arg8[%get3A_681, %get3A_682] {strides = array<i32>} : memref<8x768xf32, #tpu.memory_space<vmem>>, vector<1x16xf32>,
          %get3A_684 = vector.shape_cast %get3A_683 : vector<1x16xf32> to vector<16xf32>
          %add3A_685 = arith.addf %get3A_680, %get3A_684 : vector<16xf32>
          %swap3A_686 = arith.index_cast %scan3A_90 : i32 to index
          %swap3A_687 = arith.constant 672 : index
          %swap3A_688 = tpu.vector_load %arg10[%swap3A_686, %swap3A_687] {strides = array<i32>} : memref<8x768xf32, #tpu.memory_space<vmem>>, vector<1x16xf32>,
          %swap3A_689 = vector.shape_cast %swap3A_688 : vector<1x16xf32> to vector<16xf32>
          %swap3A_690 = vector.shape_cast %add3A_685 : vector<16xf32> to vector<1x16xf32>
          tpu.vector_store %arg10[%swap3A_686, %swap3A_687], %swap3A_690 {strides = array<i32>} : memref<8x768xf32, #tpu.memory_space<vmem>>, vector<1x16xf32>,
          %get3A_691 = arith.index_cast %scan3A_90 : i32 to index
          %get3A_692 = arith.constant 688 : index
          %get3A_693 = tpu.vector_load %arg7[%get3A_691, %get3A_692] {strides = array<i32>} : memref<8x768xf32, #tpu.memory_space<vmem>>, vector<1x16xf32>,
          %get3A_694 = vector.shape_cast %get3A_693 : vector<1x16xf32> to vector<16xf32>
          %get3A_695 = arith.index_cast %scan3A_90 : i32 to index
          %get3A_696 = arith.constant 688 : index
          %get3A_697 = tpu.vector_load %arg8[%get3A_695, %get3A_696] {strides = array<i32>} : memref<8x768xf32, #tpu.memory_space<vmem>>, vector<1x16xf32>,
          %get3A_698 = vector.shape_cast %get3A_697 : vector<1x16xf32> to vector<16xf32>
          %add3A_699 = arith.addf %get3A_694, %get3A_698 : vector<16xf32>
          %swap3A_700 = arith.index_cast %scan3A_90 : i32 to index
          %swap3A_701 = arith.constant 688 : index
          %swap3A_702 = tpu.vector_load %arg10[%swap3A_700, %swap3A_701] {strides = array<i32>} : memref<8x768xf32, #tpu.memory_space<vmem>>, vector<1x16xf32>,
          %swap3A_703 = vector.shape_cast %swap3A_702 : vector<1x16xf32> to vector<16xf32>
          %swap3A_704 = vector.shape_cast %add3A_699 : vector<16xf32> to vector<1x16xf32>
          tpu.vector_store %arg10[%swap3A_700, %swap3A_701], %swap3A_704 {strides = array<i32>} : memref<8x768xf32, #tpu.memory_space<vmem>>, vector<1x16xf32>,
          %get3A_705 = arith.index_cast %scan3A_90 : i32 to index
          %get3A_706 = arith.constant 704 : index
          %get3A_707 = tpu.vector_load %arg7[%get3A_705, %get3A_706] {strides = array<i32>} : memref<8x768xf32, #tpu.memory_space<vmem>>, vector<1x16xf32>,
          %get3A_708 = vector.shape_cast %get3A_707 : vector<1x16xf32> to vector<16xf32>
          %get3A_709 = arith.index_cast %scan3A_90 : i32 to index
          %get3A_710 = arith.constant 704 : index
          %get3A_711 = tpu.vector_load %arg8[%get3A_709, %get3A_710] {strides = array<i32>} : memref<8x768xf32, #tpu.memory_space<vmem>>, vector<1x16xf32>,
          %get3A_712 = vector.shape_cast %get3A_711 : vector<1x16xf32> to vector<16xf32>
          %add3A_713 = arith.addf %get3A_708, %get3A_712 : vector<16xf32>
          %swap3A_714 = arith.index_cast %scan3A_90 : i32 to index
          %swap3A_715 = arith.constant 704 : index
          %swap3A_716 = tpu.vector_load %arg10[%swap3A_714, %swap3A_715] {strides = array<i32>} : memref<8x768xf32, #tpu.memory_space<vmem>>, vector<1x16xf32>,
          %swap3A_717 = vector.shape_cast %swap3A_716 : vector<1x16xf32> to vector<16xf32>
          %swap3A_718 = vector.shape_cast %add3A_713 : vector<16xf32> to vector<1x16xf32>
          tpu.vector_store %arg10[%swap3A_714, %swap3A_715], %swap3A_718 {strides = array<i32>} : memref<8x768xf32, #tpu.memory_space<vmem>>, vector<1x16xf32>,
          %get3A_719 = arith.index_cast %scan3A_90 : i32 to index
          %get3A_720 = arith.constant 720 : index
          %get3A_721 = tpu.vector_load %arg7[%get3A_719, %get3A_720] {strides = array<i32>} : memref<8x768xf32, #tpu.memory_space<vmem>>, vector<1x16xf32>,
          %get3A_722 = vector.shape_cast %get3A_721 : vector<1x16xf32> to vector<16xf32>
          %get3A_723 = arith.index_cast %scan3A_90 : i32 to index
          %get3A_724 = arith.constant 720 : index
          %get3A_725 = tpu.vector_load %arg8[%get3A_723, %get3A_724] {strides = array<i32>} : memref<8x768xf32, #tpu.memory_space<vmem>>, vector<1x16xf32>,
          %get3A_726 = vector.shape_cast %get3A_725 : vector<1x16xf32> to vector<16xf32>
          %add3A_727 = arith.addf %get3A_722, %get3A_726 : vector<16xf32>
          %swap3A_728 = arith.index_cast %scan3A_90 : i32 to index
          %swap3A_729 = arith.constant 720 : index
          %swap3A_730 = tpu.vector_load %arg10[%swap3A_728, %swap3A_729] {strides = array<i32>} : memref<8x768xf32, #tpu.memory_space<vmem>>, vector<1x16xf32>,
          %swap3A_731 = vector.shape_cast %swap3A_730 : vector<1x16xf32> to vector<16xf32>
          %swap3A_732 = vector.shape_cast %add3A_727 : vector<16xf32> to vector<1x16xf32>
          tpu.vector_store %arg10[%swap3A_728, %swap3A_729], %swap3A_732 {strides = array<i32>} : memref<8x768xf32, #tpu.memory_space<vmem>>, vector<1x16xf32>,
          %get3A_733 = arith.index_cast %scan3A_90 : i32 to index
          %get3A_734 = arith.constant 736 : index
          %get3A_735 = tpu.vector_load %arg7[%get3A_733, %get3A_734] {strides = array<i32>} : memref<8x768xf32, #tpu.memory_space<vmem>>, vector<1x16xf32>,
          %get3A_736 = vector.shape_cast %get3A_735 : vector<1x16xf32> to vector<16xf32>
          %get3A_737 = arith.index_cast %scan3A_90 : i32 to index
          %get3A_738 = arith.constant 736 : index
          %get3A_739 = tpu.vector_load %arg8[%get3A_737, %get3A_738] {strides = array<i32>} : memref<8x768xf32, #tpu.memory_space<vmem>>, vector<1x16xf32>,
          %get3A_740 = vector.shape_cast %get3A_739 : vector<1x16xf32> to vector<16xf32>
          %add3A_741 = arith.addf %get3A_736, %get3A_740 : vector<16xf32>
          %swap3A_742 = arith.index_cast %scan3A_90 : i32 to index
          %swap3A_743 = arith.constant 736 : index
          %swap3A_744 = tpu.vector_load %arg10[%swap3A_742, %swap3A_743] {strides = array<i32>} : memref<8x768xf32, #tpu.memory_space<vmem>>, vector<1x16xf32>,
          %swap3A_745 = vector.shape_cast %swap3A_744 : vector<1x16xf32> to vector<16xf32>
          %swap3A_746 = vector.shape_cast %add3A_741 : vector<16xf32> to vector<1x16xf32>
          tpu.vector_store %arg10[%swap3A_742, %swap3A_743], %swap3A_746 {strides = array<i32>} : memref<8x768xf32, #tpu.memory_space<vmem>>, vector<1x16xf32>,
          %get3A_747 = arith.index_cast %scan3A_90 : i32 to index
          %get3A_748 = arith.constant 752 : index
          %get3A_749 = tpu.vector_load %arg7[%get3A_747, %get3A_748] {strides = array<i32>} : memref<8x768xf32, #tpu.memory_space<vmem>>, vector<1x16xf32>,
          %get3A_750 = vector.shape_cast %get3A_749 : vector<1x16xf32> to vector<16xf32>
          %get3A_751 = arith.index_cast %scan3A_90 : i32 to index
          %get3A_752 = arith.constant 752 : index
          %get3A_753 = tpu.vector_load %arg8[%get3A_751, %get3A_752] {strides = array<i32>} : memref<8x768xf32, #tpu.memory_space<vmem>>, vector<1x16xf32>,
          %get3A_754 = vector.shape_cast %get3A_753 : vector<1x16xf32> to vector<16xf32>
          %add3A_755 = arith.addf %get3A_750, %get3A_754 : vector<16xf32>
          %swap3A_756 = arith.index_cast %scan3A_90 : i32 to index
          %swap3A_757 = arith.constant 752 : index
          %swap3A_758 = tpu.vector_load %arg10[%swap3A_756, %swap3A_757] {strides = array<i32>} : memref<8x768xf32, #tpu.memory_space<vmem>>, vector<1x16xf32>,
          %swap3A_759 = vector.shape_cast %swap3A_758 : vector<1x16xf32> to vector<16xf32>
          %swap3A_760 = vector.shape_cast %add3A_755 : vector<16xf32> to vector<1x16xf32>
          tpu.vector_store %arg10[%swap3A_756, %swap3A_757], %swap3A_760 {strides = array<i32>} : memref<8x768xf32, #tpu.memory_space<vmem>>, vector<1x16xf32>,
        }
        %scan3A_76 = arith.constant 8 : i32
        %dma_start3A = arith.constant 16 : i32
        %dma_start3A_77 = tpu.memref_slice %arg4[%dma_start3A, %mul3A_59] : memref<24x115200xf32, #tpu.memory_space<hbm>> -> memref<8x768xf32, #tpu.memory_space<hbm>>
        %dma_start3A_78 = arith.constant 16 : i32
        %dma_start3A_79 = tpu.memref_slice %arg4[%dma_start3A_78, %mul3A_59] : memref<24x115200xf32, #tpu.memory_space<hbm>> -> memref<8x768xf32, #tpu.memory_space<hbm>>
        tpu.enqueue_dma source(%arg10 : memref<8x768xf32, #tpu.memory_space<vmem>>) target(%dma_start3A_79 : memref<8x768xf32, #tpu.memory_space<hbm>>) target_semaphore(%arg14 : memref<!tpu.dma_semaphore, #tpu.memory_space<semaphore_mem>>)
        %add3A_80 = arith.constant 2 : i32
        %add3A_81 = arith.addi %add3A_46, %add3A_80 : i32
        %mul3A_82 = arith.constant 32 : i32
        %mul3A_83 = arith.muli %add3A_81, %mul3A_82 : i32
        %add3A_84 = arith.addi %add3A, %mul3A_83 : i32
        %lt3A_85 = arith.constant 150 : i32
        %lt3A_86 = arith.cmpi slt, %add3A_84, %lt3A_85 : i32
        %convert_element_type3A_87 = arith.extui %lt3A_86 : i1 to i32
        %cond3A_88 = arith.constant 0 : i32
        %cond3A_89 = arith.cmpi ne, %convert_element_type3A_87, %cond3A_88 : i32
        scf.if %cond3A_89 {
          %mul3A_90 = arith.constant 32 : i32
          %mul3A_91 = arith.muli %add3A_81, %mul3A_90 : i32
          %add3A_92 = arith.addi %add3A, %mul3A_91 : i32
          %mul3A_93 = arith.constant 768 : i32
          %mul3A_94 = arith.muli %add3A_92, %mul3A_93 : i32
          %dma_start3A_95 = arith.constant 16 : i32
          %dma_start3A_96 = tpu.memref_slice %arg2[%dma_start3A_95, %mul3A_94] : memref<24x115200xf32, #tpu.memory_space<hbm>> -> memref<8x768xf32, #tpu.memory_space<hbm>>
          %dma_start3A_97 = arith.constant 16 : i32
          %dma_start3A_98 = tpu.memref_slice %arg2[%dma_start3A_97, %mul3A_94] : memref<24x115200xf32, #tpu.memory_space<hbm>> -> memref<8x768xf32, #tpu.memory_space<hbm>>
          tpu.enqueue_dma source(%dma_start3A_98 : memref<8x768xf32, #tpu.memory_space<hbm>>) target(%arg7 : memref<8x768xf32, #tpu.memory_space<vmem>>) target_semaphore(%arg12 : memref<!tpu.dma_semaphore, #tpu.memory_space<semaphore_mem>>)
          %dma_start3A_99 = arith.constant 16 : i32
          %dma_start3A_100 = tpu.memref_slice %arg3[%dma_start3A_99, %mul3A_94] : memref<24x115200xf32, #tpu.memory_space<hbm>> -> memref<8x768xf32, #tpu.memory_space<hbm>>
          %dma_start3A_101 = arith.constant 16 : i32
          %dma_start3A_102 = tpu.memref_slice %arg3[%dma_start3A_101, %mul3A_94] : memref<24x115200xf32, #tpu.memory_space<hbm>> -> memref<8x768xf32, #tpu.memory_space<hbm>>
          tpu.enqueue_dma source(%dma_start3A_102 : memref<8x768xf32, #tpu.memory_space<hbm>>) target(%arg8 : memref<8x768xf32, #tpu.memory_space<vmem>>) target_semaphore(%arg12 : memref<!tpu.dma_semaphore, #tpu.memory_space<semaphore_mem>>)
        } else {
        }
      } else {
      }
    }
    %scan3A_15 = arith.constant 3 : i32
    %add3A_16 = arith.constant 0 : i32
    %add3A_17 = arith.addi %add3A, %add3A_16 : i32
    %lt3A_18 = arith.constant 150 : i32
    %lt3A_19 = arith.cmpi slt, %add3A_17, %lt3A_18 : i32
    %convert_element_type3A_20 = arith.extui %lt3A_19 : i1 to i32
    %cond3A_21 = arith.constant 0 : i32
    %cond3A_22 = arith.cmpi ne, %convert_element_type3A_20, %cond3A_21 : i32
    scf.if %cond3A_22 {
      %dma_wait3A = arith.constant 16 : i32
      %dma_wait3A_30 = arith.constant 0 : i32
      %dma_wait3A_31 = tpu.memref_slice %arg4[%dma_wait3A, %dma_wait3A_30] : memref<24x115200xf32, #tpu.memory_space<hbm>> -> memref<8x768xf32, #tpu.memory_space<hbm>>
      %dma_wait3A_32 = arith.constant 16 : i32
      %dma_wait3A_33 = arith.constant 0 : i32
      %dma_wait3A_34 = tpu.memref_slice %arg4[%dma_wait3A_32, %dma_wait3A_33] : memref<24x115200xf32, #tpu.memory_space<hbm>> -> memref<8x768xf32, #tpu.memory_space<hbm>>
      tpu.wait_dma2 semaphore(%arg13 : memref<!tpu.dma_semaphore, #tpu.memory_space<semaphore_mem>>) src(%arg9 : memref<8x768xf32, #tpu.memory_space<vmem>>) dst(%dma_wait3A_34 : memref<8x768xf32, #tpu.memory_space<hbm>>)
    } else {
    }
    %add3A_23 = arith.constant 32 : i32
    %add3A_24 = arith.addi %add3A, %add3A_23 : i32
    %lt3A_25 = arith.constant 150 : i32
    %lt3A_26 = arith.cmpi slt, %add3A_24, %lt3A_25 : i32
    %convert_element_type3A_27 = arith.extui %lt3A_26 : i1 to i32
    %cond3A_28 = arith.constant 0 : i32
    %cond3A_29 = arith.cmpi ne, %convert_element_type3A_27, %cond3A_28 : i32
    scf.if %cond3A_29 {
      %dma_wait3A = arith.constant 16 : i32
      %dma_wait3A_30 = arith.constant 0 : i32
      %dma_wait3A_31 = tpu.memref_slice %arg4[%dma_wait3A, %dma_wait3A_30] : memref<24x115200xf32, #tpu.memory_space<hbm>> -> memref<8x768xf32, #tpu.memory_space<hbm>>
      %dma_wait3A_32 = arith.constant 16 : i32
      %dma_wait3A_33 = arith.constant 0 : i32
      %dma_wait3A_34 = tpu.memref_slice %arg4[%dma_wait3A_32, %dma_wait3A_33] : memref<24x115200xf32, #tpu.memory_space<hbm>> -> memref<8x768xf32, #tpu.memory_space<hbm>>
      tpu.wait_dma2 semaphore(%arg14 : memref<!tpu.dma_semaphore, #tpu.memory_space<semaphore_mem>>) src(%arg10 : memref<8x768xf32, #tpu.memory_space<vmem>>) dst(%dma_wait3A_34 : memref<8x768xf32, #tpu.memory_space<hbm>>)
    } else {
    }
    return
  }
}

module attributes {stable_mosaic.version = 14 : i64} {
  func.func @_tc_body(%arg0: i32, %arg1: memref<16x38400xf32, #tpu.memory_space<vmem>>, %arg2: memref<16x38400xf32, #tpu.memory_space<vmem>>, %arg3: memref<24x115200xf32, #tpu.memory_space<any>>, %arg4: memref<16x38400xf32, #tpu.memory_space<vmem>>) attributes {dimension_semantics = [#tpu.dimension_semantics<arbitrary>], iteration_bounds = array<i64: 3>, scalar_prefetch = 0 : i64, scratch_operands = 0 : i64, tpu.core_type = #tpu.core_type<tc>, window_params = [{transform_indices = @transform_0, window_bounds = array<i64: 16, 38400>}, {transform_indices = @transform_1, window_bounds = array<i64: 16, 38400>}, {}, {transform_indices = @transform_3, window_bounds = array<i64: 16, 38400>}]} {
    %get3A = arith.constant 0 : index
    %get3A_0 = arith.constant 0 : index
    %get3A_1 = vector.load %arg1[%get3A, %get3A_0] : memref<16x38400xf32, #tpu.memory_space<vmem>>, vector<16x38400xf32>
    %get3A_2 = arith.constant 0 : index
    %get3A_3 = arith.constant 0 : index
    %get3A_4 = vector.load %arg2[%get3A_2, %get3A_3] : memref<16x38400xf32, #tpu.memory_space<vmem>>, vector<16x38400xf32>
    %add3A = arith.addf %get3A_1, %get3A_4 : vector<16x38400xf32>
    %swap3A = arith.constant 0 : index
    %swap3A_5 = arith.constant 0 : index
    %swap3A_6 = vector.load %arg4[%swap3A, %swap3A_5] : memref<16x38400xf32, #tpu.memory_space<vmem>>, vector<16x38400xf32>
    tpu.vector_store %arg4[%swap3A, %swap3A_5], %add3A {strides = array<i32>} : memref<16x38400xf32, #tpu.memory_space<vmem>>, vector<16x38400xf32>,
    return
  }
  func.func @transform_0(%arg0: i32) -> (i32, i32) {
    %c0_i32 = arith.constant 0 : i32
    %c0_i32_0 = arith.constant 0 : i32
    return %c0_i32, %arg0 : i32, i32
  }
  func.func @transform_1(%arg0: i32) -> (i32, i32) {
    %c0_i32 = arith.constant 0 : i32
    %c0_i32_0 = arith.constant 0 : i32
    return %c0_i32, %arg0 : i32, i32
  }
  func.func @transform_3(%arg0: i32) -> (i32, i32) {
    %c0_i32 = arith.constant 0 : i32
    %c0_i32_0 = arith.constant 0 : i32
    return %c0_i32, %arg0 : i32, i32
  }
}

</mosaic_0001>

<sc_bundles>
// kernel: kernel.4.cloned.1.call-start
scs
__scs_entry_jumppad:
0x0: {  	(pc) =	sbr.rel $0x88, $3  }
0x1: {  	(tag) =	ssettag $0x0;
	lr =	simm.s32 $0x1  }
0x2: {  	[smem:$0x3F9F] =	sst lr;
	_ =	strace $0xD0000000  }
0x3: {  	_ = 	snop  }
0x4: {  	_ = 	snop  }
0x5: {  	_ = 	snop  }
0x6: {  	_ = 	snop  }
0x7: {  	_ = 	snop  }
__scs_overlays_trampoline_lowered:
0x8: {  	[smem:$0x3FAE] =	sst s0  }
0x9: {  	[smem:$0x3FAF] =	sst s1  }
0xa: {  	[smem:$0x3FB0] =	sst s2  }
0xb: {  	[smem:$0x3FB1] =	sst s3  }
0xc: {  	[smem:$0x3FB2] =	sst s4  }
0xd: {  	[smem:$0x3FB3] =	sst s5  }
0xe: {  	[smem:$0x3FB4] =	sst s6  }
0xf: {  	[smem:$0x3FB5] =	sst s7  }
0x10: {  	[smem:$0x3FB6] =	sst s8  }
0x11: {  	[smem:$0x3FB7] =	sst s9;
	s0 =	simm.s32 @!p0 $0x0  }
0x12: {  	s1 =	sld [smem:$0x3F9D];
	s0 =	simm.s32 @p0 $0x1  }
0x13: {  	[smem:$0x3FB8] =	sst s0;
	s0 =	simm.s32 @!p1 $0x0  }
0x14: {  	s2 =	sld [smem:$0x3F9C];
	s0 =	simm.s32 @p1 $0x1  }
0x15: {  	[smem:$0x3FB9] =	sst s0;
	s0 =	simm.s32 @!p2 $0x0  }
0x16: {  	s3 =	sld [smem:$0x3FDB];
	s0 =	simm.s32 @p2 $0x1  }
0x17: {  	s4 =	simm.s32 $0x1BF5;
	[smem:$0x3FBB] =	sst s0  }
0x18: {  	s0 =	sld [smem:$0x3F9E];
	_ =	swait.ge [sflag:s4], $0x0  }
0x19: {  	s7 =	sld [smem:$0x3F9F]  }
0x1a: {  	s8 =	sadd.s32 $0xFFFFE003, lr  }
0x1b: {  	s9 =	sadd.s32 $0xFFFFFEF7, lr;
	s5 =	simm.s32 $0xFFFFFFFF;
	p2 =	slt.u32 s8, $0xFFFFF086  }
0x1c: {  	p1 =	slt.u32 s9, $0xF7A;
	s5 =	simm.s32 @!p2 $0x0  }
0x1d: {  	s5 =	simm.s32 @p1 $0x1;
	p0 =	seq.s32 s7, s2  }
0x1e: {  	s7 =	smul.u32 @!p0 $0xF7A, s2;
	p2 =	seq.s32 @!p0 s5, $0x0  }
0x1f: {  	s9 =	smul.u32 $0xF7A, s1;
	s8 =	simm.s32 @!p0 $0x1BF5;
	p2 =	por !p2, p0  }
0x20: {  	[sflag:s8] =	ssyncset.s32 @!p0 $0xFFFFF086;
	s6 =	sadd.s32 @!p0 s3, s7;
	s7 =	simm.s32 @!p0 $0x108  }
0x21: {  	s3 =	sadd.s32 s3, s9;
	s6 =	sadd.s32 @!p0 $0x88, s6;
	s7 =	simm.s32 @p2 $0x1082  }
0x22: {  	[simem:s7], [sflag:s8] =	dma.local @!p0 [hbm:s6], $0xF7A  }
0x23: {  	s9 =	sor.u32 $0xD0000000, s2;
	s6 =	simm.s32 $0x108;
	_ =	swait.ge @!p0 [sflag:s8], $0x0  }
0x24: {  	s3 =	sadd.s32 $0x88, s3;
	s6 =	simm.s32 @!p1 $0x1082;
	[sflag:s4] =	ssyncset.s32 $0xFFFFF086  }
0x25: {  	[simem:s6], [sflag:s4] =	dma.local [hbm:s3], $0xF7A  }
0x26: {  	[smem:$0x3F9F] =	sst s1;
	(tag) =	ssettag s2;
	_ =	strace s9  }
0x27: {  	s1 =	sld [smem:$0x3FAF]  }
0x28: {  	s2 =	sld [smem:$0x3FB0]  }
0x29: {  	s4 =	sld [smem:$0x3FB2]  }
0x2a: {  	p0 =	seq.s32 s5, $0x0;
	s5 =	sld [smem:$0x3FB3]  }
0x2b: {  	s6 =	sld [smem:$0x3FB4]  }
0x2c: {  	s7 =	sld [smem:$0x3FB5]  }
0x2d: {  	s3 =	simm.s32 $0x108;
	s8 =	sld [smem:$0x3FB6]  }
0x2e: {  	s3 =	simm.s32 @!p0 $0x1082;
	s9 =	sld [smem:$0x3FB7]  }
0x2f: {  	lr =	sadd.s32 s0, s3;
	s0 =	sld [smem:$0x3FAE]  }
0x30: {  	s3 =	sld [smem:$0x3FB1]  }
0x31: {  	[smem:$0x3FBA] =	sst s10  }
0x32: {  	s10 =	sld [smem:$0x3FB8];
	_ =	sdelay $0x3  }
0x33: {  	p0 =	seq.s32 s10, $0x1;
	s10 =	sld [smem:$0x3FBA];
	_ =	sdelay $0x3  }
0x34: {  	[smem:$0x3FBA] =	sst s10  }
0x35: {  	s10 =	sld [smem:$0x3FB9];
	_ =	sdelay $0x3  }
0x36: {  	p1 =	seq.s32 s10, $0x1;
	s10 =	sld [smem:$0x3FBA];
	_ =	sdelay $0x3  }
0x37: {  	[smem:$0x3FBA] =	sst s10  }
0x38: {  	s10 =	sld [smem:$0x3FBB]  }
0x39: {  	_ = 	snop;
	(pc) =	sbr.ind lr, $3  }
0x3a: {  	_ = 	snop  }
0x3b: {  	_ = 	snop  }
0x3c: {  	p2 =	seq.s32 s10, $0x1;
	s10 =	sld [smem:$0x3FBA]  }
0x3d: {  	_ =	shalt  }
0x3e: {  	_ =	shalt  }
0x3f: {  	_ =	shalt  }
0x40: {  	_ =	shalt  }
0x41: {  	_ =	shalt  }
0x42: {  	_ =	shalt  }
0x43: {  	_ =	shalt  }
0x44: {  	_ =	shalt  }
0x45: {  	_ =	shalt  }
0x46: {  	_ =	shalt  }
0x47: {  	_ =	shalt  }
0x48: {  	_ =	shalt  }
0x49: {  	_ =	shalt  }
0x4a: {  	_ =	shalt  }
0x4b: {  	_ =	shalt  }
0x4c: {  	_ =	shalt  }
0x4d: {  	_ =	shalt  }
0x4e: {  	_ =	shalt  }
0x4f: {  	_ =	shalt  }
0x50: {  	_ =	shalt  }
0x51: {  	_ =	shalt  }
0x52: {  	_ =	shalt  }
0x53: {  	_ =	shalt  }
0x54: {  	_ =	shalt  }
0x55: {  	_ =	shalt  }
0x56: {  	_ =	shalt  }
0x57: {  	_ =	shalt  }
0x58: {  	_ =	shalt  }
0x59: {  	_ =	shalt  }
0x5a: {  	_ =	shalt  }
0x5b: {  	_ =	shalt  }
0x5c: {  	_ =	shalt  }
0x5d: {  	_ =	shalt  }
0x5e: {  	_ =	shalt  }
0x5f: {  	_ =	shalt  }
0x60: {  	_ =	shalt  }
0x61: {  	_ =	shalt  }
0x62: {  	_ =	shalt  }
0x63: {  	_ =	shalt  }
0x64: {  	_ =	shalt  }
0x65: {  	_ =	shalt  }
0x66: {  	_ =	shalt  }
0x67: {  	_ =	shalt  }
0x68: {  	_ =	shalt  }
0x69: {  	_ =	shalt  }
0x6a: {  	_ =	shalt  }
0x6b: {  	_ =	shalt  }
0x6c: {  	_ =	shalt  }
0x6d: {  	_ =	shalt  }
0x6e: {  	_ =	shalt  }
0x6f: {  	_ =	shalt  }
0x70: {  	_ =	shalt  }
0x71: {  	_ =	shalt  }
0x72: {  	_ =	shalt  }
0x73: {  	_ =	shalt  }
0x74: {  	_ =	shalt  }
0x75: {  	_ =	shalt  }
0x76: {  	_ =	shalt  }
0x77: {  	_ =	shalt  }
0x78: {  	_ =	shalt  }
0x79: {  	_ =	shalt  }
0x7a: {  	_ =	shalt  }
0x7b: {  	_ =	shalt  }
0x7c: {  	_ =	shalt  }
0x7d: {  	_ =	shalt  }
0x7e: {  	_ =	shalt  }
0x7f: {  	_ =	shalt  }
0x80: {  	_ =	shalt  }
0x81: {  	_ =	shalt  }
0x82: {  	_ =	shalt  }
0x83: {  	_ =	shalt  }
0x84: {  	_ =	shalt  }
0x85: {  	_ =	shalt  }
0x86: {  	_ =	shalt  }
0x87: {  	_ =	shalt  }
.Lfunc_end0:
.L_simem_size_0:
called_computation_lowered:
.L_overlay_start_0:
0x88: {  	s2 =	sld [smem:$0x3FD9]  }
0x89: {  	s3 =	sld [smem:$0x3FFE];
	_ =	sdelay $0x1  }
0x8a: {  	s1 =	srdreg.scid  }
0x8b: {  	s0 =	sand.u32 $0x1, s1  }
0x8c: {  	s18 =	sshll.u32 s0, $0xA;
	s2 =	sadd.s32 s3, s2  }
0x8d: {  	s2 =	sadd.s32 s2, s18  }
0x8e: {  	[smem:$0x3FC6] =	sst s2  }
0x8f: {  	_ = 	snop  }
0x90: {  	s2 =	sld [smem:$0x3FC9]  }
0x91: {  	s19 =	sld [smem:$0x3FC8]  }
0x92: {  	s4 =	sld [smem:$0x3FD0];
	(tm) =	ssettm $0x1  }
0x93: {  	s5 =	sld [smem:$0x3FFB];
	_ =	sdelay $0x3  }
0x94: {  	_ =	strace s5  }
0x95: {  	s5 =	sld [smem:$0x3FFC];
	_ =	sdelay $0x3  }
0x96: {  	_ =	strace s5  }
0x97: {  	s5 =	sld [smem:$0x3FFD];
	_ =	sdelay $0x3  }
0x98: {  	_ =	strace s5  }
0x99: {  	_ =	strace $0x8FFFFFFF  }
0x9a: {  	s20 =	sld [smem:$0x3FDB];
	_ =	sdelay $0x1  }
0x9b: {  	s6 =	simm.s32 $_scs_section_size  }
0x9c: {  	s7 =	simm.s32 $_size__tile_overlayer_lowered;
	s8 =	simm.s32 $_tile_overlayer_lowered  }
0x9d: {  	s23 =	simm.s32 $0x1BFF;
	s22 =	sshll.u32 s8, $0x1;
	s5 =	sadd.s32 s6, s20  }
0x9e: {  	s9 =	simm.s32 $0x0;
	s21 =	sshll.u32 s7, $0x1;
	s7 =	sadd.s32 s22, s5  }
0x9f: {  	[timem:s9], [sflag:s23] =	dma.local [hbm:s7], s21  }
0xa0: {  	_ =	swait.ge [sflag:s23], s21  }
0xa1: {  	s6 =	ssub.s32 $0x0, s21;
	[sflag:s23] =	ssyncset.done $0x0  }
0xa2: {  	[sflag:s23] =	ssyncadd.s32 s6;
	_ =	sdelay $0x1  }
0xa3: {  	s24 =	simm.s32 $0x1B8B  }
0xa4: {  	_ =	swait.ge [sflag:s24], $0x1  }
0xa5: {  	[sflag:s24] =	ssyncset.done $0x0  }
0xa6: {  	s25 =	simm.s32 $0x1B8E;
	[sflag:s24] =	ssyncadd.s32 $0xFFFFFFFF  }
0xa7: {  	s26 =	simm.s32 $execute0_lowered;
	[smem:$0x3FD2] =	sst s25  }
0xa8: {  	s6 =	sshll.u32 s26, $0x1;
	_ =	strace $0x80000046;
	[dreg:$0x1] =	wrdreg $0xFFFFFFFF  }
0xa9: {  	s28 =	simm.s32 $_size_execute0_lowered;
	s5 =	sadd.s32 s5, s6;
	[dreg:$0x0] =	wrdreg $0x0  }
0xaa: {  	s6 =	sshll.u32 s28, $0x1;
	[dreg:$0x2] =	wrdreg s5  }
0xab: {  	[dreg:$0x3] =	wrdreg s6  }
0xac: {  	[dreg:$0x4] =	wrdreg $0xC0  }
0xad: {  	_ =	task [dreg:s9], $0x5FFFF  }
0xae: {  	[dreg:$0x1] =	wrdreg $0xFFFFFFFF  }
0xaf: {  	[dreg:$0x0] =	wrdreg $0x60  }
0xb0: {  	[dreg:$0x2] =	wrdreg s2  }
0xb1: {  	[dreg:$0x3] =	wrdreg s19  }
0xb2: {  	[dreg:$0x4] =	wrdreg s4  }
0xb3: {  	[dreg:$0x5] =	wrdreg $0x9  }
0xb4: {  	_ =	task.clear_ibuf [dreg:s9], $0x6FFFF;
	_ =	strace $0x90000046  }
0xb5: {  	s29 =	simm.s32 $0x9;
	_ =	strace $0x80000048  }
0xb6: {  	_ =	swait.ge [sflag:s29], $0x1  }
0xb7: {  	[sflag:s29] =	ssyncadd.s32 $0xFFFFFFFF  }
0xb8: {  	_ =	strace $0x90000048  }
0xb9: {  	_ =	sfence  }
0xba: {  	s30 =	sld [smem:$0x0];
	_ =	sdelay $0x2  }
0xbb: {  	s31 =	sshll.u32 s1, $0xD;
	s1 =	sshrl.u32 s1, $0x2  }
0xbc: {  	s3 =	sand.u32 $0x4000, s31;
	s1 =	sadd.s32 s1, s30  }
0xbd: {  	s0 =	sor.u32 s3, s0;
	s1 =	sshll.u32 s1, $0x11  }
0xbe: {  	s0 =	sor.u32 s1, s0  }
0xbf: {  	s0 =	sadd.s32 $0x8F2B, s0  }
0xc0: {  	[sflag:s0] =	ssyncadd.remote.s32 $0x1  }
0xc1: {  	_ =	sfence.sel $0xFFFF  }
0xc2: {  	[dreg:$0x0] =	wrdreg $0xFFFFFFFF;
	(pc) =	sbr.abs _section_cstart, $3  }
0xc3: {  	[dreg:$0x1] =	wrdreg $0xFFFFFFFF  }
0xc4: {  	_ =	task.clear_ibuf [dreg:s9], $0x2FFFF;
	_ =	strace $0x9FFFFFFF  }
0xc5: {  	(tm) =	ssettm $0x7FFFFFFF  }
tec
execute0_lowered:
.L_overlay_start_1:
0x0: {  	(tag) =	ssettag $0x1  }
0x1: {  	s2 =	srdreg.scid;
	s1 =	rddreg [dreg:$0x0]  }
0x2: {  	s0 =	stileid.u32;
	s3 =	rddreg [dreg:$0x1]  }
0x3: {  	s5 =	rddreg [dreg:$0x2];
	s6 =	simm.s32 $0x0;
	s14 =	simm.s32 $0x1800  }
0x4: {  	s15 =	simm.s32 $0x3000;
	s16 =	simm.s32 $0x4800;
	s17 =	simm.s32 $0x1  }
0x5: {  	s18 =	simm.s32 $0x6000;
	s19 =	simm.s32 $0x2;
	s20 =	simm.s32 $0x7800  }
0x6: {  	s21 =	simm.s32 $0x3;
	s7 =	sand.u32 $0x1, s2;
	s31 =	sshll.u32 s0, $0x1  }
0x7: {  	s22 =	simm.s32 $0x4;
	s2 =	rddreg [dreg:$0x3];
	s4 =	sor.u32 s7, s31  }
0x8: {  	s23 =	simm.s32 $0x0;
	[smem:$0x7FF] =	sst s6;
	s8 =	smul.u32 $0x1800, s4  }
.Ltmp0:
0x9: {  	s7 =	ssub.s32 $0x2, s7;
	_ =	strace $0x80000047;
	(pc) =	sbr.rel .LBB2_1-.Ltmp0, $4  }
0xa: {  	s9 =	sshrl.u32 s7, $0x1;
	s11 =	sor.u32 $0x40, s4;
	s10 =	sshrl.u32 s8, $0x3  }
0xb: {  	s12 =	sor.u32 $0x60, s4;
	s13 =	ssub.s32 s7, s9;
	s8 =	sadd.s32 $0x38400, s10  }
0xc: {  	s13 =	smax.u32 s13, $0x1;
	s10 =	sadd.s32 $0x3E400, s10;
	s7 =	sadd.s32 s1, s8  }
0xd: {  	s8 =	sadd.s32 s3, s8;
	s9 =	sadd.s32 s1, s10;
	s10 =	sadd.s32 s3, s10  }
.LBB2_11:
0xe: {  	s23 =	sadd.s32 $0x1, s23  }
0xf: {  	_ =	swait.ge [sflag:s21], $0x1800;
	p0 =	sne.s32 s23, s13  }
.Ltmp1:
0x10: {  	[sflag:s21] =	ssyncset.done $0x0;
	(pc) =	sbr.rel @!p0 .LBB2_12-.Ltmp1, $4  }
0x11: {  	[sflag:s21] =	ssyncadd.s32 $0xFFFFE800  }
0x12: {  	_ =	swait.ge [sflag:s22], $0x1800  }
0x13: {  	[sflag:s22] =	ssyncset.done $0x0  }
0x14: {  	[sflag:s22] =	ssyncadd.s32 $0xFFFFE800  }
.LBB2_1:
0x15: {  	[tilespmem:s6], [sflag:$0x1] =	stream.linear.gather [hbm4b:s7+s6], $0x1800, $0x38;
	[tilespmem:$0x9000] =	vst v63  }
0x16: {  	_ = 	snop  }
0x17: {  	[tilespmem:s14], [sflag:$0x1] =	stream.linear.gather [hbm4b:s8+s6], $0x1800, $0x38;
	[tilespmem:$0x9000] =	vst v63  }
.Ltmp2:
0x18: {  	_ = 	snop;
	(pc) =	sbr.rel .LBB2_2-.Ltmp2, $4  }
0x19: {  	_ = 	snop  }
0x1a: {  	[tilespmem:s15], [sflag:$0x2] =	stream.linear.gather [hbm4b:s9+s6], $0x1800, $0x38;
	[tilespmem:$0x9000] =	vst v63  }
0x1b: {  	s24 =	simm.s32 $0x0  }
0x1c: {  	[tilespmem:s16], [sflag:$0x2] =	stream.linear.gather [hbm4b:s10+s6], $0x1800, $0x38;
	[tilespmem:$0x9000] =	vst v63  }
.LBB2_10:
0x1d: {  	s24 =	sadd.s32 $0x1, s24  }
0x1e: {  	p0 =	sne.s32 s24, $0x3  }
.Ltmp3:
0x1f: {  	_ = 	snop;
	(pc) =	sbr.rel @!p0 .LBB2_11-.Ltmp3, $1  }
0x20: {  	_ =	sdelay $0x3  }
.LBB2_2:
0x21: {  	s25 =	sshll.u32 s24, $0x6  }
0x22: {  	s26 =	sor.u32 s4, s25  }
0x23: {  	p0 =	sgt.u32 s26, $0x95  }
.Ltmp4:
0x24: {  	_ = 	snop;
	(pc) =	sbr.rel @p0 .LBB2_6-.Ltmp4, $1  }
0x25: {  	_ =	sdelay $0x3  }
0x26: {  	_ =	swait.ge [sflag:s17], $0x1800  }
0x27: {  	[sflag:s17] =	ssyncset.done $0x0  }
0x28: {  	[sflag:s17] =	ssyncadd.s32 $0xFFFFE800  }
0x29: {  	_ =	swait.ge [sflag:s17], $0x1800  }
0x2a: {  	p0 =	seq.s32 s24, $0x0;
	[sflag:s17] =	ssyncset.done $0x0  }
0x2b: {  	s28 =	simm.s32 @!p0 $0x3;
	[sflag:s17] =	ssyncadd.s32 $0xFFFFE800  }
0x2c: {  	_ =	swait.ge @!p0 [sflag:s28], $0x1800  }
0x2d: {  	[sflag:s28] =	ssyncset.done @!p0 $0x0  }
0x2e: {  	[sflag:s28] =	ssyncadd.s32 @!p0 $0xFFFFE800;
	s28 =	simm.s32 $0x0  }
0x2f: {  	v0 =	vld [tilespmem:s28+$0x1470]  }
0x30: {  	v1 =	vld [tilespmem:s28+$0x2C70]  }
0x31: {  	v2 =	vld [tilespmem:s28+$0x0]  }
0x32: {  	v3 =	vld [tilespmem:s28+$0x1800]  }
0x33: {  	v4 =	vld [tilespmem:s28+$0x10]  }
0x34: {  	v5 =	vld [tilespmem:s28+$0x1810]  }
0x35: {  	v6 =	vld [tilespmem:s28+$0x20]  }
0x36: {  	v7 =	vld [tilespmem:s28+$0x30]  }
0x37: {  	v0 =	vadd.f32 v1, v0;
	v1 =	vld [tilespmem:s28+$0x1820]  }
0x38: {  	v2 =	vadd.f32 v3, v2;
	v3 =	vld [tilespmem:s28+$0x40]  }
0x39: {  	[tilespmem:s28+$0x7470] =	vst v0;
	v0 =	vld [tilespmem:s28+$0x1830]  }
0x3a: {  	[tilespmem:s28+$0x6000] =	vst v2;
	v2 =	vadd.f32 v5, v4;
	v4 =	vld [tilespmem:s28+$0x1840]  }
0x3b: {  	v5 =	vld [tilespmem:s28+$0x1850]  }
0x3c: {  	[tilespmem:s28+$0x6010] =	vst v2;
	v2 =	vld [tilespmem:s28+$0x50];
	v1 =	vadd.f32 v1, v6  }
0x3d: {  	v6 =	vld [tilespmem:s28+$0x1860]  }
0x3e: {  	[tilespmem:s28+$0x6020] =	vst v1;
	v0 =	vadd.f32 v0, v7;
	v1 =	vld [tilespmem:s28+$0x60]  }
0x3f: {  	v7 =	vld [tilespmem:s28+$0x2C30]  }
0x40: {  	[tilespmem:s28+$0x6030] =	vst v0;
	v0 =	vadd.f32 v4, v3;
	v3 =	vld [tilespmem:s28+$0x70]  }
0x41: {  	v4 =	vld [tilespmem:s28+$0x1870]  }
0x42: {  	[tilespmem:s28+$0x6040] =	vst v0;
	v0 =	vadd.f32 v5, v2;
	v2 =	vld [tilespmem:s28+$0x400]  }
0x43: {  	v5 =	vld [tilespmem:s28+$0x1C00]  }
0x44: {  	[tilespmem:s28+$0x6050] =	vst v0;
	v0 =	vadd.f32 v6, v1;
	v1 =	vld [tilespmem:s28+$0x410]  }
0x45: {  	v6 =	vld [tilespmem:s28+$0x1C10]  }
0x46: {  	[tilespmem:s28+$0x6060] =	vst v0;
	v0 =	vadd.f32 v4, v3;
	v3 =	vld [tilespmem:s28+$0x420]  }
0x47: {  	v4 =	vld [tilespmem:s28+$0x1C20]  }
0x48: {  	[tilespmem:s28+$0x6070] =	vst v0;
	v0 =	vadd.f32 v5, v2;
	v2 =	vld [tilespmem:s28+$0x430]  }
0x49: {  	v5 =	vld [tilespmem:s28+$0x1C30]  }
0x4a: {  	[tilespmem:s28+$0x6400] =	vst v0;
	v0 =	vadd.f32 v6, v1;
	v1 =	vld [tilespmem:s28+$0x440]  }
0x4b: {  	v6 =	vld [tilespmem:s28+$0x1C40]  }
0x4c: {  	[tilespmem:s28+$0x6410] =	vst v0;
	v0 =	vadd.f32 v4, v3;
	v3 =	vld [tilespmem:s28+$0x450]  }
0x4d: {  	v4 =	vld [tilespmem:s28+$0x1C50]  }
0x4e: {  	[tilespmem:s28+$0x6420] =	vst v0;
	v0 =	vadd.f32 v5, v2;
	v2 =	vld [tilespmem:s28+$0x460]  }
0x4f: {  	v5 =	vld [tilespmem:s28+$0x1C60]  }
0x50: {  	[tilespmem:s28+$0x6430] =	vst v0;
	v0 =	vadd.f32 v6, v1;
	v1 =	vld [tilespmem:s28+$0x470]  }
0x51: {  	v6 =	vld [tilespmem:s28+$0x1C70]  }
0x52: {  	[tilespmem:s28+$0x6440] =	vst v0;
	v0 =	vadd.f32 v4, v3;
	v3 =	vld [tilespmem:s28+$0x800]  }
0x53: {  	v4 =	vld [tilespmem:s28+$0x2000]  }
0x54: {  	[tilespmem:s28+$0x6450] =	vst v0;
	v0 =	vadd.f32 v5, v2;
	v2 =	vld [tilespmem:s28+$0x810]  }
0x55: {  	v5 =	vld [tilespmem:s28+$0x2010]  }
0x56: {  	[tilespmem:s28+$0x6460] =	vst v0;
	v0 =	vadd.f32 v6, v1;
	v1 =	vld [tilespmem:s28+$0x820]  }
0x57: {  	v6 =	vld [tilespmem:s28+$0x2020]  }
0x58: {  	[tilespmem:s28+$0x6470] =	vst v0;
	v0 =	vadd.f32 v4, v3;
	v3 =	vld [tilespmem:s28+$0x830]  }
0x59: {  	v4 =	vld [tilespmem:s28+$0x2030]  }
0x5a: {  	[tilespmem:s28+$0x6800] =	vst v0;
	v0 =	vadd.f32 v5, v2;
	v2 =	vld [tilespmem:s28+$0x840]  }
0x5b: {  	v5 =	vld [tilespmem:s28+$0x2040]  }
0x5c: {  	[tilespmem:s28+$0x6810] =	vst v0;
	v0 =	vadd.f32 v6, v1;
	v1 =	vld [tilespmem:s28+$0x850]  }
0x5d: {  	v6 =	vld [tilespmem:s28+$0x2050]  }
0x5e: {  	[tilespmem:s28+$0x6820] =	vst v0;
	v0 =	vadd.f32 v4, v3;
	v3 =	vld [tilespmem:s28+$0x860]  }
0x5f: {  	v4 =	vld [tilespmem:s28+$0x2060]  }
0x60: {  	[tilespmem:s28+$0x6830] =	vst v0;
	v0 =	vadd.f32 v5, v2;
	v2 =	vld [tilespmem:s28+$0x870]  }
0x61: {  	v5 =	vld [tilespmem:s28+$0x2070]  }
0x62: {  	[tilespmem:s28+$0x6840] =	vst v0;
	v0 =	vadd.f32 v6, v1;
	v1 =	vld [tilespmem:s28+$0xC00]  }
0x63: {  	v6 =	vld [tilespmem:s28+$0x2400]  }
0x64: {  	[tilespmem:s28+$0x6850] =	vst v0;
	v0 =	vadd.f32 v4, v3;
	v3 =	vld [tilespmem:s28+$0xC10]  }
0x65: {  	v4 =	vld [tilespmem:s28+$0x2410]  }
0x66: {  	[tilespmem:s28+$0x6860] =	vst v0;
	v0 =	vadd.f32 v5, v2;
	v2 =	vld [tilespmem:s28+$0xC20]  }
0x67: {  	v5 =	vld [tilespmem:s28+$0x2420]  }
0x68: {  	[tilespmem:s28+$0x6870] =	vst v0;
	v0 =	vadd.f32 v6, v1;
	v1 =	vld [tilespmem:s28+$0xC30]  }
0x69: {  	v6 =	vld [tilespmem:s28+$0x2430]  }
0x6a: {  	[tilespmem:s28+$0x6C00] =	vst v0;
	v0 =	vadd.f32 v4, v3;
	v3 =	vld [tilespmem:s28+$0xC40]  }
0x6b: {  	v4 =	vld [tilespmem:s28+$0x2440]  }
0x6c: {  	[tilespmem:s28+$0x6C10] =	vst v0;
	v0 =	vadd.f32 v5, v2;
	v2 =	vld [tilespmem:s28+$0xC50]  }
0x6d: {  	v5 =	vld [tilespmem:s28+$0x2450]  }
0x6e: {  	[tilespmem:s28+$0x6C20] =	vst v0;
	v0 =	vadd.f32 v6, v1;
	v1 =	vld [tilespmem:s28+$0xC60]  }
0x6f: {  	v6 =	vld [tilespmem:s28+$0x2460]  }
0x70: {  	[tilespmem:s28+$0x6C30] =	vst v0;
	v0 =	vadd.f32 v4, v3;
	v3 =	vld [tilespmem:s28+$0xC70]  }
0x71: {  	v4 =	vld [tilespmem:s28+$0x2470]  }
0x72: {  	[tilespmem:s28+$0x6C40] =	vst v0;
	v0 =	vadd.f32 v5, v2;
	v2 =	vld [tilespmem:s28+$0x1000]  }
0x73: {  	v5 =	vld [tilespmem:s28+$0x2800]  }
0x74: {  	[tilespmem:s28+$0x6C50] =	vst v0;
	v0 =	vadd.f32 v6, v1;
	v1 =	vld [tilespmem:s28+$0x1010]  }
0x75: {  	v6 =	vld [tilespmem:s28+$0x2810]  }
0x76: {  	[tilespmem:s28+$0x6C60] =	vst v0;
	v0 =	vadd.f32 v4, v3;
	v3 =	vld [tilespmem:s28+$0x1020]  }
0x77: {  	v4 =	vld [tilespmem:s28+$0x2820]  }
0x78: {  	[tilespmem:s28+$0x6C70] =	vst v0;
	v0 =	vadd.f32 v5, v2;
	v2 =	vld [tilespmem:s28+$0x1030]  }
0x79: {  	v5 =	vld [tilespmem:s28+$0x2830]  }
0x7a: {  	[tilespmem:s28+$0x7000] =	vst v0;
	v0 =	vadd.f32 v6, v1;
	v1 =	vld [tilespmem:s28+$0x1040]  }
0x7b: {  	v6 =	vld [tilespmem:s28+$0x2840]  }
0x7c: {  	[tilespmem:s28+$0x7010] =	vst v0;
	v0 =	vadd.f32 v4, v3;
	v3 =	vld [tilespmem:s28+$0x1050]  }
0x7d: {  	v4 =	vld [tilespmem:s28+$0x2850]  }
0x7e: {  	[tilespmem:s28+$0x7020] =	vst v0;
	v0 =	vadd.f32 v5, v2;
	v2 =	vld [tilespmem:s28+$0x1060]  }
0x7f: {  	v5 =	vld [tilespmem:s28+$0x2860]  }
0x80: {  	[tilespmem:s28+$0x7030] =	vst v0;
	v0 =	vadd.f32 v6, v1;
	v1 =	vld [tilespmem:s28+$0x1070]  }
0x81: {  	v6 =	vld [tilespmem:s28+$0x2870]  }
0x82: {  	[tilespmem:s28+$0x7040] =	vst v0;
	v0 =	vadd.f32 v4, v3;
	v3 =	vld [tilespmem:s28+$0x1400]  }
0x83: {  	v4 =	vld [tilespmem:s28+$0x2C00]  }
0x84: {  	[tilespmem:s28+$0x7050] =	vst v0;
	v0 =	vadd.f32 v5, v2;
	v2 =	vld [tilespmem:s28+$0x1410]  }
0x85: {  	v5 =	vld [tilespmem:s28+$0x2C10]  }
0x86: {  	[tilespmem:s28+$0x7060] =	vst v0;
	v0 =	vadd.f32 v6, v1;
	v1 =	vld [tilespmem:s28+$0x1420]  }
0x87: {  	v6 =	vld [tilespmem:s28+$0x2C20]  }
0x88: {  	[tilespmem:s28+$0x7070] =	vst v0;
	v0 =	vadd.f32 v4, v3;
	v4 =	vld [tilespmem:s28+$0x1430]  }
0x89: {  	v8 =	vld [tilespmem:s28+$0x2C40]  }
0x8a: {  	[tilespmem:s28+$0x7400] =	vst v0;
	v0 =	vadd.f32 v5, v2;
	v5 =	vld [tilespmem:s28+$0x1440]  }
0x8b: {  	v3 =	vld [tilespmem:s28+$0x2C50]  }
0x8c: {  	v2 =	vld [tilespmem:s28+$0x1450];
	[tilespmem:s28+$0x7410] =	vst v0;
	v0 =	vadd.f32 v6, v1  }
0x8d: {  	v6 =	vadd.f32 v7, v4;
	v4 =	vld [tilespmem:s28+$0x2C60]  }
0x8e: {  	s30 =	simm.s32 $0x80;
	[tilespmem:s28+$0x7420] =	vst v0;
	v0 =	vld [tilespmem:s28+$0x1460]  }
0x8f: {  	s29 =	simm.s32 $0x400;
	v1 =	vld [tilespmem:s30+$0x1470];
	[tilespmem:s28+$0x7430] =	vst v6;
	v5 =	vadd.f32 v8, v5  }
.LBB2_4:
0x90: {  	p0 =	sne.s32 s29, $0xE00;
	v6 =	vld [tilespmem:s30+$0x2C70]  }
0x91: {  	v7 =	vld [tilespmem:s30+$0x0];
	[tilespmem:s28+$0x7440] =	vst v5;
	v2 =	vadd.f32 v3, v2  }
0x92: {  	v3 =	vld [tilespmem:s30+$0x1800]  }
0x93: {  	v5 =	vld [tilespmem:s30+$0x10];
	[tilespmem:s28+$0x7450] =	vst v2;
	v0 =	vadd.f32 v4, v0  }
0x94: {  	v2 =	vld [tilespmem:s30+$0x1810]  }
0x95: {  	v4 =	vld [tilespmem:s30+$0x20];
	v1 =	vadd.f32 v6, v1;
	[tilespmem:s28+$0x7460] =	vst v0;
	s28 =	smov.u32 s30  }
0x96: {  	v0 =	vld [tilespmem:s28+$0x1820]  }
0x97: {  	v3 =	vadd.f32 v3, v7;
	v6 =	vld [tilespmem:s28+$0x30];
	[tilespmem:s28+$0x7470] =	vst v1  }
0x98: {  	v1 =	vld [tilespmem:s28+$0x1830]  }
0x99: {  	[tilespmem:s28+$0x6000] =	vst v3;
	v2 =	vadd.f32 v2, v5;
	v3 =	vld [tilespmem:s28+$0x40]  }
0x9a: {  	v5 =	vld [tilespmem:s28+$0x1840]  }
0x9b: {  	[tilespmem:s28+$0x6010] =	vst v2;
	v0 =	vadd.f32 v0, v4;
	v2 =	vld [tilespmem:s28+$0x50]  }
0x9c: {  	v4 =	vld [tilespmem:s28+$0x1850]  }
0x9d: {  	[tilespmem:s28+$0x6020] =	vst v0;
	v0 =	vadd.f32 v1, v6;
	v1 =	vld [tilespmem:s28+$0x60]  }
0x9e: {  	v6 =	vld [tilespmem:s28+$0x1860]  }
0x9f: {  	[tilespmem:s28+$0x6030] =	vst v0;
	v0 =	vadd.f32 v5, v3;
	v3 =	vld [tilespmem:s28+$0x70]  }
0xa0: {  	v5 =	vld [tilespmem:s28+$0x1870]  }
0xa1: {  	[tilespmem:s28+$0x6040] =	vst v0;
	v0 =	vadd.f32 v4, v2;
	v2 =	vld [tilespmem:s28+$0x400]  }
0xa2: {  	v4 =	vld [tilespmem:s28+$0x1C00]  }
0xa3: {  	[tilespmem:s28+$0x6050] =	vst v0;
	v0 =	vadd.f32 v6, v1;
	v1 =	vld [tilespmem:s28+$0x410]  }
0xa4: {  	v6 =	vld [tilespmem:s28+$0x1C10]  }
0xa5: {  	[tilespmem:s28+$0x6060] =	vst v0;
	v0 =	vadd.f32 v5, v3;
	v3 =	vld [tilespmem:s28+$0x420]  }
0xa6: {  	v5 =	vld [tilespmem:s28+$0x1C20]  }
0xa7: {  	[tilespmem:s28+$0x6070] =	vst v0;
	v0 =	vadd.f32 v4, v2;
	v2 =	vld [tilespmem:s28+$0x430]  }
0xa8: {  	v4 =	vld [tilespmem:s28+$0x1C30]  }
0xa9: {  	[tilespmem:s28+$0x6400] =	vst v0;
	v0 =	vadd.f32 v6, v1;
	v1 =	vld [tilespmem:s28+$0x440]  }
0xaa: {  	v6 =	vld [tilespmem:s28+$0x1C40]  }
0xab: {  	[tilespmem:s28+$0x6410] =	vst v0;
	v0 =	vadd.f32 v5, v3;
	v3 =	vld [tilespmem:s28+$0x450]  }
0xac: {  	v5 =	vld [tilespmem:s28+$0x1C50]  }
0xad: {  	[tilespmem:s28+$0x6420] =	vst v0;
	v0 =	vadd.f32 v4, v2;
	v2 =	vld [tilespmem:s28+$0x460]  }
0xae: {  	v4 =	vld [tilespmem:s28+$0x1C60]  }
0xaf: {  	[tilespmem:s28+$0x6430] =	vst v0;
	v0 =	vadd.f32 v6, v1;
	v1 =	vld [tilespmem:s28+$0x470]  }
0xb0: {  	v6 =	vld [tilespmem:s28+$0x1C70]  }
0xb1: {  	[tilespmem:s28+$0x6440] =	vst v0;
	v0 =	vadd.f32 v5, v3;
	v3 =	vld [tilespmem:s28+$0x800]  }
0xb2: {  	v5 =	vld [tilespmem:s28+$0x2000]  }
0xb3: {  	[tilespmem:s28+$0x6450] =	vst v0;
	v0 =	vadd.f32 v4, v2;
	v2 =	vld [tilespmem:s28+$0x810]  }
0xb4: {  	v4 =	vld [tilespmem:s28+$0x2010]  }
0xb5: {  	[tilespmem:s28+$0x6460] =	vst v0;
	v0 =	vadd.f32 v6, v1;
	v1 =	vld [tilespmem:s28+$0x820]  }
0xb6: {  	v6 =	vld [tilespmem:s28+$0x2020]  }
0xb7: {  	[tilespmem:s28+$0x6470] =	vst v0;
	v0 =	vadd.f32 v5, v3;
	v3 =	vld [tilespmem:s28+$0x830]  }
0xb8: {  	v5 =	vld [tilespmem:s28+$0x2030]  }
0xb9: {  	[tilespmem:s28+$0x6800] =	vst v0;
	v0 =	vadd.f32 v4, v2;
	v2 =	vld [tilespmem:s28+$0x840]  }
0xba: {  	v4 =	vld [tilespmem:s28+$0x2040]  }
0xbb: {  	[tilespmem:s28+$0x6810] =	vst v0;
	v0 =	vadd.f32 v6, v1;
	v1 =	vld [tilespmem:s28+$0x850]  }
0xbc: {  	v6 =	vld [tilespmem:s28+$0x2050]  }
0xbd: {  	[tilespmem:s28+$0x6820] =	vst v0;
	v0 =	vadd.f32 v5, v3;
	v3 =	vld [tilespmem:s28+$0x860]  }
0xbe: {  	v5 =	vld [tilespmem:s28+$0x2060]  }
0xbf: {  	[tilespmem:s28+$0x6830] =	vst v0;
	v0 =	vadd.f32 v4, v2;
	v2 =	vld [tilespmem:s28+$0x870]  }
0xc0: {  	v4 =	vld [tilespmem:s28+$0x2070]  }
0xc1: {  	[tilespmem:s28+$0x6840] =	vst v0;
	v0 =	vadd.f32 v6, v1;
	v1 =	vld [tilespmem:s28+$0xC00]  }
0xc2: {  	v6 =	vld [tilespmem:s28+$0x2400]  }
0xc3: {  	[tilespmem:s28+$0x6850] =	vst v0;
	v0 =	vadd.f32 v5, v3;
	v3 =	vld [tilespmem:s28+$0xC10]  }
0xc4: {  	v5 =	vld [tilespmem:s28+$0x2410]  }
0xc5: {  	[tilespmem:s28+$0x6860] =	vst v0;
	v0 =	vadd.f32 v4, v2;
	v2 =	vld [tilespmem:s28+$0xC20]  }
0xc6: {  	v4 =	vld [tilespmem:s28+$0x2420]  }
0xc7: {  	[tilespmem:s28+$0x6870] =	vst v0;
	v0 =	vadd.f32 v6, v1;
	v1 =	vld [tilespmem:s28+$0xC30]  }
0xc8: {  	v6 =	vld [tilespmem:s28+$0x2430]  }
0xc9: {  	[tilespmem:s28+$0x6C00] =	vst v0;
	v0 =	vadd.f32 v5, v3;
	v3 =	vld [tilespmem:s28+$0xC40]  }
0xca: {  	v5 =	vld [tilespmem:s28+$0x2440]  }
0xcb: {  	[tilespmem:s28+$0x6C10] =	vst v0;
	v0 =	vadd.f32 v4, v2;
	v2 =	vld [tilespmem:s28+$0xC50]  }
0xcc: {  	v4 =	vld [tilespmem:s28+$0x2450]  }
0xcd: {  	[tilespmem:s28+$0x6C20] =	vst v0;
	v0 =	vadd.f32 v6, v1;
	v1 =	vld [tilespmem:s28+$0xC60]  }
0xce: {  	v6 =	vld [tilespmem:s28+$0x2460]  }
0xcf: {  	[tilespmem:s28+$0x6C30] =	vst v0;
	v0 =	vadd.f32 v5, v3;
	v3 =	vld [tilespmem:s28+$0xC70]  }
0xd0: {  	v5 =	vld [tilespmem:s28+$0x2470]  }
0xd1: {  	[tilespmem:s28+$0x6C40] =	vst v0;
	v0 =	vadd.f32 v4, v2;
	v2 =	vld [tilespmem:s28+$0x1000]  }
0xd2: {  	v4 =	vld [tilespmem:s28+$0x2800]  }
0xd3: {  	[tilespmem:s28+$0x6C50] =	vst v0;
	v0 =	vadd.f32 v6, v1;
	v1 =	vld [tilespmem:s28+$0x1010]  }
0xd4: {  	v6 =	vld [tilespmem:s28+$0x2810]  }
0xd5: {  	[tilespmem:s28+$0x6C60] =	vst v0;
	v0 =	vadd.f32 v5, v3;
	v3 =	vld [tilespmem:s28+$0x1020]  }
0xd6: {  	v5 =	vld [tilespmem:s28+$0x2820]  }
0xd7: {  	[tilespmem:s28+$0x6C70] =	vst v0;
	v0 =	vadd.f32 v4, v2;
	v2 =	vld [tilespmem:s28+$0x1030]  }
0xd8: {  	v4 =	vld [tilespmem:s28+$0x2830]  }
0xd9: {  	[tilespmem:s28+$0x7000] =	vst v0;
	v0 =	vadd.f32 v6, v1;
	v1 =	vld [tilespmem:s28+$0x1040]  }
0xda: {  	v6 =	vld [tilespmem:s28+$0x2840]  }
0xdb: {  	[tilespmem:s28+$0x7010] =	vst v0;
	v0 =	vadd.f32 v5, v3;
	v3 =	vld [tilespmem:s28+$0x1050]  }
0xdc: {  	v5 =	vld [tilespmem:s28+$0x2850]  }
0xdd: {  	[tilespmem:s28+$0x7020] =	vst v0;
	v0 =	vadd.f32 v4, v2;
	v2 =	vld [tilespmem:s28+$0x1060]  }
0xde: {  	v4 =	vld [tilespmem:s28+$0x2860]  }
0xdf: {  	[tilespmem:s28+$0x7030] =	vst v0;
	v0 =	vadd.f32 v6, v1;
	v1 =	vld [tilespmem:s28+$0x1070]  }
0xe0: {  	v6 =	vld [tilespmem:s28+$0x2870]  }
0xe1: {  	[tilespmem:s28+$0x7040] =	vst v0;
	v0 =	vadd.f32 v5, v3;
	v3 =	vld [tilespmem:s28+$0x1400]  }
0xe2: {  	v5 =	vld [tilespmem:s28+$0x2C00]  }
0xe3: {  	[tilespmem:s28+$0x7050] =	vst v0;
	v0 =	vadd.f32 v4, v2;
	v2 =	vld [tilespmem:s28+$0x1410]  }
0xe4: {  	v4 =	vld [tilespmem:s28+$0x2C10]  }
0xe5: {  	[tilespmem:s28+$0x7060] =	vst v0;
	v0 =	vadd.f32 v6, v1;
	v1 =	vld [tilespmem:s28+$0x1420]  }
0xe6: {  	v6 =	vld [tilespmem:s28+$0x2C20]  }
0xe7: {  	[tilespmem:s28+$0x7070] =	vst v0;
	v0 =	vadd.f32 v5, v3;
	v5 =	vld [tilespmem:s28+$0x1430]  }
0xe8: {  	v7 =	vld [tilespmem:s28+$0x2C30]  }
0xe9: {  	[tilespmem:s28+$0x7400] =	vst v0;
	v0 =	vadd.f32 v4, v2;
	v8 =	vld [tilespmem:s28+$0x1440]  }
0xea: {  	v9 =	vld [tilespmem:s28+$0x2C40]  }
.Ltmp5:
0xeb: {  	[tilespmem:s28+$0x7410] =	vst v0;
	v0 =	vadd.f32 v6, v1;
	v2 =	vld [tilespmem:s28+$0x1450];
	(pc) =	sbr.rel @p0 .LBB2_4-.Ltmp5, $4  }
0xec: {  	v3 =	vld [tilespmem:s28+$0x2C50]  }
0xed: {  	[tilespmem:s28+$0x7420] =	vst v0;
	v5 =	vadd.f32 v7, v5;
	v0 =	vld [tilespmem:s28+$0x1460]  }
0xee: {  	s30 =	sshra.s32 s29, $0x2;
	v4 =	vld [tilespmem:s28+$0x2C60]  }
0xef: {  	s29 =	sadd.s32 $0x200, s29;
	v1 =	vld [tilespmem:s30+$0x1470];
	[tilespmem:s28+$0x7430] =	vst v5;
	v5 =	vadd.f32 v9, v8  }
0xf0: {  	v6 =	vld [tilespmem:s30+$0x2C70]  }
0xf1: {  	v7 =	vld [tilespmem:s30+$0x0];
	[tilespmem:s28+$0x7440] =	vst v5;
	v2 =	vadd.f32 v3, v2  }
0xf2: {  	v44 =	vld [tilespmem:s30+$0x1800]  }
0xf3: {  	v5 =	vld [tilespmem:s30+$0x10];
	[tilespmem:s28+$0x7450] =	vst v2;
	v0 =	vadd.f32 v4, v0  }
0xf4: {  	v2 =	vld [tilespmem:s30+$0x1810]  }
0xf5: {  	v45 =	vld [tilespmem:s30+$0x20];
	[tilespmem:s28+$0x7460] =	vst v0  }
0xf6: {  	v47 =	vld [tilespmem:s30+$0x1820]  }
0xf7: {  	v48 =	vld [tilespmem:s30+$0x30]  }
0xf8: {  	v49 =	vld [tilespmem:s30+$0x1830]  }
0xf9: {  	v50 =	vld [tilespmem:s30+$0x40]  }
0xfa: {  	v51 =	vld [tilespmem:s30+$0x1840]  }
0xfb: {  	v52 =	vld [tilespmem:s30+$0x50]  }
0xfc: {  	v53 =	vld [tilespmem:s30+$0x1850]  }
0xfd: {  	v54 =	vld [tilespmem:s30+$0x60]  }
0xfe: {  	v55 =	vld [tilespmem:s30+$0x1860]  }
0xff: {  	v57 =	vld [tilespmem:s30+$0x70]  }
0x100: {  	v58 =	vld [tilespmem:s30+$0x1870]  }
0x101: {  	v60 =	vld [tilespmem:s30+$0x400]  }
0x102: {  	v61 =	vld [tilespmem:s30+$0x1C00]  }
0x103: {  	v63 =	vld [tilespmem:s30+$0x410]  }
0x104: {  	v9 =	vld [tilespmem:s30+$0x1C10]  }
0x105: {  	v11 =	vld [tilespmem:s30+$0x420]  }
0x106: {  	v12 =	vld [tilespmem:s30+$0x1C20]  }
0x107: {  	v14 =	vld [tilespmem:s30+$0x430]  }
0x108: {  	v15 =	vld [tilespmem:s30+$0x1C30]  }
0x109: {  	v17 =	vld [tilespmem:s30+$0x440]  }
0x10a: {  	v18 =	vld [tilespmem:s30+$0x1C40]  }
0x10b: {  	v20 =	vld [tilespmem:s30+$0x450]  }
0x10c: {  	v21 =	vld [tilespmem:s30+$0x1C50]  }
0x10d: {  	v23 =	vld [tilespmem:s30+$0x460]  }
0x10e: {  	v24 =	vld [tilespmem:s30+$0x1C60]  }
0x10f: {  	v26 =	vld [tilespmem:s30+$0x470]  }
0x110: {  	v27 =	vld [tilespmem:s30+$0x1C70]  }
0x111: {  	v29 =	vld [tilespmem:s30+$0x800]  }
0x112: {  	v30 =	vld [tilespmem:s30+$0x2000]  }
0x113: {  	v32 =	vld [tilespmem:s30+$0x810]  }
0x114: {  	v33 =	vld [tilespmem:s30+$0x2010]  }
0x115: {  	v35 =	vld [tilespmem:s30+$0x820]  }
0x116: {  	v36 =	vld [tilespmem:s30+$0x2020]  }
0x117: {  	v38 =	vld [tilespmem:s30+$0x830]  }
0x118: {  	v39 =	vld [tilespmem:s30+$0x2030]  }
0x119: {  	v41 =	vld [tilespmem:s30+$0x840]  }
0x11a: {  	v42 =	vld [tilespmem:s30+$0x2040]  }
0x11b: {  	v3 =	vadd.f32 v44, v7;
	v44 =	vld [tilespmem:s30+$0x850]  }
0x11c: {  	v46 =	vadd.f32 v6, v1;
	v1 =	vadd.f32 v47, v45;
	v45 =	vld [tilespmem:s30+$0x2050]  }
0x11d: {  	v47 =	vld [tilespmem:s30+$0x860]  }
0x11e: {  	v0 =	vadd.f32 v49, v48;
	v48 =	vld [tilespmem:s30+$0x2060]  }
0x11f: {  	v56 =	vadd.f32 v51, v50;
	v50 =	vld [tilespmem:s30+$0x870]  }
0x120: {  	v51 =	vld [tilespmem:s30+$0x2070]  }
0x121: {  	v59 =	vadd.f32 v53, v52;
	v53 =	vld [tilespmem:s30+$0xC00]  }
0x122: {  	v62 =	vadd.f32 v55, v54;
	v54 =	vld [tilespmem:s30+$0x2400]  }
0x123: {  	v10 =	vadd.f32 v58, v57;
	v57 =	vld [tilespmem:s30+$0x2410]  }
0x124: {  	v13 =	vadd.f32 v61, v60;
	v60 =	vld [tilespmem:s30+$0x2420]  }
0x125: {  	v16 =	vadd.f32 v9, v63;
	v63 =	vld [tilespmem:s30+$0x2430]  }
0x126: {  	[tilespmem:s30+$0x7470] =	vst v46;
	v2 =	vadd.f32 v2, v5;
	v9 =	vld [tilespmem:s30+$0xC40]  }
0x127: {  	[tilespmem:s30+$0x6000] =	vst v3;
	v19 =	vadd.f32 v12, v11;
	v12 =	vld [tilespmem:s30+$0xC50]  }
0x128: {  	[tilespmem:s30+$0x6010] =	vst v2;
	v22 =	vadd.f32 v15, v14;
	v15 =	vld [tilespmem:s30+$0xC60]  }
0x129: {  	v25 =	vadd.f32 v18, v17;
	v18 =	vld [tilespmem:s30+$0xC70];
	[tilespmem:s30+$0x6020] =	vst v1  }
0x12a: {  	v28 =	vadd.f32 v21, v20;
	v21 =	vld [tilespmem:s30+$0x1000];
	[tilespmem:s30+$0x6030] =	vst v0  }
0x12b: {  	v31 =	vadd.f32 v24, v23;
	v24 =	vld [tilespmem:s30+$0x1010];
	[tilespmem:s30+$0x6040] =	vst v56  }
0x12c: {  	v34 =	vadd.f32 v27, v26;
	v27 =	vld [tilespmem:s30+$0x1020];
	[tilespmem:s30+$0x6050] =	vst v59  }
0x12d: {  	v37 =	vadd.f32 v30, v29;
	v30 =	vld [tilespmem:s30+$0x1030];
	[tilespmem:s30+$0x6060] =	vst v62  }
0x12e: {  	v40 =	vadd.f32 v33, v32;
	v33 =	vld [tilespmem:s30+$0x1040];
	[tilespmem:s30+$0x6070] =	vst v10  }
0x12f: {  	v43 =	vadd.f32 v36, v35;
	v36 =	vld [tilespmem:s30+$0x1050];
	[tilespmem:s30+$0x6400] =	vst v13  }
0x130: {  	v46 =	vadd.f32 v39, v38;
	v39 =	vld [tilespmem:s30+$0x1060];
	[tilespmem:s30+$0x6410] =	vst v16  }
0x131: {  	v49 =	vadd.f32 v42, v41;
	v42 =	vld [tilespmem:s30+$0x1070];
	[tilespmem:s30+$0x6420] =	vst v19  }
0x132: {  	[tilespmem:s30+$0x6430] =	vst v22;
	v56 =	vld [tilespmem:s30+$0xC10]  }
0x133: {  	[tilespmem:s30+$0x6440] =	vst v25;
	v59 =	vld [tilespmem:s30+$0xC20]  }
0x134: {  	[tilespmem:s30+$0x6450] =	vst v28;
	v62 =	vld [tilespmem:s30+$0xC30]  }
0x135: {  	[tilespmem:s30+$0x6460] =	vst v31;
	v10 =	vld [tilespmem:s30+$0x2440]  }
0x136: {  	[tilespmem:s30+$0x6470] =	vst v34;
	v13 =	vld [tilespmem:s30+$0x2450]  }
0x137: {  	[tilespmem:s30+$0x6800] =	vst v37;
	v16 =	vld [tilespmem:s30+$0x2460]  }
0x138: {  	[tilespmem:s30+$0x6810] =	vst v40;
	v19 =	vld [tilespmem:s30+$0x2470]  }
0x139: {  	[tilespmem:s30+$0x6820] =	vst v43;
	v22 =	vld [tilespmem:s30+$0x2800]  }
0x13a: {  	[tilespmem:s30+$0x6830] =	vst v46;
	v25 =	vld [tilespmem:s30+$0x2810];
	v52 =	vadd.f32 v45, v44  }
0x13b: {  	[tilespmem:s30+$0x6840] =	vst v49;
	v28 =	vld [tilespmem:s30+$0x2820];
	v55 =	vadd.f32 v48, v47  }
0x13c: {  	v31 =	vld [tilespmem:s30+$0x2830];
	v58 =	vadd.f32 v51, v50;
	[tilespmem:s30+$0x6850] =	vst v52  }
0x13d: {  	v34 =	vld [tilespmem:s30+$0x2840];
	v61 =	vadd.f32 v54, v53;
	[tilespmem:s30+$0x6860] =	vst v55  }
0x13e: {  	v37 =	vld [tilespmem:s30+$0x2850];
	[tilespmem:s30+$0x6870] =	vst v58;
	v8 =	vadd.f32 v57, v56  }
0x13f: {  	v40 =	vld [tilespmem:s30+$0x2860];
	[tilespmem:s30+$0x6C00] =	vst v61;
	v11 =	vadd.f32 v60, v59  }
0x140: {  	v43 =	vld [tilespmem:s30+$0x2870];
	v14 =	vadd.f32 v63, v62;
	[tilespmem:s30+$0x6C10] =	vst v8  }
0x141: {  	v46 =	vld [tilespmem:s30+$0x2C00];
	v17 =	vadd.f32 v10, v9;
	[tilespmem:s30+$0x6C20] =	vst v11  }
0x142: {  	v49 =	vld [tilespmem:s30+$0x2C10];
	v20 =	vadd.f32 v13, v12;
	[tilespmem:s30+$0x6C30] =	vst v14  }
0x143: {  	v45 =	vld [tilespmem:s30+$0x1400];
	v23 =	vadd.f32 v16, v15;
	[tilespmem:s30+$0x6C40] =	vst v17  }
0x144: {  	v48 =	vld [tilespmem:s30+$0x1410];
	v26 =	vadd.f32 v19, v18;
	[tilespmem:s30+$0x6C50] =	vst v20  }
0x145: {  	v51 =	vld [tilespmem:s30+$0x1420];
	v29 =	vadd.f32 v22, v21;
	[tilespmem:s30+$0x6C60] =	vst v23  }
0x146: {  	v54 =	vld [tilespmem:s30+$0x1430];
	v32 =	vadd.f32 v25, v24;
	[tilespmem:s30+$0x6C70] =	vst v26  }
0x147: {  	v35 =	vadd.f32 v28, v27;
	v52 =	vld [tilespmem:s30+$0x2C20];
	[tilespmem:s30+$0x7000] =	vst v29  }
0x148: {  	v38 =	vadd.f32 v31, v30;
	v55 =	vld [tilespmem:s30+$0x2C30];
	[tilespmem:s30+$0x7010] =	vst v32  }
0x149: {  	v41 =	vadd.f32 v34, v33;
	v57 =	vld [tilespmem:s30+$0x1440];
	[tilespmem:s30+$0x7020] =	vst v35  }
0x14a: {  	v44 =	vadd.f32 v37, v36;
	v58 =	vld [tilespmem:s30+$0x2C40];
	[tilespmem:s30+$0x7030] =	vst v38  }
0x14b: {  	v47 =	vadd.f32 v40, v39;
	v60 =	vld [tilespmem:s30+$0x1450];
	[tilespmem:s30+$0x7040] =	vst v41  }
0x14c: {  	v50 =	vadd.f32 v43, v42;
	v61 =	vld [tilespmem:s30+$0x2C50];
	[tilespmem:s30+$0x7050] =	vst v44  }
0x14d: {  	v62 =	vld [tilespmem:s30+$0x1460];
	[tilespmem:s30+$0x7060] =	vst v47;
	v53 =	vadd.f32 v46, v45  }
0x14e: {  	v63 =	vld [tilespmem:s30+$0x2C60];
	[tilespmem:s30+$0x7070] =	vst v50;
	v56 =	vadd.f32 v49, v48  }
0x14f: {  	[tilespmem:s30+$0x7400] =	vst v53;
	v59 =	vadd.f32 v52, v51  }
0x150: {  	[tilespmem:s30+$0x7410] =	vst v56;
	v3 =	vadd.f32 v55, v54  }
0x151: {  	s31 =	smul.u32 $0x1800, s26;
	v2 =	vadd.f32 v58, v57;
	[tilespmem:s30+$0x7420] =	vst v59  }
0x152: {  	v1 =	vadd.f32 v61, v60;
	[tilespmem:s30+$0x7430] =	vst v3  }
0x153: {  	s29 =	sadd.s32 s11, s25;
	s28 =	sshrl.u32 s31, $0x3;
	v0 =	vadd.f32 v63, v62;
	[tilespmem:s30+$0x7440] =	vst v2  }
0x154: {  	p0 =	sgt.u32 s29, $0x95;
	s28 =	sadd.s32 s5, s28;
	[tilespmem:s30+$0x7450] =	vst v1  }
0x155: {  	s29 =	smul.u32 @!p0 $0x1800, s29;
	s28 =	sadd.s32 $0x38400, s28;
	[tilespmem:s30+$0x7460] =	vst v0  }
0x156: {  	[hbm4b:s28+s6] =	stream.linear.scatter [tilespmem:s18], [sflag:$0x3], $0x1800, $0x38;
	[tilespmem:$0x9000] =	vst v63  }
0x157: {  	s28 =	sshrl.u32 @!p0 s29, $0x3  }
0x158: {  	s28 =	sadd.s32 @!p0 $0x38400, s28  }
0x159: {  	s30 =	simm.s32 @!p0 $0x0;
	s29 =	sadd.s32 @!p0 s1, s28  }
0x15a: {  	[tilespmem:s30], [sflag:$0x1] =	stream.linear.gather @!p0 [hbm4b:s29+s30], $0x1800, $0x38;
	[tilespmem:$0x9000] =	vst v63  }
0x15b: {  	s28 =	sadd.s32 @!p0 s3, s28;
	s29 =	simm.s32 @!p0 $0x1800  }
0x15c: {  	[tilespmem:s29], [sflag:$0x1] =	stream.linear.gather @!p0 [hbm4b:s28+s30], $0x1800, $0x38;
	[tilespmem:$0x9000] =	vst v63  }
.LBB2_6:
0x15d: {  	s26 =	sor.u32 $0x20, s26  }
0x15e: {  	p0 =	sgt.u32 s26, $0x95  }
.Ltmp6:
0x15f: {  	_ = 	snop;
	(pc) =	sbr.rel @p0 .LBB2_10-.Ltmp6, $1  }
0x160: {  	_ =	sdelay $0x3  }
0x161: {  	_ =	swait.ge [sflag:s19], $0x1800  }
0x162: {  	[sflag:s19] =	ssyncset.done $0x0  }
0x163: {  	[sflag:s19] =	ssyncadd.s32 $0xFFFFE800  }
0x164: {  	_ =	swait.ge [sflag:s19], $0x1800  }
0x165: {  	p0 =	seq.s32 s24, $0x0;
	[sflag:s19] =	ssyncset.done $0x0  }
0x166: {  	s28 =	simm.s32 @!p0 $0x4;
	[sflag:s19] =	ssyncadd.s32 $0xFFFFE800  }
0x167: {  	_ =	swait.ge @!p0 [sflag:s28], $0x1800  }
0x168: {  	[sflag:s28] =	ssyncset.done @!p0 $0x0  }
0x169: {  	[sflag:s28] =	ssyncadd.s32 @!p0 $0xFFFFE800;
	s28 =	simm.s32 $0x0  }
0x16a: {  	v0 =	vld [tilespmem:s28+$0x4470]  }
0x16b: {  	v1 =	vld [tilespmem:s28+$0x5C70]  }
0x16c: {  	v2 =	vld [tilespmem:s28+$0x3000]  }
0x16d: {  	v3 =	vld [tilespmem:s28+$0x4800]  }
0x16e: {  	v4 =	vld [tilespmem:s28+$0x3010]  }
0x16f: {  	v5 =	vld [tilespmem:s28+$0x4810]  }
0x170: {  	v6 =	vld [tilespmem:s28+$0x3020]  }
0x171: {  	v7 =	vld [tilespmem:s28+$0x3030]  }
0x172: {  	v0 =	vadd.f32 v1, v0;
	v1 =	vld [tilespmem:s28+$0x4820]  }
0x173: {  	v2 =	vadd.f32 v3, v2;
	v3 =	vld [tilespmem:s28+$0x3040]  }
0x174: {  	[tilespmem:s28+$0x8C70] =	vst v0;
	v0 =	vld [tilespmem:s28+$0x4830]  }
0x175: {  	[tilespmem:s28+$0x7800] =	vst v2;
	v2 =	vadd.f32 v5, v4;
	v4 =	vld [tilespmem:s28+$0x4840]  }
0x176: {  	v5 =	vld [tilespmem:s28+$0x4850]  }
0x177: {  	[tilespmem:s28+$0x7810] =	vst v2;
	v2 =	vld [tilespmem:s28+$0x3050];
	v1 =	vadd.f32 v1, v6  }
0x178: {  	v6 =	vld [tilespmem:s28+$0x4860]  }
0x179: {  	[tilespmem:s28+$0x7820] =	vst v1;
	v0 =	vadd.f32 v0, v7;
	v1 =	vld [tilespmem:s28+$0x3060]  }
0x17a: {  	v7 =	vld [tilespmem:s28+$0x5C30]  }
0x17b: {  	[tilespmem:s28+$0x7830] =	vst v0;
	v0 =	vadd.f32 v4, v3;
	v3 =	vld [tilespmem:s28+$0x3070]  }
0x17c: {  	v4 =	vld [tilespmem:s28+$0x4870]  }
0x17d: {  	[tilespmem:s28+$0x7840] =	vst v0;
	v0 =	vadd.f32 v5, v2;
	v2 =	vld [tilespmem:s28+$0x3400]  }
0x17e: {  	v5 =	vld [tilespmem:s28+$0x4C00]  }
0x17f: {  	[tilespmem:s28+$0x7850] =	vst v0;
	v0 =	vadd.f32 v6, v1;
	v1 =	vld [tilespmem:s28+$0x3410]  }
0x180: {  	v6 =	vld [tilespmem:s28+$0x4C10]  }
0x181: {  	[tilespmem:s28+$0x7860] =	vst v0;
	v0 =	vadd.f32 v4, v3;
	v3 =	vld [tilespmem:s28+$0x3420]  }
0x182: {  	v4 =	vld [tilespmem:s28+$0x4C20]  }
0x183: {  	[tilespmem:s28+$0x7870] =	vst v0;
	v0 =	vadd.f32 v5, v2;
	v2 =	vld [tilespmem:s28+$0x3430]  }
0x184: {  	v5 =	vld [tilespmem:s28+$0x4C30]  }
0x185: {  	[tilespmem:s28+$0x7C00] =	vst v0;
	v0 =	vadd.f32 v6, v1;
	v1 =	vld [tilespmem:s28+$0x3440]  }
0x186: {  	v6 =	vld [tilespmem:s28+$0x4C40]  }
0x187: {  	[tilespmem:s28+$0x7C10] =	vst v0;
	v0 =	vadd.f32 v4, v3;
	v3 =	vld [tilespmem:s28+$0x3450]  }
0x188: {  	v4 =	vld [tilespmem:s28+$0x4C50]  }
0x189: {  	[tilespmem:s28+$0x7C20] =	vst v0;
	v0 =	vadd.f32 v5, v2;
	v2 =	vld [tilespmem:s28+$0x3460]  }
0x18a: {  	v5 =	vld [tilespmem:s28+$0x4C60]  }
0x18b: {  	[tilespmem:s28+$0x7C30] =	vst v0;
	v0 =	vadd.f32 v6, v1;
	v1 =	vld [tilespmem:s28+$0x3470]  }
0x18c: {  	v6 =	vld [tilespmem:s28+$0x4C70]  }
0x18d: {  	[tilespmem:s28+$0x7C40] =	vst v0;
	v0 =	vadd.f32 v4, v3;
	v3 =	vld [tilespmem:s28+$0x3800]  }
0x18e: {  	v4 =	vld [tilespmem:s28+$0x5000]  }
0x18f: {  	[tilespmem:s28+$0x7C50] =	vst v0;
	v0 =	vadd.f32 v5, v2;
	v2 =	vld [tilespmem:s28+$0x3810]  }
0x190: {  	v5 =	vld [tilespmem:s28+$0x5010]  }
0x191: {  	[tilespmem:s28+$0x7C60] =	vst v0;
	v0 =	vadd.f32 v6, v1;
	v1 =	vld [tilespmem:s28+$0x3820]  }
0x192: {  	v6 =	vld [tilespmem:s28+$0x5020]  }
0x193: {  	[tilespmem:s28+$0x7C70] =	vst v0;
	v0 =	vadd.f32 v4, v3;
	v3 =	vld [tilespmem:s28+$0x3830]  }
0x194: {  	v4 =	vld [tilespmem:s28+$0x5030]  }
0x195: {  	[tilespmem:s28+$0x8000] =	vst v0;
	v0 =	vadd.f32 v5, v2;
	v2 =	vld [tilespmem:s28+$0x3840]  }
0x196: {  	v5 =	vld [tilespmem:s28+$0x5040]  }
0x197: {  	[tilespmem:s28+$0x8010] =	vst v0;
	v0 =	vadd.f32 v6, v1;
	v1 =	vld [tilespmem:s28+$0x3850]  }
0x198: {  	v6 =	vld [tilespmem:s28+$0x5050]  }
0x199: {  	[tilespmem:s28+$0x8020] =	vst v0;
	v0 =	vadd.f32 v4, v3;
	v3 =	vld [tilespmem:s28+$0x3860]  }
0x19a: {  	v4 =	vld [tilespmem:s28+$0x5060]  }
0x19b: {  	[tilespmem:s28+$0x8030] =	vst v0;
	v0 =	vadd.f32 v5, v2;
	v2 =	vld [tilespmem:s28+$0x3870]  }
0x19c: {  	v5 =	vld [tilespmem:s28+$0x5070]  }
0x19d: {  	[tilespmem:s28+$0x8040] =	vst v0;
	v0 =	vadd.f32 v6, v1;
	v1 =	vld [tilespmem:s28+$0x3C00]  }
0x19e: {  	v6 =	vld [tilespmem:s28+$0x5400]  }
0x19f: {  	[tilespmem:s28+$0x8050] =	vst v0;
	v0 =	vadd.f32 v4, v3;
	v3 =	vld [tilespmem:s28+$0x3C10]  }
0x1a0: {  	v4 =	vld [tilespmem:s28+$0x5410]  }
0x1a1: {  	[tilespmem:s28+$0x8060] =	vst v0;
	v0 =	vadd.f32 v5, v2;
	v2 =	vld [tilespmem:s28+$0x3C20]  }
0x1a2: {  	v5 =	vld [tilespmem:s28+$0x5420]  }
0x1a3: {  	[tilespmem:s28+$0x8070] =	vst v0;
	v0 =	vadd.f32 v6, v1;
	v1 =	vld [tilespmem:s28+$0x3C30]  }
0x1a4: {  	v6 =	vld [tilespmem:s28+$0x5430]  }
0x1a5: {  	[tilespmem:s28+$0x8400] =	vst v0;
	v0 =	vadd.f32 v4, v3;
	v3 =	vld [tilespmem:s28+$0x3C40]  }
0x1a6: {  	v4 =	vld [tilespmem:s28+$0x5440]  }
0x1a7: {  	[tilespmem:s28+$0x8410] =	vst v0;
	v0 =	vadd.f32 v5, v2;
	v2 =	vld [tilespmem:s28+$0x3C50]  }
0x1a8: {  	v5 =	vld [tilespmem:s28+$0x5450]  }
0x1a9: {  	[tilespmem:s28+$0x8420] =	vst v0;
	v0 =	vadd.f32 v6, v1;
	v1 =	vld [tilespmem:s28+$0x3C60]  }
0x1aa: {  	v6 =	vld [tilespmem:s28+$0x5460]  }
0x1ab: {  	[tilespmem:s28+$0x8430] =	vst v0;
	v0 =	vadd.f32 v4, v3;
	v3 =	vld [tilespmem:s28+$0x3C70]  }
0x1ac: {  	v4 =	vld [tilespmem:s28+$0x5470]  }
0x1ad: {  	[tilespmem:s28+$0x8440] =	vst v0;
	v0 =	vadd.f32 v5, v2;
	v2 =	vld [tilespmem:s28+$0x4000]  }
0x1ae: {  	v5 =	vld [tilespmem:s28+$0x5800]  }
0x1af: {  	[tilespmem:s28+$0x8450] =	vst v0;
	v0 =	vadd.f32 v6, v1;
	v1 =	vld [tilespmem:s28+$0x4010]  }
0x1b0: {  	v6 =	vld [tilespmem:s28+$0x5810]  }
0x1b1: {  	[tilespmem:s28+$0x8460] =	vst v0;
	v0 =	vadd.f32 v4, v3;
	v3 =	vld [tilespmem:s28+$0x4020]  }
0x1b2: {  	v4 =	vld [tilespmem:s28+$0x5820]  }
0x1b3: {  	[tilespmem:s28+$0x8470] =	vst v0;
	v0 =	vadd.f32 v5, v2;
	v2 =	vld [tilespmem:s28+$0x4030]  }
0x1b4: {  	v5 =	vld [tilespmem:s28+$0x5830]  }
0x1b5: {  	[tilespmem:s28+$0x8800] =	vst v0;
	v0 =	vadd.f32 v6, v1;
	v1 =	vld [tilespmem:s28+$0x4040]  }
0x1b6: {  	v6 =	vld [tilespmem:s28+$0x5840]  }
0x1b7: {  	[tilespmem:s28+$0x8810] =	vst v0;
	v0 =	vadd.f32 v4, v3;
	v3 =	vld [tilespmem:s28+$0x4050]  }
0x1b8: {  	v4 =	vld [tilespmem:s28+$0x5850]  }
0x1b9: {  	[tilespmem:s28+$0x8820] =	vst v0;
	v0 =	vadd.f32 v5, v2;
	v2 =	vld [tilespmem:s28+$0x4060]  }
0x1ba: {  	v5 =	vld [tilespmem:s28+$0x5860]  }
0x1bb: {  	[tilespmem:s28+$0x8830] =	vst v0;
	v0 =	vadd.f32 v6, v1;
	v1 =	vld [tilespmem:s28+$0x4070]  }
0x1bc: {  	v6 =	vld [tilespmem:s28+$0x5870]  }
0x1bd: {  	[tilespmem:s28+$0x8840] =	vst v0;
	v0 =	vadd.f32 v4, v3;
	v3 =	vld [tilespmem:s28+$0x4400]  }
0x1be: {  	v4 =	vld [tilespmem:s28+$0x5C00]  }
0x1bf: {  	[tilespmem:s28+$0x8850] =	vst v0;
	v0 =	vadd.f32 v5, v2;
	v2 =	vld [tilespmem:s28+$0x4410]  }
0x1c0: {  	v5 =	vld [tilespmem:s28+$0x5C10]  }
0x1c1: {  	[tilespmem:s28+$0x8860] =	vst v0;
	v0 =	vadd.f32 v6, v1;
	v1 =	vld [tilespmem:s28+$0x4420]  }
0x1c2: {  	v6 =	vld [tilespmem:s28+$0x5C20]  }
0x1c3: {  	[tilespmem:s28+$0x8870] =	vst v0;
	v0 =	vadd.f32 v4, v3;
	v4 =	vld [tilespmem:s28+$0x4430]  }
0x1c4: {  	v8 =	vld [tilespmem:s28+$0x5C40]  }
0x1c5: {  	[tilespmem:s28+$0x8C00] =	vst v0;
	v0 =	vadd.f32 v5, v2;
	v5 =	vld [tilespmem:s28+$0x4440]  }
0x1c6: {  	v3 =	vld [tilespmem:s28+$0x5C50]  }
0x1c7: {  	v2 =	vld [tilespmem:s28+$0x4450];
	[tilespmem:s28+$0x8C10] =	vst v0;
	v0 =	vadd.f32 v6, v1  }
0x1c8: {  	v6 =	vadd.f32 v7, v4;
	v4 =	vld [tilespmem:s28+$0x5C60]  }
0x1c9: {  	s30 =	simm.s32 $0x80;
	[tilespmem:s28+$0x8C20] =	vst v0;
	v0 =	vld [tilespmem:s28+$0x4460]  }
0x1ca: {  	s29 =	simm.s32 $0x400;
	v1 =	vld [tilespmem:s30+$0x4470];
	[tilespmem:s28+$0x8C30] =	vst v6;
	v5 =	vadd.f32 v8, v5  }
.LBB2_8:
0x1cb: {  	p0 =	sne.s32 s29, $0xE00;
	v6 =	vld [tilespmem:s30+$0x5C70]  }
0x1cc: {  	v7 =	vld [tilespmem:s30+$0x3000];
	[tilespmem:s28+$0x8C40] =	vst v5;
	v2 =	vadd.f32 v3, v2  }
0x1cd: {  	v3 =	vld [tilespmem:s30+$0x4800]  }
0x1ce: {  	v5 =	vld [tilespmem:s30+$0x3010];
	[tilespmem:s28+$0x8C50] =	vst v2;
	v0 =	vadd.f32 v4, v0  }
0x1cf: {  	v2 =	vld [tilespmem:s30+$0x4810]  }
0x1d0: {  	v4 =	vld [tilespmem:s30+$0x3020];
	v1 =	vadd.f32 v6, v1;
	[tilespmem:s28+$0x8C60] =	vst v0;
	s28 =	smov.u32 s30  }
0x1d1: {  	v0 =	vld [tilespmem:s28+$0x4820]  }
0x1d2: {  	v3 =	vadd.f32 v3, v7;
	v6 =	vld [tilespmem:s28+$0x3030];
	[tilespmem:s28+$0x8C70] =	vst v1  }
0x1d3: {  	v1 =	vld [tilespmem:s28+$0x4830]  }
0x1d4: {  	[tilespmem:s28+$0x7800] =	vst v3;
	v2 =	vadd.f32 v2, v5;
	v3 =	vld [tilespmem:s28+$0x3040]  }
0x1d5: {  	v5 =	vld [tilespmem:s28+$0x4840]  }
0x1d6: {  	[tilespmem:s28+$0x7810] =	vst v2;
	v0 =	vadd.f32 v0, v4;
	v2 =	vld [tilespmem:s28+$0x3050]  }
0x1d7: {  	v4 =	vld [tilespmem:s28+$0x4850]  }
0x1d8: {  	[tilespmem:s28+$0x7820] =	vst v0;
	v0 =	vadd.f32 v1, v6;
	v1 =	vld [tilespmem:s28+$0x3060]  }
0x1d9: {  	v6 =	vld [tilespmem:s28+$0x4860]  }
0x1da: {  	[tilespmem:s28+$0x7830] =	vst v0;
	v0 =	vadd.f32 v5, v3;
	v3 =	vld [tilespmem:s28+$0x3070]  }
0x1db: {  	v5 =	vld [tilespmem:s28+$0x4870]  }
0x1dc: {  	[tilespmem:s28+$0x7840] =	vst v0;
	v0 =	vadd.f32 v4, v2;
	v2 =	vld [tilespmem:s28+$0x3400]  }
0x1dd: {  	v4 =	vld [tilespmem:s28+$0x4C00]  }
0x1de: {  	[tilespmem:s28+$0x7850] =	vst v0;
	v0 =	vadd.f32 v6, v1;
	v1 =	vld [tilespmem:s28+$0x3410]  }
0x1df: {  	v6 =	vld [tilespmem:s28+$0x4C10]  }
0x1e0: {  	[tilespmem:s28+$0x7860] =	vst v0;
	v0 =	vadd.f32 v5, v3;
	v3 =	vld [tilespmem:s28+$0x3420]  }
0x1e1: {  	v5 =	vld [tilespmem:s28+$0x4C20]  }
0x1e2: {  	[tilespmem:s28+$0x7870] =	vst v0;
	v0 =	vadd.f32 v4, v2;
	v2 =	vld [tilespmem:s28+$0x3430]  }
0x1e3: {  	v4 =	vld [tilespmem:s28+$0x4C30]  }
0x1e4: {  	[tilespmem:s28+$0x7C00] =	vst v0;
	v0 =	vadd.f32 v6, v1;
	v1 =	vld [tilespmem:s28+$0x3440]  }
0x1e5: {  	v6 =	vld [tilespmem:s28+$0x4C40]  }
0x1e6: {  	[tilespmem:s28+$0x7C10] =	vst v0;
	v0 =	vadd.f32 v5, v3;
	v3 =	vld [tilespmem:s28+$0x3450]  }
0x1e7: {  	v5 =	vld [tilespmem:s28+$0x4C50]  }
0x1e8: {  	[tilespmem:s28+$0x7C20] =	vst v0;
	v0 =	vadd.f32 v4, v2;
	v2 =	vld [tilespmem:s28+$0x3460]  }
0x1e9: {  	v4 =	vld [tilespmem:s28+$0x4C60]  }
0x1ea: {  	[tilespmem:s28+$0x7C30] =	vst v0;
	v0 =	vadd.f32 v6, v1;
	v1 =	vld [tilespmem:s28+$0x3470]  }
0x1eb: {  	v6 =	vld [tilespmem:s28+$0x4C70]  }
0x1ec: {  	[tilespmem:s28+$0x7C40] =	vst v0;
	v0 =	vadd.f32 v5, v3;
	v3 =	vld [tilespmem:s28+$0x3800]  }
0x1ed: {  	v5 =	vld [tilespmem:s28+$0x5000]  }
0x1ee: {  	[tilespmem:s28+$0x7C50] =	vst v0;
	v0 =	vadd.f32 v4, v2;
	v2 =	vld [tilespmem:s28+$0x3810]  }
0x1ef: {  	v4 =	vld [tilespmem:s28+$0x5010]  }
0x1f0: {  	[tilespmem:s28+$0x7C60] =	vst v0;
	v0 =	vadd.f32 v6, v1;
	v1 =	vld [tilespmem:s28+$0x3820]  }
0x1f1: {  	v6 =	vld [tilespmem:s28+$0x5020]  }
0x1f2: {  	[tilespmem:s28+$0x7C70] =	vst v0;
	v0 =	vadd.f32 v5, v3;
	v3 =	vld [tilespmem:s28+$0x3830]  }
0x1f3: {  	v5 =	vld [tilespmem:s28+$0x5030]  }
0x1f4: {  	[tilespmem:s28+$0x8000] =	vst v0;
	v0 =	vadd.f32 v4, v2;
	v2 =	vld [tilespmem:s28+$0x3840]  }
0x1f5: {  	v4 =	vld [tilespmem:s28+$0x5040]  }
0x1f6: {  	[tilespmem:s28+$0x8010] =	vst v0;
	v0 =	vadd.f32 v6, v1;
	v1 =	vld [tilespmem:s28+$0x3850]  }
0x1f7: {  	v6 =	vld [tilespmem:s28+$0x5050]  }
0x1f8: {  	[tilespmem:s28+$0x8020] =	vst v0;
	v0 =	vadd.f32 v5, v3;
	v3 =	vld [tilespmem:s28+$0x3860]  }
0x1f9: {  	v5 =	vld [tilespmem:s28+$0x5060]  }
0x1fa: {  	[tilespmem:s28+$0x8030] =	vst v0;
	v0 =	vadd.f32 v4, v2;
	v2 =	vld [tilespmem:s28+$0x3870]  }
0x1fb: {  	v4 =	vld [tilespmem:s28+$0x5070]  }
0x1fc: {  	[tilespmem:s28+$0x8040] =	vst v0;
	v0 =	vadd.f32 v6, v1;
	v1 =	vld [tilespmem:s28+$0x3C00]  }
0x1fd: {  	v6 =	vld [tilespmem:s28+$0x5400]  }
0x1fe: {  	[tilespmem:s28+$0x8050] =	vst v0;
	v0 =	vadd.f32 v5, v3;
	v3 =	vld [tilespmem:s28+$0x3C10]  }
0x1ff: {  	v5 =	vld [tilespmem:s28+$0x5410]  }
0x200: {  	[tilespmem:s28+$0x8060] =	vst v0;
	v0 =	vadd.f32 v4, v2;
	v2 =	vld [tilespmem:s28+$0x3C20]  }
0x201: {  	v4 =	vld [tilespmem:s28+$0x5420]  }
0x202: {  	[tilespmem:s28+$0x8070] =	vst v0;
	v0 =	vadd.f32 v6, v1;
	v1 =	vld [tilespmem:s28+$0x3C30]  }
0x203: {  	v6 =	vld [tilespmem:s28+$0x5430]  }
0x204: {  	[tilespmem:s28+$0x8400] =	vst v0;
	v0 =	vadd.f32 v5, v3;
	v3 =	vld [tilespmem:s28+$0x3C40]  }
0x205: {  	v5 =	vld [tilespmem:s28+$0x5440]  }
0x206: {  	[tilespmem:s28+$0x8410] =	vst v0;
	v0 =	vadd.f32 v4, v2;
	v2 =	vld [tilespmem:s28+$0x3C50]  }
0x207: {  	v4 =	vld [tilespmem:s28+$0x5450]  }
0x208: {  	[tilespmem:s28+$0x8420] =	vst v0;
	v0 =	vadd.f32 v6, v1;
	v1 =	vld [tilespmem:s28+$0x3C60]  }
0x209: {  	v6 =	vld [tilespmem:s28+$0x5460]  }
0x20a: {  	[tilespmem:s28+$0x8430] =	vst v0;
	v0 =	vadd.f32 v5, v3;
	v3 =	vld [tilespmem:s28+$0x3C70]  }
0x20b: {  	v5 =	vld [tilespmem:s28+$0x5470]  }
0x20c: {  	[tilespmem:s28+$0x8440] =	vst v0;
	v0 =	vadd.f32 v4, v2;
	v2 =	vld [tilespmem:s28+$0x4000]  }
0x20d: {  	v4 =	vld [tilespmem:s28+$0x5800]  }
0x20e: {  	[tilespmem:s28+$0x8450] =	vst v0;
	v0 =	vadd.f32 v6, v1;
	v1 =	vld [tilespmem:s28+$0x4010]  }
0x20f: {  	v6 =	vld [tilespmem:s28+$0x5810]  }
0x210: {  	[tilespmem:s28+$0x8460] =	vst v0;
	v0 =	vadd.f32 v5, v3;
	v3 =	vld [tilespmem:s28+$0x4020]  }
0x211: {  	v5 =	vld [tilespmem:s28+$0x5820]  }
0x212: {  	[tilespmem:s28+$0x8470] =	vst v0;
	v0 =	vadd.f32 v4, v2;
	v2 =	vld [tilespmem:s28+$0x4030]  }
0x213: {  	v4 =	vld [tilespmem:s28+$0x5830]  }
0x214: {  	[tilespmem:s28+$0x8800] =	vst v0;
	v0 =	vadd.f32 v6, v1;
	v1 =	vld [tilespmem:s28+$0x4040]  }
0x215: {  	v6 =	vld [tilespmem:s28+$0x5840]  }
0x216: {  	[tilespmem:s28+$0x8810] =	vst v0;
	v0 =	vadd.f32 v5, v3;
	v3 =	vld [tilespmem:s28+$0x4050]  }
0x217: {  	v5 =	vld [tilespmem:s28+$0x5850]  }
0x218: {  	[tilespmem:s28+$0x8820] =	vst v0;
	v0 =	vadd.f32 v4, v2;
	v2 =	vld [tilespmem:s28+$0x4060]  }
0x219: {  	v4 =	vld [tilespmem:s28+$0x5860]  }
0x21a: {  	[tilespmem:s28+$0x8830] =	vst v0;
	v0 =	vadd.f32 v6, v1;
	v1 =	vld [tilespmem:s28+$0x4070]  }
0x21b: {  	v6 =	vld [tilespmem:s28+$0x5870]  }
0x21c: {  	[tilespmem:s28+$0x8840] =	vst v0;
	v0 =	vadd.f32 v5, v3;
	v3 =	vld [tilespmem:s28+$0x4400]  }
0x21d: {  	v5 =	vld [tilespmem:s28+$0x5C00]  }
0x21e: {  	[tilespmem:s28+$0x8850] =	vst v0;
	v0 =	vadd.f32 v4, v2;
	v2 =	vld [tilespmem:s28+$0x4410]  }
0x21f: {  	v4 =	vld [tilespmem:s28+$0x5C10]  }
0x220: {  	[tilespmem:s28+$0x8860] =	vst v0;
	v0 =	vadd.f32 v6, v1;
	v1 =	vld [tilespmem:s28+$0x4420]  }
0x221: {  	v6 =	vld [tilespmem:s28+$0x5C20]  }
0x222: {  	[tilespmem:s28+$0x8870] =	vst v0;
	v0 =	vadd.f32 v5, v3;
	v5 =	vld [tilespmem:s28+$0x4430]  }
0x223: {  	v7 =	vld [tilespmem:s28+$0x5C30]  }
0x224: {  	[tilespmem:s28+$0x8C00] =	vst v0;
	v0 =	vadd.f32 v4, v2;
	v8 =	vld [tilespmem:s28+$0x4440]  }
0x225: {  	v9 =	vld [tilespmem:s28+$0x5C40]  }
.Ltmp7:
0x226: {  	[tilespmem:s28+$0x8C10] =	vst v0;
	v0 =	vadd.f32 v6, v1;
	v2 =	vld [tilespmem:s28+$0x4450];
	(pc) =	sbr.rel @p0 .LBB2_8-.Ltmp7, $4  }
0x227: {  	v3 =	vld [tilespmem:s28+$0x5C50]  }
0x228: {  	[tilespmem:s28+$0x8C20] =	vst v0;
	v5 =	vadd.f32 v7, v5;
	v0 =	vld [tilespmem:s28+$0x4460]  }
0x229: {  	s30 =	sshra.s32 s29, $0x2;
	v4 =	vld [tilespmem:s28+$0x5C60]  }
0x22a: {  	s29 =	sadd.s32 $0x200, s29;
	v1 =	vld [tilespmem:s30+$0x4470];
	[tilespmem:s28+$0x8C30] =	vst v5;
	v5 =	vadd.f32 v9, v8  }
0x22b: {  	v6 =	vld [tilespmem:s30+$0x5C70]  }
0x22c: {  	v7 =	vld [tilespmem:s30+$0x3000];
	[tilespmem:s28+$0x8C40] =	vst v5;
	v2 =	vadd.f32 v3, v2  }
0x22d: {  	v44 =	vld [tilespmem:s30+$0x4800]  }
0x22e: {  	v5 =	vld [tilespmem:s30+$0x3010];
	[tilespmem:s28+$0x8C50] =	vst v2;
	v0 =	vadd.f32 v4, v0  }
0x22f: {  	v2 =	vld [tilespmem:s30+$0x4810]  }
0x230: {  	v45 =	vld [tilespmem:s30+$0x3020];
	[tilespmem:s28+$0x8C60] =	vst v0  }
0x231: {  	v47 =	vld [tilespmem:s30+$0x4820]  }
0x232: {  	v48 =	vld [tilespmem:s30+$0x3030]  }
0x233: {  	v49 =	vld [tilespmem:s30+$0x4830]  }
0x234: {  	v50 =	vld [tilespmem:s30+$0x3040]  }
0x235: {  	v51 =	vld [tilespmem:s30+$0x4840]  }
0x236: {  	v52 =	vld [tilespmem:s30+$0x3050]  }
0x237: {  	v53 =	vld [tilespmem:s30+$0x4850]  }
0x238: {  	v54 =	vld [tilespmem:s30+$0x3060]  }
0x239: {  	v55 =	vld [tilespmem:s30+$0x4860]  }
0x23a: {  	v57 =	vld [tilespmem:s30+$0x3070]  }
0x23b: {  	v58 =	vld [tilespmem:s30+$0x4870]  }
0x23c: {  	v60 =	vld [tilespmem:s30+$0x3400]  }
0x23d: {  	v61 =	vld [tilespmem:s30+$0x4C00]  }
0x23e: {  	v63 =	vld [tilespmem:s30+$0x3410]  }
0x23f: {  	v9 =	vld [tilespmem:s30+$0x4C10]  }
0x240: {  	v11 =	vld [tilespmem:s30+$0x3420]  }
0x241: {  	v12 =	vld [tilespmem:s30+$0x4C20]  }
0x242: {  	v14 =	vld [tilespmem:s30+$0x3430]  }
0x243: {  	v15 =	vld [tilespmem:s30+$0x4C30]  }
0x244: {  	v17 =	vld [tilespmem:s30+$0x3440]  }
0x245: {  	v18 =	vld [tilespmem:s30+$0x4C40]  }
0x246: {  	v20 =	vld [tilespmem:s30+$0x3450]  }
0x247: {  	v21 =	vld [tilespmem:s30+$0x4C50]  }
0x248: {  	v23 =	vld [tilespmem:s30+$0x3460]  }
0x249: {  	v24 =	vld [tilespmem:s30+$0x4C60]  }
0x24a: {  	v26 =	vld [tilespmem:s30+$0x3470]  }
0x24b: {  	v27 =	vld [tilespmem:s30+$0x4C70]  }
0x24c: {  	v29 =	vld [tilespmem:s30+$0x3800]  }
0x24d: {  	v30 =	vld [tilespmem:s30+$0x5000]  }
0x24e: {  	v32 =	vld [tilespmem:s30+$0x3810]  }
0x24f: {  	v33 =	vld [tilespmem:s30+$0x5010]  }
0x250: {  	v35 =	vld [tilespmem:s30+$0x3820]  }
0x251: {  	v36 =	vld [tilespmem:s30+$0x5020]  }
0x252: {  	v38 =	vld [tilespmem:s30+$0x3830]  }
0x253: {  	v39 =	vld [tilespmem:s30+$0x5030]  }
0x254: {  	v41 =	vld [tilespmem:s30+$0x3840]  }
0x255: {  	v42 =	vld [tilespmem:s30+$0x5040]  }
0x256: {  	v3 =	vadd.f32 v44, v7;
	v44 =	vld [tilespmem:s30+$0x3850]  }
0x257: {  	v46 =	vadd.f32 v6, v1;
	v1 =	vadd.f32 v47, v45;
	v45 =	vld [tilespmem:s30+$0x5050]  }
0x258: {  	v47 =	vld [tilespmem:s30+$0x3860]  }
0x259: {  	v0 =	vadd.f32 v49, v48;
	v48 =	vld [tilespmem:s30+$0x5060]  }
0x25a: {  	v56 =	vadd.f32 v51, v50;
	v50 =	vld [tilespmem:s30+$0x3870]  }
0x25b: {  	v51 =	vld [tilespmem:s30+$0x5070]  }
0x25c: {  	v59 =	vadd.f32 v53, v52;
	v53 =	vld [tilespmem:s30+$0x3C00]  }
0x25d: {  	v62 =	vadd.f32 v55, v54;
	v54 =	vld [tilespmem:s30+$0x5400]  }
0x25e: {  	v10 =	vadd.f32 v58, v57;
	v57 =	vld [tilespmem:s30+$0x5410]  }
0x25f: {  	v13 =	vadd.f32 v61, v60;
	v60 =	vld [tilespmem:s30+$0x5420]  }
0x260: {  	v16 =	vadd.f32 v9, v63;
	v63 =	vld [tilespmem:s30+$0x5430]  }
0x261: {  	[tilespmem:s30+$0x8C70] =	vst v46;
	v2 =	vadd.f32 v2, v5;
	v9 =	vld [tilespmem:s30+$0x3C40]  }
0x262: {  	[tilespmem:s30+$0x7800] =	vst v3;
	v19 =	vadd.f32 v12, v11;
	v12 =	vld [tilespmem:s30+$0x3C50]  }
0x263: {  	[tilespmem:s30+$0x7810] =	vst v2;
	v22 =	vadd.f32 v15, v14;
	v15 =	vld [tilespmem:s30+$0x3C60]  }
0x264: {  	v25 =	vadd.f32 v18, v17;
	v18 =	vld [tilespmem:s30+$0x3C70];
	[tilespmem:s30+$0x7820] =	vst v1  }
0x265: {  	v28 =	vadd.f32 v21, v20;
	v21 =	vld [tilespmem:s30+$0x4000];
	[tilespmem:s30+$0x7830] =	vst v0  }
0x266: {  	v31 =	vadd.f32 v24, v23;
	v24 =	vld [tilespmem:s30+$0x4010];
	[tilespmem:s30+$0x7840] =	vst v56  }
0x267: {  	v34 =	vadd.f32 v27, v26;
	v27 =	vld [tilespmem:s30+$0x4020];
	[tilespmem:s30+$0x7850] =	vst v59  }
0x268: {  	v37 =	vadd.f32 v30, v29;
	v30 =	vld [tilespmem:s30+$0x4030];
	[tilespmem:s30+$0x7860] =	vst v62  }
0x269: {  	v40 =	vadd.f32 v33, v32;
	v33 =	vld [tilespmem:s30+$0x4040];
	[tilespmem:s30+$0x7870] =	vst v10  }
0x26a: {  	v43 =	vadd.f32 v36, v35;
	v36 =	vld [tilespmem:s30+$0x4050];
	[tilespmem:s30+$0x7C00] =	vst v13  }
0x26b: {  	v46 =	vadd.f32 v39, v38;
	v39 =	vld [tilespmem:s30+$0x4060];
	[tilespmem:s30+$0x7C10] =	vst v16  }
0x26c: {  	v49 =	vadd.f32 v42, v41;
	v42 =	vld [tilespmem:s30+$0x4070];
	[tilespmem:s30+$0x7C20] =	vst v19  }
0x26d: {  	[tilespmem:s30+$0x7C30] =	vst v22;
	v56 =	vld [tilespmem:s30+$0x3C10]  }
0x26e: {  	[tilespmem:s30+$0x7C40] =	vst v25;
	v59 =	vld [tilespmem:s30+$0x3C20]  }
0x26f: {  	[tilespmem:s30+$0x7C50] =	vst v28;
	v62 =	vld [tilespmem:s30+$0x3C30]  }
0x270: {  	[tilespmem:s30+$0x7C60] =	vst v31;
	v10 =	vld [tilespmem:s30+$0x5440]  }
0x271: {  	[tilespmem:s30+$0x7C70] =	vst v34;
	v13 =	vld [tilespmem:s30+$0x5450]  }
0x272: {  	[tilespmem:s30+$0x8000] =	vst v37;
	v16 =	vld [tilespmem:s30+$0x5460]  }
0x273: {  	[tilespmem:s30+$0x8010] =	vst v40;
	v19 =	vld [tilespmem:s30+$0x5470]  }
0x274: {  	[tilespmem:s30+$0x8020] =	vst v43;
	v22 =	vld [tilespmem:s30+$0x5800]  }
0x275: {  	[tilespmem:s30+$0x8030] =	vst v46;
	v25 =	vld [tilespmem:s30+$0x5810];
	v52 =	vadd.f32 v45, v44  }
0x276: {  	[tilespmem:s30+$0x8040] =	vst v49;
	v28 =	vld [tilespmem:s30+$0x5820];
	v55 =	vadd.f32 v48, v47  }
0x277: {  	v31 =	vld [tilespmem:s30+$0x5830];
	v58 =	vadd.f32 v51, v50;
	[tilespmem:s30+$0x8050] =	vst v52  }
0x278: {  	v34 =	vld [tilespmem:s30+$0x5840];
	v61 =	vadd.f32 v54, v53;
	[tilespmem:s30+$0x8060] =	vst v55  }
0x279: {  	v37 =	vld [tilespmem:s30+$0x5850];
	[tilespmem:s30+$0x8070] =	vst v58;
	v8 =	vadd.f32 v57, v56  }
0x27a: {  	v40 =	vld [tilespmem:s30+$0x5860];
	[tilespmem:s30+$0x8400] =	vst v61;
	v11 =	vadd.f32 v60, v59  }
0x27b: {  	v43 =	vld [tilespmem:s30+$0x5870];
	v14 =	vadd.f32 v63, v62;
	[tilespmem:s30+$0x8410] =	vst v8  }
0x27c: {  	v46 =	vld [tilespmem:s30+$0x5C00];
	v17 =	vadd.f32 v10, v9;
	[tilespmem:s30+$0x8420] =	vst v11  }
0x27d: {  	v49 =	vld [tilespmem:s30+$0x5C10];
	v20 =	vadd.f32 v13, v12;
	[tilespmem:s30+$0x8430] =	vst v14  }
0x27e: {  	v45 =	vld [tilespmem:s30+$0x4400];
	v23 =	vadd.f32 v16, v15;
	[tilespmem:s30+$0x8440] =	vst v17  }
0x27f: {  	v48 =	vld [tilespmem:s30+$0x4410];
	v26 =	vadd.f32 v19, v18;
	[tilespmem:s30+$0x8450] =	vst v20  }
0x280: {  	v51 =	vld [tilespmem:s30+$0x4420];
	v29 =	vadd.f32 v22, v21;
	[tilespmem:s30+$0x8460] =	vst v23  }
0x281: {  	v54 =	vld [tilespmem:s30+$0x4430];
	v32 =	vadd.f32 v25, v24;
	[tilespmem:s30+$0x8470] =	vst v26  }
0x282: {  	v35 =	vadd.f32 v28, v27;
	v52 =	vld [tilespmem:s30+$0x5C20];
	[tilespmem:s30+$0x8800] =	vst v29  }
0x283: {  	v38 =	vadd.f32 v31, v30;
	v55 =	vld [tilespmem:s30+$0x5C30];
	[tilespmem:s30+$0x8810] =	vst v32  }
0x284: {  	v41 =	vadd.f32 v34, v33;
	v57 =	vld [tilespmem:s30+$0x4440];
	[tilespmem:s30+$0x8820] =	vst v35  }
0x285: {  	v44 =	vadd.f32 v37, v36;
	v58 =	vld [tilespmem:s30+$0x5C40];
	[tilespmem:s30+$0x8830] =	vst v38  }
0x286: {  	v47 =	vadd.f32 v40, v39;
	v60 =	vld [tilespmem:s30+$0x4450];
	[tilespmem:s30+$0x8840] =	vst v41  }
0x287: {  	v50 =	vadd.f32 v43, v42;
	v61 =	vld [tilespmem:s30+$0x5C50];
	[tilespmem:s30+$0x8850] =	vst v44  }
0x288: {  	v62 =	vld [tilespmem:s30+$0x4460];
	[tilespmem:s30+$0x8860] =	vst v47;
	v53 =	vadd.f32 v46, v45  }
0x289: {  	v63 =	vld [tilespmem:s30+$0x5C60];
	[tilespmem:s30+$0x8870] =	vst v50;
	v56 =	vadd.f32 v49, v48  }
0x28a: {  	[tilespmem:s30+$0x8C00] =	vst v53;
	v59 =	vadd.f32 v52, v51  }
0x28b: {  	[tilespmem:s30+$0x8C10] =	vst v56;
	v3 =	vadd.f32 v55, v54  }
0x28c: {  	s26 =	smul.u32 $0x1800, s26;
	s25 =	sadd.s32 s12, s25;
	v2 =	vadd.f32 v58, v57;
	[tilespmem:s30+$0x8C20] =	vst v59  }
0x28d: {  	p0 =	sgt.u32 s25, $0x95;
	v1 =	vadd.f32 v61, v60;
	[tilespmem:s30+$0x8C30] =	vst v3  }
0x28e: {  	s26 =	sshrl.u32 s26, $0x3;
	s25 =	smul.u32 @!p0 $0x1800, s25;
	v0 =	vadd.f32 v63, v62;
	[tilespmem:s30+$0x8C40] =	vst v2  }
0x28f: {  	s26 =	sadd.s32 s5, s26;
	[tilespmem:s30+$0x8C50] =	vst v1  }
0x290: {  	s26 =	sadd.s32 $0x38400, s26;
	s25 =	sshrl.u32 @!p0 s25, $0x3;
	[tilespmem:s30+$0x8C60] =	vst v0  }
0x291: {  	[hbm4b:s26+s6] =	stream.linear.scatter [tilespmem:s20], [sflag:$0x4], $0x1800, $0x38;
	[tilespmem:$0x9000] =	vst v63  }
.Ltmp8:
0x292: {  	s25 =	sadd.s32 @!p0 $0x38400, s25;
	(pc) =	sbr.rel .LBB2_10-.Ltmp8, $4  }
0x293: {  	s29 =	simm.s32 @!p0 $0x3000;
	s28 =	simm.s32 @!p0 $0x0;
	s26 =	sadd.s32 @!p0 s1, s25  }
0x294: {  	[tilespmem:s29], [sflag:$0x2] =	stream.linear.gather @!p0 [hbm4b:s26+s28], $0x1800, $0x38;
	[tilespmem:$0x9000] =	vst v63  }
0x295: {  	s25 =	sadd.s32 @!p0 s3, s25;
	s26 =	simm.s32 @!p0 $0x4800  }
0x296: {  	[tilespmem:s26], [sflag:$0x2] =	stream.linear.gather @!p0 [hbm4b:s25+s28], $0x1800, $0x38;
	[tilespmem:$0x9000] =	vst v63  }
.LBB2_12:
0x297: {  	_ =	sfence.sel $0x180000  }
0x298: {  	[bflag:$0x0] =	sbarrier.arrive $0xFFFF  }
0x299: {  	p0 =	sne.s32 s0, $0x0;
	_ =	strace $0x90000047  }
0x29a: {  	s0 =	sadd.s32 @!p0 $0x100000, s2;
	[bflag:$0x2] =	sbarrier.arrive $0xFFFF  }
0x29b: {  	[sflag:s0] =	ssyncadd.tile.s32 @!p0 $0x1;
	_ =	shalt  }
.Lfunc_end2:
_tile_overlayer_lowered:
.L_overlay_start_2:
0x29c: {  	(tag) =	ssettag $0x2  }
0x29d: {  	s0 =	rddreg [dreg:$0x0];
	s2 =	stileid.u32  }
0x29e: {  	s1 =	rddreg [dreg:$0x1];
	p0 =	sne.s32 s2, $0x0  }
0x29f: {  	s3 =	rddreg [dreg:$0x2];
	[bflag:$0x3] =	sbarrier.arrive $0xFFFF;
	s2 =	simm.s32 @!p0 $0x1C05  }
0x2a0: {  	[timem:s3], [sflag:s2] =	dma.local @!p0 [hbm:s0], s1  }
0x2a1: {  	s0 =	simm.s32 @!p0 $0x5  }
0x2a2: {  	_ =	swait.ge @!p0 [sflag:s0], s1  }
0x2a3: {  	s1 =	ssub.s32 @!p0 $0x0, s1;
	[sflag:s0] =	ssyncset.done @!p0 $0x0  }
0x2a4: {  	[sflag:s0] =	ssyncadd.s32 @!p0 s1  }
0x2a5: {  	[bflag:$0x3] =	sbarrier.arrive $0xFFFF  }
0x2a6: {  	_ =	shalt  }

</sc_bundles>
